<compile_context>
chip_gen: v7x
topology: tpu7x:2x2x1
jax: 0.10.2.dev20260603
libtpu: 0.0.44.dev20260713+nightly
codegen_flags: <defaults>
</compile_context>

<pallas_src>
import jax
import jax.numpy as jnp
from jax import lax
from jax.experimental import pallas as pl
from jax.experimental.pallas import tpu as pltpu
from jax.experimental.pallas import tpu_sc as plsc

N = 10000
E = 320000
D = 128
H = 128
C = 64
G = 128

NC = 2
NS = 16
NW = NC * NS
CH = 128
K = 80
K0 = 152
K1 = 8
GK = 8
EPAD = NW * K * CH
NPAD = 10240
RPT = NPAD // NS
BR = 1000
NB = N // BR

def _mesh():
    return plsc.VectorSubcoreMesh(core_axis_name="c", subcore_axis_name="s",
                                  num_cores=NC, num_subcores=NS)



def _deg_body(dst_hbm, zeros_hbm, ones_hbm, degp_hbm, dstv, onesv, acc):
    c = lax.axis_index("c")
    s = lax.axis_index("s")
    w = s * NC + c
    pltpu.sync_copy(ones_hbm, onesv)
    pltpu.sync_copy(zeros_hbm.at[pl.ds(s * RPT, RPT)], acc.at[pl.ds(s * RPT, RPT)])
    plsc.subcore_barrier()

    def group(g, carry):
        pltpu.sync_copy(dst_hbm.at[pl.ds(w * K + g * GK, GK)], dstv)

        def step(j, carry2):
            pltpu.sync_copy(onesv, acc.at[dstv.at[j]], add=True)
            return carry2

        lax.fori_loop(0, GK, step, 0)
        return carry

    lax.fori_loop(0, K // GK, group, 0)
    plsc.subcore_barrier()
    pltpu.sync_copy(acc.at[pl.ds(s * RPT, RPT)], degp_hbm.at[c, pl.ds(s * RPT, RPT)])


def _sc_deg(dstp, zeros_h, ones_h):
    return pl.kernel(
        _deg_body,
        out_type=jax.ShapeDtypeStruct((NC, NPAD, H), jnp.float32),
        mesh=_mesh(),
        scratch_types=[
            pltpu.VMEM((GK, CH), jnp.int32),
            pltpu.VMEM((CH, H), jnp.float32),
            pltpu.VMEM_SHARED((NPAD, H), jnp.float32),
        ],
    )(dstp, zeros_h, ones_h)


def _agg_body(h_hbm, src_hbm, dst_hbm, out_hbm,
              srcv, dstv, rows0, rows1, acc, gsem0, gsem1, ssem0, ssem1):
    c = lax.axis_index("c")
    s = lax.axis_index("s")
    kc = K0 - c * (K0 - K1)
    base = c * (NS * K0) + s * kc
    @pl.when(s != NS - 1)
    def _():
        pltpu.sync_copy(h_hbm.at[pl.ds(s * RPT, RPT)], acc.at[pl.ds(s * RPT, RPT)])

    @pl.when(s == NS - 1)
    def _():
        pltpu.sync_copy(h_hbm.at[pl.ds((NS - 1) * RPT, N - (NS - 1) * RPT)],
                        acc.at[pl.ds((NS - 1) * RPT, N - (NS - 1) * RPT)])
        pltpu.sync_copy(h_hbm.at[pl.ds(0, NPAD - N)], acc.at[pl.ds(N, NPAD - N)])

    plsc.subcore_barrier()

    def group(g, carry):
        pltpu.sync_copy(src_hbm.at[pl.ds(base + g * GK, GK)], srcv)
        pltpu.sync_copy(dst_hbm.at[pl.ds(base + g * GK, GK)], dstv)

        pltpu.async_copy(h_hbm.at[srcv.at[0]], rows0, gsem0)
        pltpu.async_copy(h_hbm.at[srcv.at[1]], rows1, gsem1)

        def step(j, carry2):
            a = 2 * j
            pltpu.make_async_copy(h_hbm.at[srcv.at[a]], rows0, gsem0).wait()
            pltpu.async_copy(rows0, acc.at[dstv.at[a]], ssem0, add=True)
            pltpu.make_async_copy(h_hbm.at[srcv.at[a + 1]], rows1, gsem1).wait()
            pltpu.async_copy(rows1, acc.at[dstv.at[a + 1]], ssem1, add=True)

            @pl.when(a + 2 < GK)
            def _():
                pltpu.make_async_copy(rows0, acc.at[dstv.at[a]], ssem0).wait()
                pltpu.async_copy(h_hbm.at[srcv.at[a + 2]], rows0, gsem0)
                pltpu.make_async_copy(rows1, acc.at[dstv.at[a + 1]], ssem1).wait()
                pltpu.async_copy(h_hbm.at[srcv.at[a + 3]], rows1, gsem1)

            return carry2

        lax.fori_loop(0, GK // 2, step, 0)
        pltpu.make_async_copy(rows0, acc.at[dstv.at[GK - 2]], ssem0).wait()
        pltpu.make_async_copy(rows1, acc.at[dstv.at[GK - 1]], ssem1).wait()
        return carry

    lax.fori_loop(0, kc // GK, group, 0)
    plsc.subcore_barrier()
    pltpu.sync_copy(acc.at[pl.ds(s * RPT, RPT)], out_hbm.at[c, pl.ds(s * RPT, RPT)])


def _sc_agg(hp, srcp, dstp):
    return pl.kernel(
        _agg_body,
        out_type=jax.ShapeDtypeStruct((NC, NPAD, H), jnp.float32),
        mesh=_mesh(),
        scratch_types=[
            pltpu.VMEM((GK, CH), jnp.int32),
            pltpu.VMEM((GK, CH), jnp.int32),
            pltpu.VMEM((CH, H), jnp.float32),
            pltpu.VMEM((CH, H), jnp.float32),
            pltpu.VMEM_SHARED((NPAD, H), jnp.float32),
            pltpu.SemaphoreType.DMA,
            pltpu.SemaphoreType.DMA,
            pltpu.SemaphoreType.DMA,
            pltpu.SemaphoreType.DMA,
        ],
    )(hp, srcp, dstp)



def _tc_a_body(x_ref, w_ref, d0_ref, d1_ref, dis_ref, h_ref):
    deg = d0_ref[...] + d1_ref[...] + 1.0
    dis = lax.rsqrt(deg)
    dis_ref[...] = dis
    h_ref[...] = dis * jnp.dot(x_ref[...], w_ref[...],
                               preferred_element_type=jnp.float32)


def _tc_a(x, w1, d0, d1):
    return pl.pallas_call(
        _tc_a_body,
        grid=(NB,),
        in_specs=[
            pl.BlockSpec((BR, D), lambda i: (i, 0)),
            pl.BlockSpec((D, H), lambda i: (0, 0)),
            pl.BlockSpec((BR, 1), lambda i: (i, 0)),
            pl.BlockSpec((BR, 1), lambda i: (i, 0)),
        ],
        out_specs=[
            pl.BlockSpec((BR, 1), lambda i: (i, 0)),
            pl.BlockSpec((BR, H), lambda i: (i, 0)),
        ],
        out_shape=[
            jax.ShapeDtypeStruct((N, 1), jnp.float32),
            jax.ShapeDtypeStruct((N, H), jnp.float32),
        ],
    )(x, w1, d0, d1)


def _tc_bc_body(a0_ref, a1_ref, hp_ref, dis_ref, b_ref, w_ref, out_ref):
    dis = dis_ref[...]
    h = jnp.maximum(dis * (a0_ref[...] + a1_ref[...] - hp_ref[...]) + b_ref[...], 0.0)
    out_ref[...] = dis * jnp.dot(h, w_ref[...], preferred_element_type=jnp.float32)


def _tc_bc(a0, a1, hp, dis, b, w):
    return pl.pallas_call(
        _tc_bc_body,
        grid=(NB,),
        in_specs=[
            pl.BlockSpec((BR, H), lambda i: (i, 0)),
            pl.BlockSpec((BR, H), lambda i: (i, 0)),
            pl.BlockSpec((BR, H), lambda i: (i, 0)),
            pl.BlockSpec((BR, 1), lambda i: (i, 0)),
            pl.BlockSpec((1, H), lambda i: (0, 0)),
            pl.BlockSpec((H, H), lambda i: (0, 0)),
        ],
        out_specs=pl.BlockSpec((BR, H), lambda i: (i, 0)),
        out_shape=jax.ShapeDtypeStruct((N, H), jnp.float32),
    )(a0, a1, hp, dis, b, w)


def _tc_d_body(a0_ref, a1_ref, hp_ref, dis_ref, b_ref, bt_ref,
               l1w_ref, l1b_ref, l2w_ref, l2b_ref, out_ref, sums, cnts):
    i = pl.program_id(0)

    @pl.when(i == 0)
    def _():
        sums[...] = jnp.zeros_like(sums)
        cnts[...] = jnp.zeros_like(cnts)

    dis = dis_ref[...]
    h = jnp.maximum(dis * (a0_ref[...] + a1_ref[...] - hp_ref[...]) + b_ref[...], 0.0)
    gi = lax.broadcasted_iota(jnp.int32, (BR, G), 1)
    S = (bt_ref[...] == gi).astype(jnp.float32)
    dn = (((0,), (0,)), ((), ()))
    sums[...] += lax.dot_general(S, h, dn, preferred_element_type=jnp.float32)
    cnts[...] += lax.dot_general(S, jnp.ones_like(h), dn,
                                 preferred_element_type=jnp.float32)

    @pl.when(i == NB - 1)
    def _():
        pooled = sums[...] / jnp.maximum(cnts[...], 1.0)
        z = jnp.maximum(jnp.dot(pooled, l1w_ref[...],
                                preferred_element_type=jnp.float32) + l1b_ref[...], 0.0)
        z = jnp.dot(z, l2w_ref[...], preferred_element_type=jnp.float32) + l2b_ref[...]
        m = jnp.max(z, axis=-1, keepdims=True)
        out_ref[...] = (z - m) - jnp.log(jnp.sum(jnp.exp(z - m), axis=-1, keepdims=True))


def _tc_d(a0, a1, hp, dis, b, bt, l1w, l1b, l2w, l2b):
    return pl.pallas_call(
        _tc_d_body,
        grid=(NB,),
        in_specs=[
            pl.BlockSpec((BR, H), lambda i: (i, 0)),
            pl.BlockSpec((BR, H), lambda i: (i, 0)),
            pl.BlockSpec((BR, H), lambda i: (i, 0)),
            pl.BlockSpec((BR, 1), lambda i: (i, 0)),
            pl.BlockSpec((1, H), lambda i: (0, 0)),
            pl.BlockSpec((BR, 1), lambda i: (i, 0)),
            pl.BlockSpec((H, H), lambda i: (0, 0)),
            pl.BlockSpec((1, H), lambda i: (0, 0)),
            pl.BlockSpec((H, C), lambda i: (0, 0)),
            pl.BlockSpec((1, C), lambda i: (0, 0)),
        ],
        out_specs=pl.BlockSpec((G, C), lambda i: (0, 0)),
        out_shape=jax.ShapeDtypeStruct((G, C), jnp.float32),
        scratch_shapes=[
            pltpu.VMEM((G, H), jnp.float32),
            pltpu.VMEM((G, H), jnp.float32),
        ],
    )(a0, a1, hp, dis, b, bt, l1w, l1b, l2w, l2b)



def kernel(x, edge_index, batch, target_size, W1, b1, W2, b2, W3, b3,
           lin1_w, lin1_b, lin2_w, lin2_b):
    del target_size
    pad = EPAD - E
    srcp = jnp.concatenate(
        [edge_index[0], jnp.zeros((pad,), edge_index.dtype)]).reshape(NW * K, CH)
    dstp = jnp.concatenate(
        [edge_index[1], jnp.full((pad,), N, edge_index.dtype)]).reshape(NW * K, CH)

    zeros_h = jnp.zeros((NPAD, H), jnp.float32)
    ones_h = jnp.ones((CH, H), jnp.float32)
    degp = _sc_deg(dstp, zeros_h, ones_h)
    d0 = degp[0, :N, 0:1]
    d1 = degp[1, :N, 0:1]

    dis, h1p = _tc_a(x, W1, d0, d1)
    a1 = _sc_agg(h1p, srcp, dstp)
    h2p = _tc_bc(a1[0, :N], a1[1, :N], h1p, dis, b1.reshape(1, H), W2)
    a2 = _sc_agg(h2p, srcp, dstp)
    h3p = _tc_bc(a2[0, :N], a2[1, :N], h2p, dis, b2.reshape(1, H), W3)
    a3 = _sc_agg(h3p, srcp, dstp)
    return _tc_d(a3[0, :N], a3[1, :N], h3p, dis, b3.reshape(1, H), batch.reshape(N, 1),
                 lin1_w, lin1_b.reshape(1, H), lin2_w, lin2_b.reshape(1, C))

# --- scband reference (transcript-rebuilt; emitter-appended) ---
"""Pipeline reference for scband-gcn-11055245820054 (READ-ONLY COPY).

The authoritative reference and input builder live on the scoring server;
editing this copy changes nothing except your own understanding.
"""

import jax, jax.numpy as jnp
import numpy as np

N = 10000
E = 320000
D = 128
H = 128
C = 64
G = 128


def _glorot(key, fan_in, fan_out):
    scale = jnp.sqrt(2.0 / (fan_in + fan_out))
    return jax.random.normal(key, (fan_in, fan_out), dtype=jnp.float32) * scale


def setup_inputs(seed: int = 0) -> dict:
    key = jax.random.key(seed)
    ks = jax.random.split(key, 16)
    x = jax.random.normal(ks[0], (N, D), dtype=jnp.float32)
    edge_index = jax.random.randint(ks[1], (2, E), 0, N, dtype=jnp.int32)
    batch = jnp.sort(jax.random.randint(ks[2], (N,), 0, G, dtype=jnp.int32))
    return {
        "x": x,
        "edge_index": edge_index,
        "batch": batch,
        "target_size": G,
        "W1": _glorot(ks[3], D, H),
        "b1": jnp.zeros((H,), dtype=jnp.float32),
        "W2": _glorot(ks[4], H, H),
        "b2": jnp.zeros((H,), dtype=jnp.float32),
        "W3": _glorot(ks[5], H, H),
        "b3": jnp.zeros((H,), dtype=jnp.float32),
        "lin1_w": _glorot(ks[6], H, H),
        "lin1_b": jnp.zeros((H,), dtype=jnp.float32),
        "lin2_w": _glorot(ks[7], H, C),
        "lin2_b": jnp.zeros((C,), dtype=jnp.float32),
    }


def _gcn_conv(x, src, dst, norm, W, b, num_nodes):
    # GCNConv: x' = D^{-1/2} (A + I) D^{-1/2} (x W) + b
    h = x @ W
    msg = norm[:, None] * jnp.take(h, src, axis=0)
    out = jnp.zeros((num_nodes, h.shape[1]), dtype=h.dtype).at[dst].add(msg)
    return out + b


def reference(x, edge_index, batch, target_size, W1, b1, W2, b2, W3, b3, lin1_w, lin1_b, lin2_w, lin2_b):
    num_nodes = x.shape[0]
    loop = jnp.arange(num_nodes, dtype=edge_index.dtype)
    src = jnp.concatenate([edge_index[0], loop])
    dst = jnp.concatenate([edge_index[1], loop])
    # symmetric normalization with self-loops (shared across layers)
    deg = jnp.zeros((num_nodes,), dtype=jnp.float32).at[dst].add(1.0)
    deg_inv_sqrt = jnp.where(deg > 0, 1.0 / jnp.sqrt(deg), 0.0)
    norm = jnp.take(deg_inv_sqrt, src) * jnp.take(deg_inv_sqrt, dst)

    h = jax.nn.relu(_gcn_conv(x, src, dst, norm, W1, b1, num_nodes))
    h = jax.nn.relu(_gcn_conv(h, src, dst, norm, W2, b2, num_nodes))
    h = jax.nn.relu(_gcn_conv(h, src, dst, norm, W3, b3, num_nodes))

    # global_mean_pool over graphs
    ts = jnp.asarray(target_size)
    seg_ids = batch + (ts - ts).astype(batch.dtype)
    sums = jax.ops.segment_sum(h, seg_ids, num_segments=G)
    cnts = jax.ops.segment_sum(jnp.ones((num_nodes,), dtype=jnp.float32), seg_ids, num_segments=G)
    pooled = sums / jnp.clip(cnts, 1.0)[:, None]

    z = jax.nn.relu(pooled @ lin1_w + lin1_b)
    # dropout is identity in eval mode
    z = z @ lin2_w + lin2_b
    return jax.nn.log_softmax(z, axis=-1)

if __name__ == "__main__":
    import jax
    _d = setup_inputs()
    print(jax.jit(kernel)(*tuple(_d.values())))

</pallas_src>

<mosaic_0001>
#map = affine_map<(d0, d1) -> (0, 0)>
#map1 = affine_map<(d0, d1) -> (0, 0, 0)>
module attributes {stable_mosaic.version = 14 : i64} {
  func.func @_agg_body(%arg0: i32, %arg1: i32, %arg2: memref<10000x128xf32, #tpu.memory_space<hbm>>, %arg3: memref<2560x128xi32, #tpu.memory_space<hbm>>, %arg4: memref<2560x128xi32, #tpu.memory_space<hbm>>, %arg5: memref<2x10240x128xf32, #tpu.memory_space<hbm>>, %arg6: memref<8x128xi32, #tpu.memory_space<vmem>>, %arg7: memref<8x128xi32, #tpu.memory_space<vmem>>, %arg8: memref<128x128xf32, #tpu.memory_space<vmem>>, %arg9: memref<128x128xf32, #tpu.memory_space<vmem>>, %arg10: memref<10240x128xf32, #tpu.memory_space<vmem_shared>>, %arg11: memref<!tpu.dma_semaphore, #tpu.memory_space<semaphore_mem>>, %arg12: memref<!tpu.dma_semaphore, #tpu.memory_space<semaphore_mem>>, %arg13: memref<!tpu.dma_semaphore, #tpu.memory_space<semaphore_mem>>, %arg14: memref<!tpu.dma_semaphore, #tpu.memory_space<semaphore_mem>>) attributes {dimension_semantics = [#tpu.dimension_semantics<core_parallel>, #tpu.dimension_semantics<subcore_parallel>], iteration_bounds = array<i64: 2, 16>, scalar_prefetch = 0 : i64, scratch_operands = 9 : i64, tpu.core_type = #tpu.core_type<sc_vector_subcore>, window_params = [{transform_indices = #map}, {transform_indices = #map}, {transform_indices = #map}, {transform_indices = #map1}]} {
    %mul3A = arith.constant 144 : i32
    %mul3A_0 = arith.muli %arg0, %mul3A : i32
    %sub3A = arith.constant 152 : i32
    %sub3A_1 = arith.subi %sub3A, %mul3A_0 : i32
    %mul3A_2 = arith.constant 2432 : i32
    %mul3A_3 = arith.muli %arg0, %mul3A_2 : i32
    %mul3A_4 = arith.muli %arg1, %sub3A_1 : i32
    %add3A = arith.addi %mul3A_3, %mul3A_4 : i32
    %ne3A = arith.constant 15 : i32
    %ne3A_5 = arith.cmpi ne, %arg1, %ne3A : i32
    %convert_element_type3A = arith.extui %ne3A_5 : i1 to i32
    %cond3A = arith.constant 0 : i32
    %cond3A_6 = arith.cmpi ne, %convert_element_type3A, %cond3A : i32
    scf.if %cond3A_6 {
      %mul3A_43 = arith.constant 640 : i32
      %mul3A_44 = arith.muli %arg1, %mul3A_43 : i32
      %mul3A_45 = arith.constant 640 : i32
      %mul3A_46 = arith.muli %arg1, %mul3A_45 : i32
      "tpu.region"() ({
        %run_scoped3A = tpu.sem_alloc : memref<!tpu.dma_semaphore, #tpu.memory_space<semaphore_mem>>
        %dma_start3A = arith.constant 0 : i32
        %dma_start3A_47 = tpu.memref_slice %arg10[%mul3A_46, %dma_start3A] : memref<10240x128xf32, #tpu.memory_space<vmem_shared>> -> memref<640x128xf32, #tpu.memory_space<vmem_shared>>
        %dma_start3A_48 = arith.constant 0 : i32
        %dma_start3A_49 = tpu.memref_slice %arg2[%mul3A_44, %dma_start3A_48] : memref<10000x128xf32, #tpu.memory_space<hbm>> -> memref<640x128xf32, #tpu.memory_space<hbm>>
        tpu.enqueue_dma source(%dma_start3A_49 : memref<640x128xf32, #tpu.memory_space<hbm>>) target(%dma_start3A_47 : memref<640x128xf32, #tpu.memory_space<vmem_shared>>) target_semaphore(%run_scoped3A : memref<!tpu.dma_semaphore, #tpu.memory_space<semaphore_mem>>)
        %dma_wait3A = arith.constant 0 : i32
        %dma_wait3A_50 = tpu.memref_slice %arg10[%mul3A_46, %dma_wait3A] : memref<10240x128xf32, #tpu.memory_space<vmem_shared>> -> memref<640x128xf32, #tpu.memory_space<vmem_shared>>
        %dma_wait3A_51 = arith.constant 0 : i32
        %dma_wait3A_52 = tpu.memref_slice %arg2[%mul3A_44, %dma_wait3A_51] : memref<10000x128xf32, #tpu.memory_space<hbm>> -> memref<640x128xf32, #tpu.memory_space<hbm>>
        tpu.wait_dma2 semaphore(%run_scoped3A : memref<!tpu.dma_semaphore, #tpu.memory_space<semaphore_mem>>) src(%dma_wait3A_52 : memref<640x128xf32, #tpu.memory_space<hbm>>) dst(%dma_wait3A_50 : memref<640x128xf32, #tpu.memory_space<vmem_shared>>)
        tpu.yield
      }) : () -> ()
    } else {
    }
    %eq3A = arith.constant 15 : i32
    %eq3A_7 = arith.cmpi eq, %arg1, %eq3A : i32
    %convert_element_type3A_8 = arith.extui %eq3A_7 : i1 to i32
    %cond3A_9 = arith.constant 0 : i32
    %cond3A_10 = arith.cmpi ne, %convert_element_type3A_8, %cond3A_9 : i32
    scf.if %cond3A_10 {
      "tpu.region"() ({
        %run_scoped3A = tpu.sem_alloc : memref<!tpu.dma_semaphore, #tpu.memory_space<semaphore_mem>>
        %dma_start3A = arith.constant 9600 : i32
        %dma_start3A_43 = arith.constant 0 : i32
        %dma_start3A_44 = tpu.memref_slice %arg10[%dma_start3A, %dma_start3A_43] : memref<10240x128xf32, #tpu.memory_space<vmem_shared>> -> memref<400x128xf32, #tpu.memory_space<vmem_shared>>
        %dma_start3A_45 = arith.constant 9600 : i32
        %dma_start3A_46 = arith.constant 0 : i32
        %dma_start3A_47 = tpu.memref_slice %arg2[%dma_start3A_45, %dma_start3A_46] : memref<10000x128xf32, #tpu.memory_space<hbm>> -> memref<400x128xf32, #tpu.memory_space<hbm>>
        tpu.enqueue_dma source(%dma_start3A_47 : memref<400x128xf32, #tpu.memory_space<hbm>>) target(%dma_start3A_44 : memref<400x128xf32, #tpu.memory_space<vmem_shared>>) target_semaphore(%run_scoped3A : memref<!tpu.dma_semaphore, #tpu.memory_space<semaphore_mem>>)
        %dma_wait3A = arith.constant 9600 : i32
        %dma_wait3A_48 = arith.constant 0 : i32
        %dma_wait3A_49 = tpu.memref_slice %arg10[%dma_wait3A, %dma_wait3A_48] : memref<10240x128xf32, #tpu.memory_space<vmem_shared>> -> memref<400x128xf32, #tpu.memory_space<vmem_shared>>
        %dma_wait3A_50 = arith.constant 9600 : i32
        %dma_wait3A_51 = arith.constant 0 : i32
        %dma_wait3A_52 = tpu.memref_slice %arg2[%dma_wait3A_50, %dma_wait3A_51] : memref<10000x128xf32, #tpu.memory_space<hbm>> -> memref<400x128xf32, #tpu.memory_space<hbm>>
        tpu.wait_dma2 semaphore(%run_scoped3A : memref<!tpu.dma_semaphore, #tpu.memory_space<semaphore_mem>>) src(%dma_wait3A_52 : memref<400x128xf32, #tpu.memory_space<hbm>>) dst(%dma_wait3A_49 : memref<400x128xf32, #tpu.memory_space<vmem_shared>>)
        tpu.yield
      }) : () -> ()
      "tpu.region"() ({
        %run_scoped3A = tpu.sem_alloc : memref<!tpu.dma_semaphore, #tpu.memory_space<semaphore_mem>>
        %dma_start3A = arith.constant 10000 : i32
        %dma_start3A_43 = arith.constant 0 : i32
        %dma_start3A_44 = tpu.memref_slice %arg10[%dma_start3A, %dma_start3A_43] : memref<10240x128xf32, #tpu.memory_space<vmem_shared>> -> memref<240x128xf32, #tpu.memory_space<vmem_shared>>
        %dma_start3A_45 = arith.constant 0 : i32
        %dma_start3A_46 = arith.constant 0 : i32
        %dma_start3A_47 = tpu.memref_slice %arg2[%dma_start3A_45, %dma_start3A_46] : memref<10000x128xf32, #tpu.memory_space<hbm>> -> memref<240x128xf32, #tpu.memory_space<hbm>>
        tpu.enqueue_dma source(%dma_start3A_47 : memref<240x128xf32, #tpu.memory_space<hbm>>) target(%dma_start3A_44 : memref<240x128xf32, #tpu.memory_space<vmem_shared>>) target_semaphore(%run_scoped3A : memref<!tpu.dma_semaphore, #tpu.memory_space<semaphore_mem>>)
        %dma_wait3A = arith.constant 10000 : i32
        %dma_wait3A_48 = arith.constant 0 : i32
        %dma_wait3A_49 = tpu.memref_slice %arg10[%dma_wait3A, %dma_wait3A_48] : memref<10240x128xf32, #tpu.memory_space<vmem_shared>> -> memref<240x128xf32, #tpu.memory_space<vmem_shared>>
        %dma_wait3A_50 = arith.constant 0 : i32
        %dma_wait3A_51 = arith.constant 0 : i32
        %dma_wait3A_52 = tpu.memref_slice %arg2[%dma_wait3A_50, %dma_wait3A_51] : memref<10000x128xf32, #tpu.memory_space<hbm>> -> memref<240x128xf32, #tpu.memory_space<hbm>>
        tpu.wait_dma2 semaphore(%run_scoped3A : memref<!tpu.dma_semaphore, #tpu.memory_space<semaphore_mem>>) src(%dma_wait3A_52 : memref<240x128xf32, #tpu.memory_space<hbm>>) dst(%dma_wait3A_49 : memref<240x128xf32, #tpu.memory_space<vmem_shared>>)
        tpu.yield
      }) : () -> ()
    } else {
    }
    %barrier3A = arith.constant 0 : index
    tpu.barrier barrier_id(%barrier3A)
    %jit3A = arith.constant 8 : i32
    %div3A = arith.divsi %sub3A_1, %jit3A : i32
    %sign3A = arith.constant 0 : i32
    %sign3A_11 = arith.cmpi sgt, %sub3A_1, %sign3A : i32
    %sign3A_12 = arith.extui %sign3A_11 : i1 to i32
    %sign3A_13 = arith.constant 0 : i32
    %sign3A_14 = arith.cmpi slt, %sub3A_1, %sign3A_13 : i32
    %sign3A_15 = arith.extui %sign3A_14 : i1 to i32
    %sign3A_16 = arith.subi %sign3A_12, %sign3A_15 : i32
    %sign3A_17 = arith.constant 0 : i32
    %sign3A_18 = arith.cmpi sgt, %jit3A, %sign3A_17 : i32
    %sign3A_19 = arith.extui %sign3A_18 : i1 to i32
    %sign3A_20 = arith.constant 0 : i32
    %sign3A_21 = arith.cmpi slt, %jit3A, %sign3A_20 : i32
    %sign3A_22 = arith.extui %sign3A_21 : i1 to i32
    %sign3A_23 = arith.subi %sign3A_19, %sign3A_22 : i32
    %ne3A_24 = arith.cmpi ne, %sign3A_16, %sign3A_23 : i32
    %rem3A = arith.remsi %sub3A_1, %jit3A : i32
    %ne3A_25 = arith.constant 0 : i32
    %ne3A_26 = arith.cmpi ne, %rem3A, %ne3A_25 : i32
    %and3A = arith.andi %ne3A_24, %ne3A_26 : i1
    %sub3A_27 = arith.constant 1 : i32
    %sub3A_28 = arith.subi %div3A, %sub3A_27 : i32
    %select_n3A = arith.select %and3A, %sub3A_28, %div3A : i32
    %while3A = arith.constant 0 : i32
    %while3A_29 = arith.constant 0 : i32
    %while3A_30 = arith.subi %select_n3A, %while3A_29 : i32
    %while3A_31 = arith.addi %while3A_29, %while3A_30 : i32
    %while3A_32 = arith.constant 1 : i32
    %while3A_33 = arith.divsi %while3A_30, %while3A_32 : i32
    %while3A_34 = arith.muli %while3A_33, %while3A_32 : i32
    %while3A_35 = arith.addi %while3A_29, %while3A_34 : i32
    %while3A_36 = arith.constant 1 : i32
    scf.for %while3A_43 = %while3A_29 to %while3A_35 step %while3A_36  : i32 {
      %mul3A_44 = arith.constant 8 : i32
      %mul3A_45 = arith.muli %while3A_43, %mul3A_44 : i32
      %add3A_46 = arith.addi %add3A, %mul3A_45 : i32
      "tpu.region"() ({
        %run_scoped3A = tpu.sem_alloc : memref<!tpu.dma_semaphore, #tpu.memory_space<semaphore_mem>>
        %dma_start3A_81 = arith.constant 0 : i32
        %dma_start3A_82 = tpu.memref_slice %arg3[%add3A_46, %dma_start3A_81] : memref<2560x128xi32, #tpu.memory_space<hbm>> -> memref<8x128xi32, #tpu.memory_space<hbm>>
        %dma_start3A_83 = arith.constant 0 : i32
        %dma_start3A_84 = tpu.memref_slice %arg3[%add3A_46, %dma_start3A_83] : memref<2560x128xi32, #tpu.memory_space<hbm>> -> memref<8x128xi32, #tpu.memory_space<hbm>>
        tpu.enqueue_dma source(%dma_start3A_84 : memref<8x128xi32, #tpu.memory_space<hbm>>) target(%arg6 : memref<8x128xi32, #tpu.memory_space<vmem>>) target_semaphore(%run_scoped3A : memref<!tpu.dma_semaphore, #tpu.memory_space<semaphore_mem>>)
        %dma_wait3A_85 = arith.constant 0 : i32
        %dma_wait3A_86 = tpu.memref_slice %arg3[%add3A_46, %dma_wait3A_85] : memref<2560x128xi32, #tpu.memory_space<hbm>> -> memref<8x128xi32, #tpu.memory_space<hbm>>
        %dma_wait3A_87 = arith.constant 0 : i32
        %dma_wait3A_88 = tpu.memref_slice %arg3[%add3A_46, %dma_wait3A_87] : memref<2560x128xi32, #tpu.memory_space<hbm>> -> memref<8x128xi32, #tpu.memory_space<hbm>>
        tpu.wait_dma2 semaphore(%run_scoped3A : memref<!tpu.dma_semaphore, #tpu.memory_space<semaphore_mem>>) src(%dma_wait3A_88 : memref<8x128xi32, #tpu.memory_space<hbm>>) dst(%arg6 : memref<8x128xi32, #tpu.memory_space<vmem>>)
        tpu.yield
      }) : () -> ()
      %mul3A_47 = arith.constant 8 : i32
      %mul3A_48 = arith.muli %while3A_43, %mul3A_47 : i32
      %add3A_49 = arith.addi %add3A, %mul3A_48 : i32
      "tpu.region"() ({
        %run_scoped3A = tpu.sem_alloc : memref<!tpu.dma_semaphore, #tpu.memory_space<semaphore_mem>>
        %dma_start3A_81 = arith.constant 0 : i32
        %dma_start3A_82 = tpu.memref_slice %arg4[%add3A_49, %dma_start3A_81] : memref<2560x128xi32, #tpu.memory_space<hbm>> -> memref<8x128xi32, #tpu.memory_space<hbm>>
        %dma_start3A_83 = arith.constant 0 : i32
        %dma_start3A_84 = tpu.memref_slice %arg4[%add3A_49, %dma_start3A_83] : memref<2560x128xi32, #tpu.memory_space<hbm>> -> memref<8x128xi32, #tpu.memory_space<hbm>>
        tpu.enqueue_dma source(%dma_start3A_84 : memref<8x128xi32, #tpu.memory_space<hbm>>) target(%arg7 : memref<8x128xi32, #tpu.memory_space<vmem>>) target_semaphore(%run_scoped3A : memref<!tpu.dma_semaphore, #tpu.memory_space<semaphore_mem>>)
        %dma_wait3A_85 = arith.constant 0 : i32
        %dma_wait3A_86 = tpu.memref_slice %arg4[%add3A_49, %dma_wait3A_85] : memref<2560x128xi32, #tpu.memory_space<hbm>> -> memref<8x128xi32, #tpu.memory_space<hbm>>
        %dma_wait3A_87 = arith.constant 0 : i32
        %dma_wait3A_88 = tpu.memref_slice %arg4[%add3A_49, %dma_wait3A_87] : memref<2560x128xi32, #tpu.memory_space<hbm>> -> memref<8x128xi32, #tpu.memory_space<hbm>>
        tpu.wait_dma2 semaphore(%run_scoped3A : memref<!tpu.dma_semaphore, #tpu.memory_space<semaphore_mem>>) src(%dma_wait3A_88 : memref<8x128xi32, #tpu.memory_space<hbm>>) dst(%arg7 : memref<8x128xi32, #tpu.memory_space<vmem>>)
        tpu.yield
      }) : () -> ()
      %dma_start3A = arith.constant 0 : i32
      %dma_start3A_50 = arith.constant 0 : i32
      %dma_start3A_51 = tpu.memref_slice %arg6[%dma_start3A, %dma_start3A_50] : memref<8x128xi32, #tpu.memory_space<vmem>> -> memref<1x128xi32, #tpu.memory_space<vmem>>
      %dma_start3A_52 = tpu.memref_squeeze %dma_start3A_51 : memref<1x128xi32, #tpu.memory_space<vmem>> -> memref<128xi32, #tpu.memory_space<vmem>>
      %dma_start3A_53 = arith.constant 0 : i32
      %dma_start3A_54 = arith.constant 0 : i32
      %dma_start3A_55 = tpu.memref_slice %arg2[%dma_start3A_53, %dma_start3A_54] : memref<10000x128xf32, #tpu.memory_space<hbm>> -> memref<10000x128xf32, #tpu.memory_space<hbm>>
      tpu.enqueue_indirect_dma source(%dma_start3A_55 : memref<10000x128xf32, #tpu.memory_space<hbm>>) target(%arg8 : memref<128x128xf32, #tpu.memory_space<vmem>>) offsets(%dma_start3A_52 : memref<128xi32, #tpu.memory_space<vmem>>) semaphore(%arg11 : memref<!tpu.dma_semaphore, #tpu.memory_space<semaphore_mem>>)
      %dma_start3A_56 = arith.constant 1 : i32
      %dma_start3A_57 = arith.constant 0 : i32
      %dma_start3A_58 = tpu.memref_slice %arg6[%dma_start3A_56, %dma_start3A_57] : memref<8x128xi32, #tpu.memory_space<vmem>> -> memref<1x128xi32, #tpu.memory_space<vmem>>
      %dma_start3A_59 = tpu.memref_squeeze %dma_start3A_58 : memref<1x128xi32, #tpu.memory_space<vmem>> -> memref<128xi32, #tpu.memory_space<vmem>>
      %dma_start3A_60 = arith.constant 0 : i32
      %dma_start3A_61 = arith.constant 0 : i32
      %dma_start3A_62 = tpu.memref_slice %arg2[%dma_start3A_60, %dma_start3A_61] : memref<10000x128xf32, #tpu.memory_space<hbm>> -> memref<10000x128xf32, #tpu.memory_space<hbm>>
      tpu.enqueue_indirect_dma source(%dma_start3A_62 : memref<10000x128xf32, #tpu.memory_space<hbm>>) target(%arg9 : memref<128x128xf32, #tpu.memory_space<vmem>>) offsets(%dma_start3A_59 : memref<128xi32, #tpu.memory_space<vmem>>) semaphore(%arg12 : memref<!tpu.dma_semaphore, #tpu.memory_space<semaphore_mem>>)
      %scan3A = arith.constant 0 : i32
      %scan3A_63 = arith.constant 0 : i32
      %scan3A_64 = arith.constant 4 : i32
      %scan3A_65 = arith.addi %scan3A_63, %scan3A_64 : i32
      %scan3A_66 = arith.constant 1 : i32
      scf.for %scan3A_81 = %scan3A_63 to %scan3A_65 step %scan3A_66  : i32 {
        %mul3A_82 = arith.constant 2 : i32
        %mul3A_83 = arith.muli %mul3A_82, %scan3A_81 : i32
        %dma_wait3A_84 = arith.constant 0 : i32
        %dma_wait3A_85 = tpu.memref_slice %arg6[%mul3A_83, %dma_wait3A_84] : memref<8x128xi32, #tpu.memory_space<vmem>> -> memref<1x128xi32, #tpu.memory_space<vmem>>
        %dma_wait3A_86 = tpu.memref_squeeze %dma_wait3A_85 : memref<1x128xi32, #tpu.memory_space<vmem>> -> memref<128xi32, #tpu.memory_space<vmem>>
        %dma_wait3A_87 = arith.constant 0 : i32
        %dma_wait3A_88 = arith.constant 0 : i32
        %dma_wait3A_89 = tpu.memref_slice %arg2[%dma_wait3A_87, %dma_wait3A_88] : memref<10000x128xf32, #tpu.memory_space<hbm>> -> memref<10000x128xf32, #tpu.memory_space<hbm>>
        tpu.wait_indirect_dma semaphore(%arg11 : memref<!tpu.dma_semaphore, #tpu.memory_space<semaphore_mem>>) src(%dma_wait3A_89 : memref<10000x128xf32, #tpu.memory_space<hbm>>) dst(%arg8 : memref<128x128xf32, #tpu.memory_space<vmem>>)
        %dma_start3A_90 = arith.constant 0 : i32
        %dma_start3A_91 = tpu.memref_slice %arg7[%mul3A_83, %dma_start3A_90] : memref<8x128xi32, #tpu.memory_space<vmem>> -> memref<1x128xi32, #tpu.memory_space<vmem>>
        %dma_start3A_92 = tpu.memref_squeeze %dma_start3A_91 : memref<1x128xi32, #tpu.memory_space<vmem>> -> memref<128xi32, #tpu.memory_space<vmem>>
        %dma_start3A_93 = arith.constant 0 : i32
        %dma_start3A_94 = arith.constant 0 : i32
        %dma_start3A_95 = tpu.memref_slice %arg10[%dma_start3A_93, %dma_start3A_94] : memref<10240x128xf32, #tpu.memory_space<vmem_shared>> -> memref<10240x128xf32, #tpu.memory_space<vmem_shared>>
        tpu.enqueue_indirect_dma source(%arg8 : memref<128x128xf32, #tpu.memory_space<vmem>>) target(%dma_start3A_95 : memref<10240x128xf32, #tpu.memory_space<vmem_shared>>) offsets(%dma_start3A_92 : memref<128xi32, #tpu.memory_space<vmem>>) semaphore(%arg13 : memref<!tpu.dma_semaphore, #tpu.memory_space<semaphore_mem>>) {add = true}
        %add3A_96 = arith.constant 1 : i32
        %add3A_97 = arith.addi %mul3A_83, %add3A_96 : i32
        %dma_wait3A_98 = arith.constant 0 : i32
        %dma_wait3A_99 = tpu.memref_slice %arg6[%add3A_97, %dma_wait3A_98] : memref<8x128xi32, #tpu.memory_space<vmem>> -> memref<1x128xi32, #tpu.memory_space<vmem>>
        %dma_wait3A_100 = tpu.memref_squeeze %dma_wait3A_99 : memref<1x128xi32, #tpu.memory_space<vmem>> -> memref<128xi32, #tpu.memory_space<vmem>>
        %dma_wait3A_101 = arith.constant 0 : i32
        %dma_wait3A_102 = arith.constant 0 : i32
        %dma_wait3A_103 = tpu.memref_slice %arg2[%dma_wait3A_101, %dma_wait3A_102] : memref<10000x128xf32, #tpu.memory_space<hbm>> -> memref<10000x128xf32, #tpu.memory_space<hbm>>
        tpu.wait_indirect_dma semaphore(%arg12 : memref<!tpu.dma_semaphore, #tpu.memory_space<semaphore_mem>>) src(%dma_wait3A_103 : memref<10000x128xf32, #tpu.memory_space<hbm>>) dst(%arg9 : memref<128x128xf32, #tpu.memory_space<vmem>>)
        %add3A_104 = arith.constant 1 : i32
        %add3A_105 = arith.addi %mul3A_83, %add3A_104 : i32
        %dma_start3A_106 = arith.constant 0 : i32
        %dma_start3A_107 = tpu.memref_slice %arg7[%add3A_105, %dma_start3A_106] : memref<8x128xi32, #tpu.memory_space<vmem>> -> memref<1x128xi32, #tpu.memory_space<vmem>>
        %dma_start3A_108 = tpu.memref_squeeze %dma_start3A_107 : memref<1x128xi32, #tpu.memory_space<vmem>> -> memref<128xi32, #tpu.memory_space<vmem>>
        %dma_start3A_109 = arith.constant 0 : i32
        %dma_start3A_110 = arith.constant 0 : i32
        %dma_start3A_111 = tpu.memref_slice %arg10[%dma_start3A_109, %dma_start3A_110] : memref<10240x128xf32, #tpu.memory_space<vmem_shared>> -> memref<10240x128xf32, #tpu.memory_space<vmem_shared>>
        tpu.enqueue_indirect_dma source(%arg9 : memref<128x128xf32, #tpu.memory_space<vmem>>) target(%dma_start3A_111 : memref<10240x128xf32, #tpu.memory_space<vmem_shared>>) offsets(%dma_start3A_108 : memref<128xi32, #tpu.memory_space<vmem>>) semaphore(%arg14 : memref<!tpu.dma_semaphore, #tpu.memory_space<semaphore_mem>>) {add = true}
        %add3A_112 = arith.constant 2 : i32
        %add3A_113 = arith.addi %mul3A_83, %add3A_112 : i32
        %lt3A = arith.constant 8 : i32
        %lt3A_114 = arith.cmpi slt, %add3A_113, %lt3A : i32
        %convert_element_type3A_115 = arith.extui %lt3A_114 : i1 to i32
        %cond3A_116 = arith.constant 0 : i32
        %cond3A_117 = arith.cmpi ne, %convert_element_type3A_115, %cond3A_116 : i32
        scf.if %cond3A_117 {
          %dma_wait3A_118 = arith.constant 0 : i32
          %dma_wait3A_119 = tpu.memref_slice %arg7[%mul3A_83, %dma_wait3A_118] : memref<8x128xi32, #tpu.memory_space<vmem>> -> memref<1x128xi32, #tpu.memory_space<vmem>>
          %dma_wait3A_120 = tpu.memref_squeeze %dma_wait3A_119 : memref<1x128xi32, #tpu.memory_space<vmem>> -> memref<128xi32, #tpu.memory_space<vmem>>
          %dma_wait3A_121 = arith.constant 0 : i32
          %dma_wait3A_122 = arith.constant 0 : i32
          %dma_wait3A_123 = tpu.memref_slice %arg10[%dma_wait3A_121, %dma_wait3A_122] : memref<10240x128xf32, #tpu.memory_space<vmem_shared>> -> memref<10240x128xf32, #tpu.memory_space<vmem_shared>>
          tpu.wait_indirect_dma semaphore(%arg13 : memref<!tpu.dma_semaphore, #tpu.memory_space<semaphore_mem>>) src(%arg8 : memref<128x128xf32, #tpu.memory_space<vmem>>) dst(%dma_wait3A_123 : memref<10240x128xf32, #tpu.memory_space<vmem_shared>>)
          %add3A_124 = arith.constant 2 : i32
          %add3A_125 = arith.addi %mul3A_83, %add3A_124 : i32
          %dma_start3A_126 = arith.constant 0 : i32
          %dma_start3A_127 = tpu.memref_slice %arg6[%add3A_125, %dma_start3A_126] : memref<8x128xi32, #tpu.memory_space<vmem>> -> memref<1x128xi32, #tpu.memory_space<vmem>>
          %dma_start3A_128 = tpu.memref_squeeze %dma_start3A_127 : memref<1x128xi32, #tpu.memory_space<vmem>> -> memref<128xi32, #tpu.memory_space<vmem>>
          %dma_start3A_129 = arith.constant 0 : i32
          %dma_start3A_130 = arith.constant 0 : i32
          %dma_start3A_131 = tpu.memref_slice %arg2[%dma_start3A_129, %dma_start3A_130] : memref<10000x128xf32, #tpu.memory_space<hbm>> -> memref<10000x128xf32, #tpu.memory_space<hbm>>
          tpu.enqueue_indirect_dma source(%dma_start3A_131 : memref<10000x128xf32, #tpu.memory_space<hbm>>) target(%arg8 : memref<128x128xf32, #tpu.memory_space<vmem>>) offsets(%dma_start3A_128 : memref<128xi32, #tpu.memory_space<vmem>>) semaphore(%arg11 : memref<!tpu.dma_semaphore, #tpu.memory_space<semaphore_mem>>)
          %add3A_132 = arith.constant 1 : i32
          %add3A_133 = arith.addi %mul3A_83, %add3A_132 : i32
          %dma_wait3A_134 = arith.constant 0 : i32
          %dma_wait3A_135 = tpu.memref_slice %arg7[%add3A_133, %dma_wait3A_134] : memref<8x128xi32, #tpu.memory_space<vmem>> -> memref<1x128xi32, #tpu.memory_space<vmem>>
          %dma_wait3A_136 = tpu.memref_squeeze %dma_wait3A_135 : memref<1x128xi32, #tpu.memory_space<vmem>> -> memref<128xi32, #tpu.memory_space<vmem>>
          %dma_wait3A_137 = arith.constant 0 : i32
          %dma_wait3A_138 = arith.constant 0 : i32
          %dma_wait3A_139 = tpu.memref_slice %arg10[%dma_wait3A_137, %dma_wait3A_138] : memref<10240x128xf32, #tpu.memory_space<vmem_shared>> -> memref<10240x128xf32, #tpu.memory_space<vmem_shared>>
          tpu.wait_indirect_dma semaphore(%arg14 : memref<!tpu.dma_semaphore, #tpu.memory_space<semaphore_mem>>) src(%arg9 : memref<128x128xf32, #tpu.memory_space<vmem>>) dst(%dma_wait3A_139 : memref<10240x128xf32, #tpu.memory_space<vmem_shared>>)
          %add3A_140 = arith.constant 3 : i32
          %add3A_141 = arith.addi %mul3A_83, %add3A_140 : i32
          %dma_start3A_142 = arith.constant 0 : i32
          %dma_start3A_143 = tpu.memref_slice %arg6[%add3A_141, %dma_start3A_142] : memref<8x128xi32, #tpu.memory_space<vmem>> -> memref<1x128xi32, #tpu.memory_space<vmem>>
          %dma_start3A_144 = tpu.memref_squeeze %dma_start3A_143 : memref<1x128xi32, #tpu.memory_space<vmem>> -> memref<128xi32, #tpu.memory_space<vmem>>
          %dma_start3A_145 = arith.constant 0 : i32
          %dma_start3A_146 = arith.constant 0 : i32
          %dma_start3A_147 = tpu.memref_slice %arg2[%dma_start3A_145, %dma_start3A_146] : memref<10000x128xf32, #tpu.memory_space<hbm>> -> memref<10000x128xf32, #tpu.memory_space<hbm>>
          tpu.enqueue_indirect_dma source(%dma_start3A_147 : memref<10000x128xf32, #tpu.memory_space<hbm>>) target(%arg9 : memref<128x128xf32, #tpu.memory_space<vmem>>) offsets(%dma_start3A_144 : memref<128xi32, #tpu.memory_space<vmem>>) semaphore(%arg12 : memref<!tpu.dma_semaphore, #tpu.memory_space<semaphore_mem>>)
        } else {
        }
      }
      %scan3A_67 = arith.constant 4 : i32
      %dma_wait3A = arith.constant 6 : i32
      %dma_wait3A_68 = arith.constant 0 : i32
      %dma_wait3A_69 = tpu.memref_slice %arg7[%dma_wait3A, %dma_wait3A_68] : memref<8x128xi32, #tpu.memory_space<vmem>> -> memref<1x128xi32, #tpu.memory_space<vmem>>
      %dma_wait3A_70 = tpu.memref_squeeze %dma_wait3A_69 : memref<1x128xi32, #tpu.memory_space<vmem>> -> memref<128xi32, #tpu.memory_space<vmem>>
      %dma_wait3A_71 = arith.constant 0 : i32
      %dma_wait3A_72 = arith.constant 0 : i32
      %dma_wait3A_73 = tpu.memref_slice %arg10[%dma_wait3A_71, %dma_wait3A_72] : memref<10240x128xf32, #tpu.memory_space<vmem_shared>> -> memref<10240x128xf32, #tpu.memory_space<vmem_shared>>
      tpu.wait_indirect_dma semaphore(%arg13 : memref<!tpu.dma_semaphore, #tpu.memory_space<semaphore_mem>>) src(%arg8 : memref<128x128xf32, #tpu.memory_space<vmem>>) dst(%dma_wait3A_73 : memref<10240x128xf32, #tpu.memory_space<vmem_shared>>)
      %dma_wait3A_74 = arith.constant 7 : i32
      %dma_wait3A_75 = arith.constant 0 : i32
      %dma_wait3A_76 = tpu.memref_slice %arg7[%dma_wait3A_74, %dma_wait3A_75] : memref<8x128xi32, #tpu.memory_space<vmem>> -> memref<1x128xi32, #tpu.memory_space<vmem>>
      %dma_wait3A_77 = tpu.memref_squeeze %dma_wait3A_76 : memref<1x128xi32, #tpu.memory_space<vmem>> -> memref<128xi32, #tpu.memory_space<vmem>>
      %dma_wait3A_78 = arith.constant 0 : i32
      %dma_wait3A_79 = arith.constant 0 : i32
      %dma_wait3A_80 = tpu.memref_slice %arg10[%dma_wait3A_78, %dma_wait3A_79] : memref<10240x128xf32, #tpu.memory_space<vmem_shared>> -> memref<10240x128xf32, #tpu.memory_space<vmem_shared>>
      tpu.wait_indirect_dma semaphore(%arg14 : memref<!tpu.dma_semaphore, #tpu.memory_space<semaphore_mem>>) src(%arg9 : memref<128x128xf32, #tpu.memory_space<vmem>>) dst(%dma_wait3A_80 : memref<10240x128xf32, #tpu.memory_space<vmem_shared>>)
    }
    %while3A_37 = arith.constant 1 : i32
    scf.for %while3A_43 = %while3A_35 to %while3A_31 step %while3A_37  : i32 {
      %mul3A_44 = arith.constant 8 : i32
      %mul3A_45 = arith.muli %while3A_43, %mul3A_44 : i32
      %add3A_46 = arith.addi %add3A, %mul3A_45 : i32
      "tpu.region"() ({
        %run_scoped3A = tpu.sem_alloc : memref<!tpu.dma_semaphore, #tpu.memory_space<semaphore_mem>>
        %dma_start3A_81 = arith.constant 0 : i32
        %dma_start3A_82 = tpu.memref_slice %arg3[%add3A_46, %dma_start3A_81] : memref<2560x128xi32, #tpu.memory_space<hbm>> -> memref<8x128xi32, #tpu.memory_space<hbm>>
        %dma_start3A_83 = arith.constant 0 : i32
        %dma_start3A_84 = tpu.memref_slice %arg3[%add3A_46, %dma_start3A_83] : memref<2560x128xi32, #tpu.memory_space<hbm>> -> memref<8x128xi32, #tpu.memory_space<hbm>>
        tpu.enqueue_dma source(%dma_start3A_84 : memref<8x128xi32, #tpu.memory_space<hbm>>) target(%arg6 : memref<8x128xi32, #tpu.memory_space<vmem>>) target_semaphore(%run_scoped3A : memref<!tpu.dma_semaphore, #tpu.memory_space<semaphore_mem>>)
        %dma_wait3A_85 = arith.constant 0 : i32
        %dma_wait3A_86 = tpu.memref_slice %arg3[%add3A_46, %dma_wait3A_85] : memref<2560x128xi32, #tpu.memory_space<hbm>> -> memref<8x128xi32, #tpu.memory_space<hbm>>
        %dma_wait3A_87 = arith.constant 0 : i32
        %dma_wait3A_88 = tpu.memref_slice %arg3[%add3A_46, %dma_wait3A_87] : memref<2560x128xi32, #tpu.memory_space<hbm>> -> memref<8x128xi32, #tpu.memory_space<hbm>>
        tpu.wait_dma2 semaphore(%run_scoped3A : memref<!tpu.dma_semaphore, #tpu.memory_space<semaphore_mem>>) src(%dma_wait3A_88 : memref<8x128xi32, #tpu.memory_space<hbm>>) dst(%arg6 : memref<8x128xi32, #tpu.memory_space<vmem>>)
        tpu.yield
      }) : () -> ()
      %mul3A_47 = arith.constant 8 : i32
      %mul3A_48 = arith.muli %while3A_43, %mul3A_47 : i32
      %add3A_49 = arith.addi %add3A, %mul3A_48 : i32
      "tpu.region"() ({
        %run_scoped3A = tpu.sem_alloc : memref<!tpu.dma_semaphore, #tpu.memory_space<semaphore_mem>>
        %dma_start3A_81 = arith.constant 0 : i32
        %dma_start3A_82 = tpu.memref_slice %arg4[%add3A_49, %dma_start3A_81] : memref<2560x128xi32, #tpu.memory_space<hbm>> -> memref<8x128xi32, #tpu.memory_space<hbm>>
        %dma_start3A_83 = arith.constant 0 : i32
        %dma_start3A_84 = tpu.memref_slice %arg4[%add3A_49, %dma_start3A_83] : memref<2560x128xi32, #tpu.memory_space<hbm>> -> memref<8x128xi32, #tpu.memory_space<hbm>>
        tpu.enqueue_dma source(%dma_start3A_84 : memref<8x128xi32, #tpu.memory_space<hbm>>) target(%arg7 : memref<8x128xi32, #tpu.memory_space<vmem>>) target_semaphore(%run_scoped3A : memref<!tpu.dma_semaphore, #tpu.memory_space<semaphore_mem>>)
        %dma_wait3A_85 = arith.constant 0 : i32
        %dma_wait3A_86 = tpu.memref_slice %arg4[%add3A_49, %dma_wait3A_85] : memref<2560x128xi32, #tpu.memory_space<hbm>> -> memref<8x128xi32, #tpu.memory_space<hbm>>
        %dma_wait3A_87 = arith.constant 0 : i32
        %dma_wait3A_88 = tpu.memref_slice %arg4[%add3A_49, %dma_wait3A_87] : memref<2560x128xi32, #tpu.memory_space<hbm>> -> memref<8x128xi32, #tpu.memory_space<hbm>>
        tpu.wait_dma2 semaphore(%run_scoped3A : memref<!tpu.dma_semaphore, #tpu.memory_space<semaphore_mem>>) src(%dma_wait3A_88 : memref<8x128xi32, #tpu.memory_space<hbm>>) dst(%arg7 : memref<8x128xi32, #tpu.memory_space<vmem>>)
        tpu.yield
      }) : () -> ()
      %dma_start3A = arith.constant 0 : i32
      %dma_start3A_50 = arith.constant 0 : i32
      %dma_start3A_51 = tpu.memref_slice %arg6[%dma_start3A, %dma_start3A_50] : memref<8x128xi32, #tpu.memory_space<vmem>> -> memref<1x128xi32, #tpu.memory_space<vmem>>
      %dma_start3A_52 = tpu.memref_squeeze %dma_start3A_51 : memref<1x128xi32, #tpu.memory_space<vmem>> -> memref<128xi32, #tpu.memory_space<vmem>>
      %dma_start3A_53 = arith.constant 0 : i32
      %dma_start3A_54 = arith.constant 0 : i32
      %dma_start3A_55 = tpu.memref_slice %arg2[%dma_start3A_53, %dma_start3A_54] : memref<10000x128xf32, #tpu.memory_space<hbm>> -> memref<10000x128xf32, #tpu.memory_space<hbm>>
      tpu.enqueue_indirect_dma source(%dma_start3A_55 : memref<10000x128xf32, #tpu.memory_space<hbm>>) target(%arg8 : memref<128x128xf32, #tpu.memory_space<vmem>>) offsets(%dma_start3A_52 : memref<128xi32, #tpu.memory_space<vmem>>) semaphore(%arg11 : memref<!tpu.dma_semaphore, #tpu.memory_space<semaphore_mem>>)
      %dma_start3A_56 = arith.constant 1 : i32
      %dma_start3A_57 = arith.constant 0 : i32
      %dma_start3A_58 = tpu.memref_slice %arg6[%dma_start3A_56, %dma_start3A_57] : memref<8x128xi32, #tpu.memory_space<vmem>> -> memref<1x128xi32, #tpu.memory_space<vmem>>
      %dma_start3A_59 = tpu.memref_squeeze %dma_start3A_58 : memref<1x128xi32, #tpu.memory_space<vmem>> -> memref<128xi32, #tpu.memory_space<vmem>>
      %dma_start3A_60 = arith.constant 0 : i32
      %dma_start3A_61 = arith.constant 0 : i32
      %dma_start3A_62 = tpu.memref_slice %arg2[%dma_start3A_60, %dma_start3A_61] : memref<10000x128xf32, #tpu.memory_space<hbm>> -> memref<10000x128xf32, #tpu.memory_space<hbm>>
      tpu.enqueue_indirect_dma source(%dma_start3A_62 : memref<10000x128xf32, #tpu.memory_space<hbm>>) target(%arg9 : memref<128x128xf32, #tpu.memory_space<vmem>>) offsets(%dma_start3A_59 : memref<128xi32, #tpu.memory_space<vmem>>) semaphore(%arg12 : memref<!tpu.dma_semaphore, #tpu.memory_space<semaphore_mem>>)
      %scan3A = arith.constant 0 : i32
      %scan3A_63 = arith.constant 0 : i32
      %scan3A_64 = arith.constant 4 : i32
      %scan3A_65 = arith.addi %scan3A_63, %scan3A_64 : i32
      %scan3A_66 = arith.constant 1 : i32
      scf.for %scan3A_81 = %scan3A_63 to %scan3A_65 step %scan3A_66  : i32 {
        %mul3A_82 = arith.constant 2 : i32
        %mul3A_83 = arith.muli %mul3A_82, %scan3A_81 : i32
        %dma_wait3A_84 = arith.constant 0 : i32
        %dma_wait3A_85 = tpu.memref_slice %arg6[%mul3A_83, %dma_wait3A_84] : memref<8x128xi32, #tpu.memory_space<vmem>> -> memref<1x128xi32, #tpu.memory_space<vmem>>
        %dma_wait3A_86 = tpu.memref_squeeze %dma_wait3A_85 : memref<1x128xi32, #tpu.memory_space<vmem>> -> memref<128xi32, #tpu.memory_space<vmem>>
        %dma_wait3A_87 = arith.constant 0 : i32
        %dma_wait3A_88 = arith.constant 0 : i32
        %dma_wait3A_89 = tpu.memref_slice %arg2[%dma_wait3A_87, %dma_wait3A_88] : memref<10000x128xf32, #tpu.memory_space<hbm>> -> memref<10000x128xf32, #tpu.memory_space<hbm>>
        tpu.wait_indirect_dma semaphore(%arg11 : memref<!tpu.dma_semaphore, #tpu.memory_space<semaphore_mem>>) src(%dma_wait3A_89 : memref<10000x128xf32, #tpu.memory_space<hbm>>) dst(%arg8 : memref<128x128xf32, #tpu.memory_space<vmem>>)
        %dma_start3A_90 = arith.constant 0 : i32
        %dma_start3A_91 = tpu.memref_slice %arg7[%mul3A_83, %dma_start3A_90] : memref<8x128xi32, #tpu.memory_space<vmem>> -> memref<1x128xi32, #tpu.memory_space<vmem>>
        %dma_start3A_92 = tpu.memref_squeeze %dma_start3A_91 : memref<1x128xi32, #tpu.memory_space<vmem>> -> memref<128xi32, #tpu.memory_space<vmem>>
        %dma_start3A_93 = arith.constant 0 : i32
        %dma_start3A_94 = arith.constant 0 : i32
        %dma_start3A_95 = tpu.memref_slice %arg10[%dma_start3A_93, %dma_start3A_94] : memref<10240x128xf32, #tpu.memory_space<vmem_shared>> -> memref<10240x128xf32, #tpu.memory_space<vmem_shared>>
        tpu.enqueue_indirect_dma source(%arg8 : memref<128x128xf32, #tpu.memory_space<vmem>>) target(%dma_start3A_95 : memref<10240x128xf32, #tpu.memory_space<vmem_shared>>) offsets(%dma_start3A_92 : memref<128xi32, #tpu.memory_space<vmem>>) semaphore(%arg13 : memref<!tpu.dma_semaphore, #tpu.memory_space<semaphore_mem>>) {add = true}
        %add3A_96 = arith.constant 1 : i32
        %add3A_97 = arith.addi %mul3A_83, %add3A_96 : i32
        %dma_wait3A_98 = arith.constant 0 : i32
        %dma_wait3A_99 = tpu.memref_slice %arg6[%add3A_97, %dma_wait3A_98] : memref<8x128xi32, #tpu.memory_space<vmem>> -> memref<1x128xi32, #tpu.memory_space<vmem>>
        %dma_wait3A_100 = tpu.memref_squeeze %dma_wait3A_99 : memref<1x128xi32, #tpu.memory_space<vmem>> -> memref<128xi32, #tpu.memory_space<vmem>>
        %dma_wait3A_101 = arith.constant 0 : i32
        %dma_wait3A_102 = arith.constant 0 : i32
        %dma_wait3A_103 = tpu.memref_slice %arg2[%dma_wait3A_101, %dma_wait3A_102] : memref<10000x128xf32, #tpu.memory_space<hbm>> -> memref<10000x128xf32, #tpu.memory_space<hbm>>
        tpu.wait_indirect_dma semaphore(%arg12 : memref<!tpu.dma_semaphore, #tpu.memory_space<semaphore_mem>>) src(%dma_wait3A_103 : memref<10000x128xf32, #tpu.memory_space<hbm>>) dst(%arg9 : memref<128x128xf32, #tpu.memory_space<vmem>>)
        %add3A_104 = arith.constant 1 : i32
        %add3A_105 = arith.addi %mul3A_83, %add3A_104 : i32
        %dma_start3A_106 = arith.constant 0 : i32
        %dma_start3A_107 = tpu.memref_slice %arg7[%add3A_105, %dma_start3A_106] : memref<8x128xi32, #tpu.memory_space<vmem>> -> memref<1x128xi32, #tpu.memory_space<vmem>>
        %dma_start3A_108 = tpu.memref_squeeze %dma_start3A_107 : memref<1x128xi32, #tpu.memory_space<vmem>> -> memref<128xi32, #tpu.memory_space<vmem>>
        %dma_start3A_109 = arith.constant 0 : i32
        %dma_start3A_110 = arith.constant 0 : i32
        %dma_start3A_111 = tpu.memref_slice %arg10[%dma_start3A_109, %dma_start3A_110] : memref<10240x128xf32, #tpu.memory_space<vmem_shared>> -> memref<10240x128xf32, #tpu.memory_space<vmem_shared>>
        tpu.enqueue_indirect_dma source(%arg9 : memref<128x128xf32, #tpu.memory_space<vmem>>) target(%dma_start3A_111 : memref<10240x128xf32, #tpu.memory_space<vmem_shared>>) offsets(%dma_start3A_108 : memref<128xi32, #tpu.memory_space<vmem>>) semaphore(%arg14 : memref<!tpu.dma_semaphore, #tpu.memory_space<semaphore_mem>>) {add = true}
        %add3A_112 = arith.constant 2 : i32
        %add3A_113 = arith.addi %mul3A_83, %add3A_112 : i32
        %lt3A = arith.constant 8 : i32
        %lt3A_114 = arith.cmpi slt, %add3A_113, %lt3A : i32
        %convert_element_type3A_115 = arith.extui %lt3A_114 : i1 to i32
        %cond3A_116 = arith.constant 0 : i32
        %cond3A_117 = arith.cmpi ne, %convert_element_type3A_115, %cond3A_116 : i32
        scf.if %cond3A_117 {
          %dma_wait3A_118 = arith.constant 0 : i32
          %dma_wait3A_119 = tpu.memref_slice %arg7[%mul3A_83, %dma_wait3A_118] : memref<8x128xi32, #tpu.memory_space<vmem>> -> memref<1x128xi32, #tpu.memory_space<vmem>>
          %dma_wait3A_120 = tpu.memref_squeeze %dma_wait3A_119 : memref<1x128xi32, #tpu.memory_space<vmem>> -> memref<128xi32, #tpu.memory_space<vmem>>
          %dma_wait3A_121 = arith.constant 0 : i32
          %dma_wait3A_122 = arith.constant 0 : i32
          %dma_wait3A_123 = tpu.memref_slice %arg10[%dma_wait3A_121, %dma_wait3A_122] : memref<10240x128xf32, #tpu.memory_space<vmem_shared>> -> memref<10240x128xf32, #tpu.memory_space<vmem_shared>>
          tpu.wait_indirect_dma semaphore(%arg13 : memref<!tpu.dma_semaphore, #tpu.memory_space<semaphore_mem>>) src(%arg8 : memref<128x128xf32, #tpu.memory_space<vmem>>) dst(%dma_wait3A_123 : memref<10240x128xf32, #tpu.memory_space<vmem_shared>>)
          %add3A_124 = arith.constant 2 : i32
          %add3A_125 = arith.addi %mul3A_83, %add3A_124 : i32
          %dma_start3A_126 = arith.constant 0 : i32
          %dma_start3A_127 = tpu.memref_slice %arg6[%add3A_125, %dma_start3A_126] : memref<8x128xi32, #tpu.memory_space<vmem>> -> memref<1x128xi32, #tpu.memory_space<vmem>>
          %dma_start3A_128 = tpu.memref_squeeze %dma_start3A_127 : memref<1x128xi32, #tpu.memory_space<vmem>> -> memref<128xi32, #tpu.memory_space<vmem>>
          %dma_start3A_129 = arith.constant 0 : i32
          %dma_start3A_130 = arith.constant 0 : i32
          %dma_start3A_131 = tpu.memref_slice %arg2[%dma_start3A_129, %dma_start3A_130] : memref<10000x128xf32, #tpu.memory_space<hbm>> -> memref<10000x128xf32, #tpu.memory_space<hbm>>
          tpu.enqueue_indirect_dma source(%dma_start3A_131 : memref<10000x128xf32, #tpu.memory_space<hbm>>) target(%arg8 : memref<128x128xf32, #tpu.memory_space<vmem>>) offsets(%dma_start3A_128 : memref<128xi32, #tpu.memory_space<vmem>>) semaphore(%arg11 : memref<!tpu.dma_semaphore, #tpu.memory_space<semaphore_mem>>)
          %add3A_132 = arith.constant 1 : i32
          %add3A_133 = arith.addi %mul3A_83, %add3A_132 : i32
          %dma_wait3A_134 = arith.constant 0 : i32
          %dma_wait3A_135 = tpu.memref_slice %arg7[%add3A_133, %dma_wait3A_134] : memref<8x128xi32, #tpu.memory_space<vmem>> -> memref<1x128xi32, #tpu.memory_space<vmem>>
          %dma_wait3A_136 = tpu.memref_squeeze %dma_wait3A_135 : memref<1x128xi32, #tpu.memory_space<vmem>> -> memref<128xi32, #tpu.memory_space<vmem>>
          %dma_wait3A_137 = arith.constant 0 : i32
          %dma_wait3A_138 = arith.constant 0 : i32
          %dma_wait3A_139 = tpu.memref_slice %arg10[%dma_wait3A_137, %dma_wait3A_138] : memref<10240x128xf32, #tpu.memory_space<vmem_shared>> -> memref<10240x128xf32, #tpu.memory_space<vmem_shared>>
          tpu.wait_indirect_dma semaphore(%arg14 : memref<!tpu.dma_semaphore, #tpu.memory_space<semaphore_mem>>) src(%arg9 : memref<128x128xf32, #tpu.memory_space<vmem>>) dst(%dma_wait3A_139 : memref<10240x128xf32, #tpu.memory_space<vmem_shared>>)
          %add3A_140 = arith.constant 3 : i32
          %add3A_141 = arith.addi %mul3A_83, %add3A_140 : i32
          %dma_start3A_142 = arith.constant 0 : i32
          %dma_start3A_143 = tpu.memref_slice %arg6[%add3A_141, %dma_start3A_142] : memref<8x128xi32, #tpu.memory_space<vmem>> -> memref<1x128xi32, #tpu.memory_space<vmem>>
          %dma_start3A_144 = tpu.memref_squeeze %dma_start3A_143 : memref<1x128xi32, #tpu.memory_space<vmem>> -> memref<128xi32, #tpu.memory_space<vmem>>
          %dma_start3A_145 = arith.constant 0 : i32
          %dma_start3A_146 = arith.constant 0 : i32
          %dma_start3A_147 = tpu.memref_slice %arg2[%dma_start3A_145, %dma_start3A_146] : memref<10000x128xf32, #tpu.memory_space<hbm>> -> memref<10000x128xf32, #tpu.memory_space<hbm>>
          tpu.enqueue_indirect_dma source(%dma_start3A_147 : memref<10000x128xf32, #tpu.memory_space<hbm>>) target(%arg9 : memref<128x128xf32, #tpu.memory_space<vmem>>) offsets(%dma_start3A_144 : memref<128xi32, #tpu.memory_space<vmem>>) semaphore(%arg12 : memref<!tpu.dma_semaphore, #tpu.memory_space<semaphore_mem>>)
        } else {
        }
      }
      %scan3A_67 = arith.constant 4 : i32
      %dma_wait3A = arith.constant 6 : i32
      %dma_wait3A_68 = arith.constant 0 : i32
      %dma_wait3A_69 = tpu.memref_slice %arg7[%dma_wait3A, %dma_wait3A_68] : memref<8x128xi32, #tpu.memory_space<vmem>> -> memref<1x128xi32, #tpu.memory_space<vmem>>
      %dma_wait3A_70 = tpu.memref_squeeze %dma_wait3A_69 : memref<1x128xi32, #tpu.memory_space<vmem>> -> memref<128xi32, #tpu.memory_space<vmem>>
      %dma_wait3A_71 = arith.constant 0 : i32
      %dma_wait3A_72 = arith.constant 0 : i32
      %dma_wait3A_73 = tpu.memref_slice %arg10[%dma_wait3A_71, %dma_wait3A_72] : memref<10240x128xf32, #tpu.memory_space<vmem_shared>> -> memref<10240x128xf32, #tpu.memory_space<vmem_shared>>
      tpu.wait_indirect_dma semaphore(%arg13 : memref<!tpu.dma_semaphore, #tpu.memory_space<semaphore_mem>>) src(%arg8 : memref<128x128xf32, #tpu.memory_space<vmem>>) dst(%dma_wait3A_73 : memref<10240x128xf32, #tpu.memory_space<vmem_shared>>)
      %dma_wait3A_74 = arith.constant 7 : i32
      %dma_wait3A_75 = arith.constant 0 : i32
      %dma_wait3A_76 = tpu.memref_slice %arg7[%dma_wait3A_74, %dma_wait3A_75] : memref<8x128xi32, #tpu.memory_space<vmem>> -> memref<1x128xi32, #tpu.memory_space<vmem>>
      %dma_wait3A_77 = tpu.memref_squeeze %dma_wait3A_76 : memref<1x128xi32, #tpu.memory_space<vmem>> -> memref<128xi32, #tpu.memory_space<vmem>>
      %dma_wait3A_78 = arith.constant 0 : i32
      %dma_wait3A_79 = arith.constant 0 : i32
      %dma_wait3A_80 = tpu.memref_slice %arg10[%dma_wait3A_78, %dma_wait3A_79] : memref<10240x128xf32, #tpu.memory_space<vmem_shared>> -> memref<10240x128xf32, #tpu.memory_space<vmem_shared>>
      tpu.wait_indirect_dma semaphore(%arg14 : memref<!tpu.dma_semaphore, #tpu.memory_space<semaphore_mem>>) src(%arg9 : memref<128x128xf32, #tpu.memory_space<vmem>>) dst(%dma_wait3A_80 : memref<10240x128xf32, #tpu.memory_space<vmem_shared>>)
    }
    %barrier3A_38 = arith.constant 0 : index
    tpu.barrier barrier_id(%barrier3A_38)
    %mul3A_39 = arith.constant 640 : i32
    %mul3A_40 = arith.muli %arg1, %mul3A_39 : i32
    %mul3A_41 = arith.constant 640 : i32
    %mul3A_42 = arith.muli %arg1, %mul3A_41 : i32
    "tpu.region"() ({
      %run_scoped3A = tpu.sem_alloc : memref<!tpu.dma_semaphore, #tpu.memory_space<semaphore_mem>>
      %dma_start3A = arith.constant 0 : i32
      %dma_start3A_43 = tpu.memref_slice %arg5[%arg0, %mul3A_42, %dma_start3A] : memref<2x10240x128xf32, #tpu.memory_space<hbm>> -> memref<1x640x128xf32, #tpu.memory_space<hbm>>
      %dma_start3A_44 = tpu.memref_squeeze %dma_start3A_43 : memref<1x640x128xf32, #tpu.memory_space<hbm>> -> memref<640x128xf32, #tpu.memory_space<hbm>>
      %dma_start3A_45 = arith.constant 0 : i32
      %dma_start3A_46 = tpu.memref_slice %arg10[%mul3A_40, %dma_start3A_45] : memref<10240x128xf32, #tpu.memory_space<vmem_shared>> -> memref<640x128xf32, #tpu.memory_space<vmem_shared>>
      tpu.enqueue_dma source(%dma_start3A_46 : memref<640x128xf32, #tpu.memory_space<vmem_shared>>) target(%dma_start3A_44 : memref<640x128xf32, #tpu.memory_space<hbm>>) target_semaphore(%run_scoped3A : memref<!tpu.dma_semaphore, #tpu.memory_space<semaphore_mem>>)
      %dma_wait3A = arith.constant 0 : i32
      %dma_wait3A_47 = tpu.memref_slice %arg5[%arg0, %mul3A_42, %dma_wait3A] : memref<2x10240x128xf32, #tpu.memory_space<hbm>> -> memref<1x640x128xf32, #tpu.memory_space<hbm>>
      %dma_wait3A_48 = tpu.memref_squeeze %dma_wait3A_47 : memref<1x640x128xf32, #tpu.memory_space<hbm>> -> memref<640x128xf32, #tpu.memory_space<hbm>>
      %dma_wait3A_49 = arith.constant 0 : i32
      %dma_wait3A_50 = tpu.memref_slice %arg10[%mul3A_40, %dma_wait3A_49] : memref<10240x128xf32, #tpu.memory_space<vmem_shared>> -> memref<640x128xf32, #tpu.memory_space<vmem_shared>>
      tpu.wait_dma2 semaphore(%run_scoped3A : memref<!tpu.dma_semaphore, #tpu.memory_space<semaphore_mem>>) src(%dma_wait3A_50 : memref<640x128xf32, #tpu.memory_space<vmem_shared>>) dst(%dma_wait3A_48 : memref<640x128xf32, #tpu.memory_space<hbm>>)
      tpu.yield
    }) : () -> ()
    return
  }
}

#map = affine_map<(d0, d1) -> (0, 0)>
#map1 = affine_map<(d0, d1) -> (0, 0, 0)>
module attributes {stable_mosaic.version = 14 : i64} {
  func.func @_deg_body(%arg0: i32, %arg1: i32, %arg2: memref<2560x128xi32, #tpu.memory_space<hbm>>, %arg3: memref<10240x128xf32, #tpu.memory_space<hbm>>, %arg4: memref<128x128xf32, #tpu.memory_space<hbm>>, %arg5: memref<2x10240x128xf32, #tpu.memory_space<hbm>>, %arg6: memref<8x128xi32, #tpu.memory_space<vmem>>, %arg7: memref<128x128xf32, #tpu.memory_space<vmem>>, %arg8: memref<10240x128xf32, #tpu.memory_space<vmem_shared>>) attributes {dimension_semantics = [#tpu.dimension_semantics<core_parallel>, #tpu.dimension_semantics<subcore_parallel>], iteration_bounds = array<i64: 2, 16>, scalar_prefetch = 0 : i64, scratch_operands = 3 : i64, tpu.core_type = #tpu.core_type<sc_vector_subcore>, window_params = [{transform_indices = #map}, {transform_indices = #map}, {transform_indices = #map}, {transform_indices = #map1}]} {
    %mul3A = arith.constant 2 : i32
    %mul3A_0 = arith.muli %arg1, %mul3A : i32
    %add3A = arith.addi %mul3A_0, %arg0 : i32
    "tpu.region"() ({
      %run_scoped3A = tpu.sem_alloc : memref<!tpu.dma_semaphore, #tpu.memory_space<semaphore_mem>>
      tpu.enqueue_dma source(%arg4 : memref<128x128xf32, #tpu.memory_space<hbm>>) target(%arg7 : memref<128x128xf32, #tpu.memory_space<vmem>>) target_semaphore(%run_scoped3A : memref<!tpu.dma_semaphore, #tpu.memory_space<semaphore_mem>>)
      tpu.wait_dma2 semaphore(%run_scoped3A : memref<!tpu.dma_semaphore, #tpu.memory_space<semaphore_mem>>) src(%arg4 : memref<128x128xf32, #tpu.memory_space<hbm>>) dst(%arg7 : memref<128x128xf32, #tpu.memory_space<vmem>>)
      tpu.yield
    }) : () -> ()
    %mul3A_1 = arith.constant 640 : i32
    %mul3A_2 = arith.muli %arg1, %mul3A_1 : i32
    %mul3A_3 = arith.constant 640 : i32
    %mul3A_4 = arith.muli %arg1, %mul3A_3 : i32
    "tpu.region"() ({
      %run_scoped3A = tpu.sem_alloc : memref<!tpu.dma_semaphore, #tpu.memory_space<semaphore_mem>>
      %dma_start3A = arith.constant 0 : i32
      %dma_start3A_15 = tpu.memref_slice %arg8[%mul3A_4, %dma_start3A] : memref<10240x128xf32, #tpu.memory_space<vmem_shared>> -> memref<640x128xf32, #tpu.memory_space<vmem_shared>>
      %dma_start3A_16 = arith.constant 0 : i32
      %dma_start3A_17 = tpu.memref_slice %arg3[%mul3A_2, %dma_start3A_16] : memref<10240x128xf32, #tpu.memory_space<hbm>> -> memref<640x128xf32, #tpu.memory_space<hbm>>
      tpu.enqueue_dma source(%dma_start3A_17 : memref<640x128xf32, #tpu.memory_space<hbm>>) target(%dma_start3A_15 : memref<640x128xf32, #tpu.memory_space<vmem_shared>>) target_semaphore(%run_scoped3A : memref<!tpu.dma_semaphore, #tpu.memory_space<semaphore_mem>>)
      %dma_wait3A = arith.constant 0 : i32
      %dma_wait3A_18 = tpu.memref_slice %arg8[%mul3A_4, %dma_wait3A] : memref<10240x128xf32, #tpu.memory_space<vmem_shared>> -> memref<640x128xf32, #tpu.memory_space<vmem_shared>>
      %dma_wait3A_19 = arith.constant 0 : i32
      %dma_wait3A_20 = tpu.memref_slice %arg3[%mul3A_2, %dma_wait3A_19] : memref<10240x128xf32, #tpu.memory_space<hbm>> -> memref<640x128xf32, #tpu.memory_space<hbm>>
      tpu.wait_dma2 semaphore(%run_scoped3A : memref<!tpu.dma_semaphore, #tpu.memory_space<semaphore_mem>>) src(%dma_wait3A_20 : memref<640x128xf32, #tpu.memory_space<hbm>>) dst(%dma_wait3A_18 : memref<640x128xf32, #tpu.memory_space<vmem_shared>>)
      tpu.yield
    }) : () -> ()
    %barrier3A = arith.constant 0 : index
    tpu.barrier barrier_id(%barrier3A)
    %scan3A = arith.constant 0 : i32
    %scan3A_5 = arith.constant 0 : i32
    %scan3A_6 = arith.constant 10 : i32
    %scan3A_7 = arith.addi %scan3A_5, %scan3A_6 : i32
    %scan3A_8 = arith.constant 1 : i32
    scf.for %scan3A_15 = %scan3A_5 to %scan3A_7 step %scan3A_8  : i32 {
      %mul3A_16 = arith.constant 80 : i32
      %mul3A_17 = arith.muli %add3A, %mul3A_16 : i32
      %mul3A_18 = arith.constant 8 : i32
      %mul3A_19 = arith.muli %scan3A_15, %mul3A_18 : i32
      %add3A_20 = arith.addi %mul3A_17, %mul3A_19 : i32
      "tpu.region"() ({
        %run_scoped3A = tpu.sem_alloc : memref<!tpu.dma_semaphore, #tpu.memory_space<semaphore_mem>>
        %dma_start3A = arith.constant 0 : i32
        %dma_start3A_27 = tpu.memref_slice %arg2[%add3A_20, %dma_start3A] : memref<2560x128xi32, #tpu.memory_space<hbm>> -> memref<8x128xi32, #tpu.memory_space<hbm>>
        %dma_start3A_28 = arith.constant 0 : i32
        %dma_start3A_29 = tpu.memref_slice %arg2[%add3A_20, %dma_start3A_28] : memref<2560x128xi32, #tpu.memory_space<hbm>> -> memref<8x128xi32, #tpu.memory_space<hbm>>
        tpu.enqueue_dma source(%dma_start3A_29 : memref<8x128xi32, #tpu.memory_space<hbm>>) target(%arg6 : memref<8x128xi32, #tpu.memory_space<vmem>>) target_semaphore(%run_scoped3A : memref<!tpu.dma_semaphore, #tpu.memory_space<semaphore_mem>>)
        %dma_wait3A = arith.constant 0 : i32
        %dma_wait3A_30 = tpu.memref_slice %arg2[%add3A_20, %dma_wait3A] : memref<2560x128xi32, #tpu.memory_space<hbm>> -> memref<8x128xi32, #tpu.memory_space<hbm>>
        %dma_wait3A_31 = arith.constant 0 : i32
        %dma_wait3A_32 = tpu.memref_slice %arg2[%add3A_20, %dma_wait3A_31] : memref<2560x128xi32, #tpu.memory_space<hbm>> -> memref<8x128xi32, #tpu.memory_space<hbm>>
        tpu.wait_dma2 semaphore(%run_scoped3A : memref<!tpu.dma_semaphore, #tpu.memory_space<semaphore_mem>>) src(%dma_wait3A_32 : memref<8x128xi32, #tpu.memory_space<hbm>>) dst(%arg6 : memref<8x128xi32, #tpu.memory_space<vmem>>)
        tpu.yield
      }) : () -> ()
      %scan3A_21 = arith.constant 0 : i32
      %scan3A_22 = arith.constant 0 : i32
      %scan3A_23 = arith.constant 8 : i32
      %scan3A_24 = arith.addi %scan3A_22, %scan3A_23 : i32
      %scan3A_25 = arith.constant 1 : i32
      scf.for %scan3A_27 = %scan3A_22 to %scan3A_24 step %scan3A_25  : i32 {
        "tpu.region"() ({
          %run_scoped3A = tpu.sem_alloc : memref<!tpu.dma_semaphore, #tpu.memory_space<semaphore_mem>>
          %dma_start3A = arith.constant 0 : i32
          %dma_start3A_28 = tpu.memref_slice %arg6[%scan3A_27, %dma_start3A] : memref<8x128xi32, #tpu.memory_space<vmem>> -> memref<1x128xi32, #tpu.memory_space<vmem>>
          %dma_start3A_29 = tpu.memref_squeeze %dma_start3A_28 : memref<1x128xi32, #tpu.memory_space<vmem>> -> memref<128xi32, #tpu.memory_space<vmem>>
          %dma_start3A_30 = arith.constant 0 : i32
          %dma_start3A_31 = arith.constant 0 : i32
          %dma_start3A_32 = tpu.memref_slice %arg8[%dma_start3A_30, %dma_start3A_31] : memref<10240x128xf32, #tpu.memory_space<vmem_shared>> -> memref<10240x128xf32, #tpu.memory_space<vmem_shared>>
          tpu.enqueue_indirect_dma source(%arg7 : memref<128x128xf32, #tpu.memory_space<vmem>>) target(%dma_start3A_32 : memref<10240x128xf32, #tpu.memory_space<vmem_shared>>) offsets(%dma_start3A_29 : memref<128xi32, #tpu.memory_space<vmem>>) semaphore(%run_scoped3A : memref<!tpu.dma_semaphore, #tpu.memory_space<semaphore_mem>>) {add = true}
          %dma_wait3A = arith.constant 0 : i32
          %dma_wait3A_33 = tpu.memref_slice %arg6[%scan3A_27, %dma_wait3A] : memref<8x128xi32, #tpu.memory_space<vmem>> -> memref<1x128xi32, #tpu.memory_space<vmem>>
          %dma_wait3A_34 = tpu.memref_squeeze %dma_wait3A_33 : memref<1x128xi32, #tpu.memory_space<vmem>> -> memref<128xi32, #tpu.memory_space<vmem>>
          %dma_wait3A_35 = arith.constant 0 : i32
          %dma_wait3A_36 = arith.constant 0 : i32
          %dma_wait3A_37 = tpu.memref_slice %arg8[%dma_wait3A_35, %dma_wait3A_36] : memref<10240x128xf32, #tpu.memory_space<vmem_shared>> -> memref<10240x128xf32, #tpu.memory_space<vmem_shared>>
          tpu.wait_indirect_dma semaphore(%run_scoped3A : memref<!tpu.dma_semaphore, #tpu.memory_space<semaphore_mem>>) src(%arg7 : memref<128x128xf32, #tpu.memory_space<vmem>>) dst(%dma_wait3A_37 : memref<10240x128xf32, #tpu.memory_space<vmem_shared>>)
          tpu.yield
        }) : () -> ()
      }
      %scan3A_26 = arith.constant 8 : i32
    }
    %scan3A_9 = arith.constant 10 : i32
    %barrier3A_10 = arith.constant 0 : index
    tpu.barrier barrier_id(%barrier3A_10)
    %mul3A_11 = arith.constant 640 : i32
    %mul3A_12 = arith.muli %arg1, %mul3A_11 : i32
    %mul3A_13 = arith.constant 640 : i32
    %mul3A_14 = arith.muli %arg1, %mul3A_13 : i32
    "tpu.region"() ({
      %run_scoped3A = tpu.sem_alloc : memref<!tpu.dma_semaphore, #tpu.memory_space<semaphore_mem>>
      %dma_start3A = arith.constant 0 : i32
      %dma_start3A_15 = tpu.memref_slice %arg5[%arg0, %mul3A_14, %dma_start3A] : memref<2x10240x128xf32, #tpu.memory_space<hbm>> -> memref<1x640x128xf32, #tpu.memory_space<hbm>>
      %dma_start3A_16 = tpu.memref_squeeze %dma_start3A_15 : memref<1x640x128xf32, #tpu.memory_space<hbm>> -> memref<640x128xf32, #tpu.memory_space<hbm>>
      %dma_start3A_17 = arith.constant 0 : i32
      %dma_start3A_18 = tpu.memref_slice %arg8[%mul3A_12, %dma_start3A_17] : memref<10240x128xf32, #tpu.memory_space<vmem_shared>> -> memref<640x128xf32, #tpu.memory_space<vmem_shared>>
      tpu.enqueue_dma source(%dma_start3A_18 : memref<640x128xf32, #tpu.memory_space<vmem_shared>>) target(%dma_start3A_16 : memref<640x128xf32, #tpu.memory_space<hbm>>) target_semaphore(%run_scoped3A : memref<!tpu.dma_semaphore, #tpu.memory_space<semaphore_mem>>)
      %dma_wait3A = arith.constant 0 : i32
      %dma_wait3A_19 = tpu.memref_slice %arg5[%arg0, %mul3A_14, %dma_wait3A] : memref<2x10240x128xf32, #tpu.memory_space<hbm>> -> memref<1x640x128xf32, #tpu.memory_space<hbm>>
      %dma_wait3A_20 = tpu.memref_squeeze %dma_wait3A_19 : memref<1x640x128xf32, #tpu.memory_space<hbm>> -> memref<640x128xf32, #tpu.memory_space<hbm>>
      %dma_wait3A_21 = arith.constant 0 : i32
      %dma_wait3A_22 = tpu.memref_slice %arg8[%mul3A_12, %dma_wait3A_21] : memref<10240x128xf32, #tpu.memory_space<vmem_shared>> -> memref<640x128xf32, #tpu.memory_space<vmem_shared>>
      tpu.wait_dma2 semaphore(%run_scoped3A : memref<!tpu.dma_semaphore, #tpu.memory_space<semaphore_mem>>) src(%dma_wait3A_22 : memref<640x128xf32, #tpu.memory_space<vmem_shared>>) dst(%dma_wait3A_20 : memref<640x128xf32, #tpu.memory_space<hbm>>)
      tpu.yield
    }) : () -> ()
    return
  }
}

#map = affine_map<(d0, d1) -> (0, 0)>
#map1 = affine_map<(d0, d1) -> (0, 0, 0)>
module attributes {stable_mosaic.version = 14 : i64} {
  func.func @_agg_body(%arg0: i32, %arg1: i32, %arg2: memref<10000x128xf32, #tpu.memory_space<hbm>>, %arg3: memref<2560x128xi32, #tpu.memory_space<hbm>>, %arg4: memref<2560x128xi32, #tpu.memory_space<hbm>>, %arg5: memref<2x10240x128xf32, #tpu.memory_space<hbm>>, %arg6: memref<8x128xi32, #tpu.memory_space<vmem>>, %arg7: memref<8x128xi32, #tpu.memory_space<vmem>>, %arg8: memref<128x128xf32, #tpu.memory_space<vmem>>, %arg9: memref<128x128xf32, #tpu.memory_space<vmem>>, %arg10: memref<10240x128xf32, #tpu.memory_space<vmem_shared>>, %arg11: memref<!tpu.dma_semaphore, #tpu.memory_space<semaphore_mem>>, %arg12: memref<!tpu.dma_semaphore, #tpu.memory_space<semaphore_mem>>, %arg13: memref<!tpu.dma_semaphore, #tpu.memory_space<semaphore_mem>>, %arg14: memref<!tpu.dma_semaphore, #tpu.memory_space<semaphore_mem>>) attributes {dimension_semantics = [#tpu.dimension_semantics<core_parallel>, #tpu.dimension_semantics<subcore_parallel>], iteration_bounds = array<i64: 2, 16>, scalar_prefetch = 0 : i64, scratch_operands = 9 : i64, tpu.core_type = #tpu.core_type<sc_vector_subcore>, window_params = [{transform_indices = #map}, {transform_indices = #map}, {transform_indices = #map}, {transform_indices = #map1}]} {
    %mul3A = arith.constant 144 : i32
    %mul3A_0 = arith.muli %arg0, %mul3A : i32
    %sub3A = arith.constant 152 : i32
    %sub3A_1 = arith.subi %sub3A, %mul3A_0 : i32
    %mul3A_2 = arith.constant 2432 : i32
    %mul3A_3 = arith.muli %arg0, %mul3A_2 : i32
    %mul3A_4 = arith.muli %arg1, %sub3A_1 : i32
    %add3A = arith.addi %mul3A_3, %mul3A_4 : i32
    %ne3A = arith.constant 15 : i32
    %ne3A_5 = arith.cmpi ne, %arg1, %ne3A : i32
    %convert_element_type3A = arith.extui %ne3A_5 : i1 to i32
    %cond3A = arith.constant 0 : i32
    %cond3A_6 = arith.cmpi ne, %convert_element_type3A, %cond3A : i32
    scf.if %cond3A_6 {
      %mul3A_43 = arith.constant 640 : i32
      %mul3A_44 = arith.muli %arg1, %mul3A_43 : i32
      %mul3A_45 = arith.constant 640 : i32
      %mul3A_46 = arith.muli %arg1, %mul3A_45 : i32
      "tpu.region"() ({
        %run_scoped3A = tpu.sem_alloc : memref<!tpu.dma_semaphore, #tpu.memory_space<semaphore_mem>>
        %dma_start3A = arith.constant 0 : i32
        %dma_start3A_47 = tpu.memref_slice %arg10[%mul3A_46, %dma_start3A] : memref<10240x128xf32, #tpu.memory_space<vmem_shared>> -> memref<640x128xf32, #tpu.memory_space<vmem_shared>>
        %dma_start3A_48 = arith.constant 0 : i32
        %dma_start3A_49 = tpu.memref_slice %arg2[%mul3A_44, %dma_start3A_48] : memref<10000x128xf32, #tpu.memory_space<hbm>> -> memref<640x128xf32, #tpu.memory_space<hbm>>
        tpu.enqueue_dma source(%dma_start3A_49 : memref<640x128xf32, #tpu.memory_space<hbm>>) target(%dma_start3A_47 : memref<640x128xf32, #tpu.memory_space<vmem_shared>>) target_semaphore(%run_scoped3A : memref<!tpu.dma_semaphore, #tpu.memory_space<semaphore_mem>>)
        %dma_wait3A = arith.constant 0 : i32
        %dma_wait3A_50 = tpu.memref_slice %arg10[%mul3A_46, %dma_wait3A] : memref<10240x128xf32, #tpu.memory_space<vmem_shared>> -> memref<640x128xf32, #tpu.memory_space<vmem_shared>>
        %dma_wait3A_51 = arith.constant 0 : i32
        %dma_wait3A_52 = tpu.memref_slice %arg2[%mul3A_44, %dma_wait3A_51] : memref<10000x128xf32, #tpu.memory_space<hbm>> -> memref<640x128xf32, #tpu.memory_space<hbm>>
        tpu.wait_dma2 semaphore(%run_scoped3A : memref<!tpu.dma_semaphore, #tpu.memory_space<semaphore_mem>>) src(%dma_wait3A_52 : memref<640x128xf32, #tpu.memory_space<hbm>>) dst(%dma_wait3A_50 : memref<640x128xf32, #tpu.memory_space<vmem_shared>>)
        tpu.yield
      }) : () -> ()
    } else {
    }
    %eq3A = arith.constant 15 : i32
    %eq3A_7 = arith.cmpi eq, %arg1, %eq3A : i32
    %convert_element_type3A_8 = arith.extui %eq3A_7 : i1 to i32
    %cond3A_9 = arith.constant 0 : i32
    %cond3A_10 = arith.cmpi ne, %convert_element_type3A_8, %cond3A_9 : i32
    scf.if %cond3A_10 {
      "tpu.region"() ({
        %run_scoped3A = tpu.sem_alloc : memref<!tpu.dma_semaphore, #tpu.memory_space<semaphore_mem>>
        %dma_start3A = arith.constant 9600 : i32
        %dma_start3A_43 = arith.constant 0 : i32
        %dma_start3A_44 = tpu.memref_slice %arg10[%dma_start3A, %dma_start3A_43] : memref<10240x128xf32, #tpu.memory_space<vmem_shared>> -> memref<400x128xf32, #tpu.memory_space<vmem_shared>>
        %dma_start3A_45 = arith.constant 9600 : i32
        %dma_start3A_46 = arith.constant 0 : i32
        %dma_start3A_47 = tpu.memref_slice %arg2[%dma_start3A_45, %dma_start3A_46] : memref<10000x128xf32, #tpu.memory_space<hbm>> -> memref<400x128xf32, #tpu.memory_space<hbm>>
        tpu.enqueue_dma source(%dma_start3A_47 : memref<400x128xf32, #tpu.memory_space<hbm>>) target(%dma_start3A_44 : memref<400x128xf32, #tpu.memory_space<vmem_shared>>) target_semaphore(%run_scoped3A : memref<!tpu.dma_semaphore, #tpu.memory_space<semaphore_mem>>)
        %dma_wait3A = arith.constant 9600 : i32
        %dma_wait3A_48 = arith.constant 0 : i32
        %dma_wait3A_49 = tpu.memref_slice %arg10[%dma_wait3A, %dma_wait3A_48] : memref<10240x128xf32, #tpu.memory_space<vmem_shared>> -> memref<400x128xf32, #tpu.memory_space<vmem_shared>>
        %dma_wait3A_50 = arith.constant 9600 : i32
        %dma_wait3A_51 = arith.constant 0 : i32
        %dma_wait3A_52 = tpu.memref_slice %arg2[%dma_wait3A_50, %dma_wait3A_51] : memref<10000x128xf32, #tpu.memory_space<hbm>> -> memref<400x128xf32, #tpu.memory_space<hbm>>
        tpu.wait_dma2 semaphore(%run_scoped3A : memref<!tpu.dma_semaphore, #tpu.memory_space<semaphore_mem>>) src(%dma_wait3A_52 : memref<400x128xf32, #tpu.memory_space<hbm>>) dst(%dma_wait3A_49 : memref<400x128xf32, #tpu.memory_space<vmem_shared>>)
        tpu.yield
      }) : () -> ()
      "tpu.region"() ({
        %run_scoped3A = tpu.sem_alloc : memref<!tpu.dma_semaphore, #tpu.memory_space<semaphore_mem>>
        %dma_start3A = arith.constant 10000 : i32
        %dma_start3A_43 = arith.constant 0 : i32
        %dma_start3A_44 = tpu.memref_slice %arg10[%dma_start3A, %dma_start3A_43] : memref<10240x128xf32, #tpu.memory_space<vmem_shared>> -> memref<240x128xf32, #tpu.memory_space<vmem_shared>>
        %dma_start3A_45 = arith.constant 0 : i32
        %dma_start3A_46 = arith.constant 0 : i32
        %dma_start3A_47 = tpu.memref_slice %arg2[%dma_start3A_45, %dma_start3A_46] : memref<10000x128xf32, #tpu.memory_space<hbm>> -> memref<240x128xf32, #tpu.memory_space<hbm>>
        tpu.enqueue_dma source(%dma_start3A_47 : memref<240x128xf32, #tpu.memory_space<hbm>>) target(%dma_start3A_44 : memref<240x128xf32, #tpu.memory_space<vmem_shared>>) target_semaphore(%run_scoped3A : memref<!tpu.dma_semaphore, #tpu.memory_space<semaphore_mem>>)
        %dma_wait3A = arith.constant 10000 : i32
        %dma_wait3A_48 = arith.constant 0 : i32
        %dma_wait3A_49 = tpu.memref_slice %arg10[%dma_wait3A, %dma_wait3A_48] : memref<10240x128xf32, #tpu.memory_space<vmem_shared>> -> memref<240x128xf32, #tpu.memory_space<vmem_shared>>
        %dma_wait3A_50 = arith.constant 0 : i32
        %dma_wait3A_51 = arith.constant 0 : i32
        %dma_wait3A_52 = tpu.memref_slice %arg2[%dma_wait3A_50, %dma_wait3A_51] : memref<10000x128xf32, #tpu.memory_space<hbm>> -> memref<240x128xf32, #tpu.memory_space<hbm>>
        tpu.wait_dma2 semaphore(%run_scoped3A : memref<!tpu.dma_semaphore, #tpu.memory_space<semaphore_mem>>) src(%dma_wait3A_52 : memref<240x128xf32, #tpu.memory_space<hbm>>) dst(%dma_wait3A_49 : memref<240x128xf32, #tpu.memory_space<vmem_shared>>)
        tpu.yield
      }) : () -> ()
    } else {
    }
    %barrier3A = arith.constant 0 : index
    tpu.barrier barrier_id(%barrier3A)
    %jit3A = arith.constant 8 : i32
    %div3A = arith.divsi %sub3A_1, %jit3A : i32
    %sign3A = arith.constant 0 : i32
    %sign3A_11 = arith.cmpi sgt, %sub3A_1, %sign3A : i32
    %sign3A_12 = arith.extui %sign3A_11 : i1 to i32
    %sign3A_13 = arith.constant 0 : i32
    %sign3A_14 = arith.cmpi slt, %sub3A_1, %sign3A_13 : i32
    %sign3A_15 = arith.extui %sign3A_14 : i1 to i32
    %sign3A_16 = arith.subi %sign3A_12, %sign3A_15 : i32
    %sign3A_17 = arith.constant 0 : i32
    %sign3A_18 = arith.cmpi sgt, %jit3A, %sign3A_17 : i32
    %sign3A_19 = arith.extui %sign3A_18 : i1 to i32
    %sign3A_20 = arith.constant 0 : i32
    %sign3A_21 = arith.cmpi slt, %jit3A, %sign3A_20 : i32
    %sign3A_22 = arith.extui %sign3A_21 : i1 to i32
    %sign3A_23 = arith.subi %sign3A_19, %sign3A_22 : i32
    %ne3A_24 = arith.cmpi ne, %sign3A_16, %sign3A_23 : i32
    %rem3A = arith.remsi %sub3A_1, %jit3A : i32
    %ne3A_25 = arith.constant 0 : i32
    %ne3A_26 = arith.cmpi ne, %rem3A, %ne3A_25 : i32
    %and3A = arith.andi %ne3A_24, %ne3A_26 : i1
    %sub3A_27 = arith.constant 1 : i32
    %sub3A_28 = arith.subi %div3A, %sub3A_27 : i32
    %select_n3A = arith.select %and3A, %sub3A_28, %div3A : i32
    %while3A = arith.constant 0 : i32
    %while3A_29 = arith.constant 0 : i32
    %while3A_30 = arith.subi %select_n3A, %while3A_29 : i32
    %while3A_31 = arith.addi %while3A_29, %while3A_30 : i32
    %while3A_32 = arith.constant 1 : i32
    %while3A_33 = arith.divsi %while3A_30, %while3A_32 : i32
    %while3A_34 = arith.muli %while3A_33, %while3A_32 : i32
    %while3A_35 = arith.addi %while3A_29, %while3A_34 : i32
    %while3A_36 = arith.constant 1 : i32
    scf.for %while3A_43 = %while3A_29 to %while3A_35 step %while3A_36  : i32 {
      %mul3A_44 = arith.constant 8 : i32
      %mul3A_45 = arith.muli %while3A_43, %mul3A_44 : i32
      %add3A_46 = arith.addi %add3A, %mul3A_45 : i32
      "tpu.region"() ({
        %run_scoped3A = tpu.sem_alloc : memref<!tpu.dma_semaphore, #tpu.memory_space<semaphore_mem>>
        %dma_start3A_81 = arith.constant 0 : i32
        %dma_start3A_82 = tpu.memref_slice %arg3[%add3A_46, %dma_start3A_81] : memref<2560x128xi32, #tpu.memory_space<hbm>> -> memref<8x128xi32, #tpu.memory_space<hbm>>
        %dma_start3A_83 = arith.constant 0 : i32
        %dma_start3A_84 = tpu.memref_slice %arg3[%add3A_46, %dma_start3A_83] : memref<2560x128xi32, #tpu.memory_space<hbm>> -> memref<8x128xi32, #tpu.memory_space<hbm>>
        tpu.enqueue_dma source(%dma_start3A_84 : memref<8x128xi32, #tpu.memory_space<hbm>>) target(%arg6 : memref<8x128xi32, #tpu.memory_space<vmem>>) target_semaphore(%run_scoped3A : memref<!tpu.dma_semaphore, #tpu.memory_space<semaphore_mem>>)
        %dma_wait3A_85 = arith.constant 0 : i32
        %dma_wait3A_86 = tpu.memref_slice %arg3[%add3A_46, %dma_wait3A_85] : memref<2560x128xi32, #tpu.memory_space<hbm>> -> memref<8x128xi32, #tpu.memory_space<hbm>>
        %dma_wait3A_87 = arith.constant 0 : i32
        %dma_wait3A_88 = tpu.memref_slice %arg3[%add3A_46, %dma_wait3A_87] : memref<2560x128xi32, #tpu.memory_space<hbm>> -> memref<8x128xi32, #tpu.memory_space<hbm>>
        tpu.wait_dma2 semaphore(%run_scoped3A : memref<!tpu.dma_semaphore, #tpu.memory_space<semaphore_mem>>) src(%dma_wait3A_88 : memref<8x128xi32, #tpu.memory_space<hbm>>) dst(%arg6 : memref<8x128xi32, #tpu.memory_space<vmem>>)
        tpu.yield
      }) : () -> ()
      %mul3A_47 = arith.constant 8 : i32
      %mul3A_48 = arith.muli %while3A_43, %mul3A_47 : i32
      %add3A_49 = arith.addi %add3A, %mul3A_48 : i32
      "tpu.region"() ({
        %run_scoped3A = tpu.sem_alloc : memref<!tpu.dma_semaphore, #tpu.memory_space<semaphore_mem>>
        %dma_start3A_81 = arith.constant 0 : i32
        %dma_start3A_82 = tpu.memref_slice %arg4[%add3A_49, %dma_start3A_81] : memref<2560x128xi32, #tpu.memory_space<hbm>> -> memref<8x128xi32, #tpu.memory_space<hbm>>
        %dma_start3A_83 = arith.constant 0 : i32
        %dma_start3A_84 = tpu.memref_slice %arg4[%add3A_49, %dma_start3A_83] : memref<2560x128xi32, #tpu.memory_space<hbm>> -> memref<8x128xi32, #tpu.memory_space<hbm>>
        tpu.enqueue_dma source(%dma_start3A_84 : memref<8x128xi32, #tpu.memory_space<hbm>>) target(%arg7 : memref<8x128xi32, #tpu.memory_space<vmem>>) target_semaphore(%run_scoped3A : memref<!tpu.dma_semaphore, #tpu.memory_space<semaphore_mem>>)
        %dma_wait3A_85 = arith.constant 0 : i32
        %dma_wait3A_86 = tpu.memref_slice %arg4[%add3A_49, %dma_wait3A_85] : memref<2560x128xi32, #tpu.memory_space<hbm>> -> memref<8x128xi32, #tpu.memory_space<hbm>>
        %dma_wait3A_87 = arith.constant 0 : i32
        %dma_wait3A_88 = tpu.memref_slice %arg4[%add3A_49, %dma_wait3A_87] : memref<2560x128xi32, #tpu.memory_space<hbm>> -> memref<8x128xi32, #tpu.memory_space<hbm>>
        tpu.wait_dma2 semaphore(%run_scoped3A : memref<!tpu.dma_semaphore, #tpu.memory_space<semaphore_mem>>) src(%dma_wait3A_88 : memref<8x128xi32, #tpu.memory_space<hbm>>) dst(%arg7 : memref<8x128xi32, #tpu.memory_space<vmem>>)
        tpu.yield
      }) : () -> ()
      %dma_start3A = arith.constant 0 : i32
      %dma_start3A_50 = arith.constant 0 : i32
      %dma_start3A_51 = tpu.memref_slice %arg6[%dma_start3A, %dma_start3A_50] : memref<8x128xi32, #tpu.memory_space<vmem>> -> memref<1x128xi32, #tpu.memory_space<vmem>>
      %dma_start3A_52 = tpu.memref_squeeze %dma_start3A_51 : memref<1x128xi32, #tpu.memory_space<vmem>> -> memref<128xi32, #tpu.memory_space<vmem>>
      %dma_start3A_53 = arith.constant 0 : i32
      %dma_start3A_54 = arith.constant 0 : i32
      %dma_start3A_55 = tpu.memref_slice %arg2[%dma_start3A_53, %dma_start3A_54] : memref<10000x128xf32, #tpu.memory_space<hbm>> -> memref<10000x128xf32, #tpu.memory_space<hbm>>
      tpu.enqueue_indirect_dma source(%dma_start3A_55 : memref<10000x128xf32, #tpu.memory_space<hbm>>) target(%arg8 : memref<128x128xf32, #tpu.memory_space<vmem>>) offsets(%dma_start3A_52 : memref<128xi32, #tpu.memory_space<vmem>>) semaphore(%arg11 : memref<!tpu.dma_semaphore, #tpu.memory_space<semaphore_mem>>)
      %dma_start3A_56 = arith.constant 1 : i32
      %dma_start3A_57 = arith.constant 0 : i32
      %dma_start3A_58 = tpu.memref_slice %arg6[%dma_start3A_56, %dma_start3A_57] : memref<8x128xi32, #tpu.memory_space<vmem>> -> memref<1x128xi32, #tpu.memory_space<vmem>>
      %dma_start3A_59 = tpu.memref_squeeze %dma_start3A_58 : memref<1x128xi32, #tpu.memory_space<vmem>> -> memref<128xi32, #tpu.memory_space<vmem>>
      %dma_start3A_60 = arith.constant 0 : i32
      %dma_start3A_61 = arith.constant 0 : i32
      %dma_start3A_62 = tpu.memref_slice %arg2[%dma_start3A_60, %dma_start3A_61] : memref<10000x128xf32, #tpu.memory_space<hbm>> -> memref<10000x128xf32, #tpu.memory_space<hbm>>
      tpu.enqueue_indirect_dma source(%dma_start3A_62 : memref<10000x128xf32, #tpu.memory_space<hbm>>) target(%arg9 : memref<128x128xf32, #tpu.memory_space<vmem>>) offsets(%dma_start3A_59 : memref<128xi32, #tpu.memory_space<vmem>>) semaphore(%arg12 : memref<!tpu.dma_semaphore, #tpu.memory_space<semaphore_mem>>)
      %scan3A = arith.constant 0 : i32
      %scan3A_63 = arith.constant 0 : i32
      %scan3A_64 = arith.constant 4 : i32
      %scan3A_65 = arith.addi %scan3A_63, %scan3A_64 : i32
      %scan3A_66 = arith.constant 1 : i32
      scf.for %scan3A_81 = %scan3A_63 to %scan3A_65 step %scan3A_66  : i32 {
        %mul3A_82 = arith.constant 2 : i32
        %mul3A_83 = arith.muli %mul3A_82, %scan3A_81 : i32
        %dma_wait3A_84 = arith.constant 0 : i32
        %dma_wait3A_85 = tpu.memref_slice %arg6[%mul3A_83, %dma_wait3A_84] : memref<8x128xi32, #tpu.memory_space<vmem>> -> memref<1x128xi32, #tpu.memory_space<vmem>>
        %dma_wait3A_86 = tpu.memref_squeeze %dma_wait3A_85 : memref<1x128xi32, #tpu.memory_space<vmem>> -> memref<128xi32, #tpu.memory_space<vmem>>
        %dma_wait3A_87 = arith.constant 0 : i32
        %dma_wait3A_88 = arith.constant 0 : i32
        %dma_wait3A_89 = tpu.memref_slice %arg2[%dma_wait3A_87, %dma_wait3A_88] : memref<10000x128xf32, #tpu.memory_space<hbm>> -> memref<10000x128xf32, #tpu.memory_space<hbm>>
        tpu.wait_indirect_dma semaphore(%arg11 : memref<!tpu.dma_semaphore, #tpu.memory_space<semaphore_mem>>) src(%dma_wait3A_89 : memref<10000x128xf32, #tpu.memory_space<hbm>>) dst(%arg8 : memref<128x128xf32, #tpu.memory_space<vmem>>)
        %dma_start3A_90 = arith.constant 0 : i32
        %dma_start3A_91 = tpu.memref_slice %arg7[%mul3A_83, %dma_start3A_90] : memref<8x128xi32, #tpu.memory_space<vmem>> -> memref<1x128xi32, #tpu.memory_space<vmem>>
        %dma_start3A_92 = tpu.memref_squeeze %dma_start3A_91 : memref<1x128xi32, #tpu.memory_space<vmem>> -> memref<128xi32, #tpu.memory_space<vmem>>
        %dma_start3A_93 = arith.constant 0 : i32
        %dma_start3A_94 = arith.constant 0 : i32
        %dma_start3A_95 = tpu.memref_slice %arg10[%dma_start3A_93, %dma_start3A_94] : memref<10240x128xf32, #tpu.memory_space<vmem_shared>> -> memref<10240x128xf32, #tpu.memory_space<vmem_shared>>
        tpu.enqueue_indirect_dma source(%arg8 : memref<128x128xf32, #tpu.memory_space<vmem>>) target(%dma_start3A_95 : memref<10240x128xf32, #tpu.memory_space<vmem_shared>>) offsets(%dma_start3A_92 : memref<128xi32, #tpu.memory_space<vmem>>) semaphore(%arg13 : memref<!tpu.dma_semaphore, #tpu.memory_space<semaphore_mem>>) {add = true}
        %add3A_96 = arith.constant 1 : i32
        %add3A_97 = arith.addi %mul3A_83, %add3A_96 : i32
        %dma_wait3A_98 = arith.constant 0 : i32
        %dma_wait3A_99 = tpu.memref_slice %arg6[%add3A_97, %dma_wait3A_98] : memref<8x128xi32, #tpu.memory_space<vmem>> -> memref<1x128xi32, #tpu.memory_space<vmem>>
        %dma_wait3A_100 = tpu.memref_squeeze %dma_wait3A_99 : memref<1x128xi32, #tpu.memory_space<vmem>> -> memref<128xi32, #tpu.memory_space<vmem>>
        %dma_wait3A_101 = arith.constant 0 : i32
        %dma_wait3A_102 = arith.constant 0 : i32
        %dma_wait3A_103 = tpu.memref_slice %arg2[%dma_wait3A_101, %dma_wait3A_102] : memref<10000x128xf32, #tpu.memory_space<hbm>> -> memref<10000x128xf32, #tpu.memory_space<hbm>>
        tpu.wait_indirect_dma semaphore(%arg12 : memref<!tpu.dma_semaphore, #tpu.memory_space<semaphore_mem>>) src(%dma_wait3A_103 : memref<10000x128xf32, #tpu.memory_space<hbm>>) dst(%arg9 : memref<128x128xf32, #tpu.memory_space<vmem>>)
        %add3A_104 = arith.constant 1 : i32
        %add3A_105 = arith.addi %mul3A_83, %add3A_104 : i32
        %dma_start3A_106 = arith.constant 0 : i32
        %dma_start3A_107 = tpu.memref_slice %arg7[%add3A_105, %dma_start3A_106] : memref<8x128xi32, #tpu.memory_space<vmem>> -> memref<1x128xi32, #tpu.memory_space<vmem>>
        %dma_start3A_108 = tpu.memref_squeeze %dma_start3A_107 : memref<1x128xi32, #tpu.memory_space<vmem>> -> memref<128xi32, #tpu.memory_space<vmem>>
        %dma_start3A_109 = arith.constant 0 : i32
        %dma_start3A_110 = arith.constant 0 : i32
        %dma_start3A_111 = tpu.memref_slice %arg10[%dma_start3A_109, %dma_start3A_110] : memref<10240x128xf32, #tpu.memory_space<vmem_shared>> -> memref<10240x128xf32, #tpu.memory_space<vmem_shared>>
        tpu.enqueue_indirect_dma source(%arg9 : memref<128x128xf32, #tpu.memory_space<vmem>>) target(%dma_start3A_111 : memref<10240x128xf32, #tpu.memory_space<vmem_shared>>) offsets(%dma_start3A_108 : memref<128xi32, #tpu.memory_space<vmem>>) semaphore(%arg14 : memref<!tpu.dma_semaphore, #tpu.memory_space<semaphore_mem>>) {add = true}
        %add3A_112 = arith.constant 2 : i32
        %add3A_113 = arith.addi %mul3A_83, %add3A_112 : i32
        %lt3A = arith.constant 8 : i32
        %lt3A_114 = arith.cmpi slt, %add3A_113, %lt3A : i32
        %convert_element_type3A_115 = arith.extui %lt3A_114 : i1 to i32
        %cond3A_116 = arith.constant 0 : i32
        %cond3A_117 = arith.cmpi ne, %convert_element_type3A_115, %cond3A_116 : i32
        scf.if %cond3A_117 {
          %dma_wait3A_118 = arith.constant 0 : i32
          %dma_wait3A_119 = tpu.memref_slice %arg7[%mul3A_83, %dma_wait3A_118] : memref<8x128xi32, #tpu.memory_space<vmem>> -> memref<1x128xi32, #tpu.memory_space<vmem>>
          %dma_wait3A_120 = tpu.memref_squeeze %dma_wait3A_119 : memref<1x128xi32, #tpu.memory_space<vmem>> -> memref<128xi32, #tpu.memory_space<vmem>>
          %dma_wait3A_121 = arith.constant 0 : i32
          %dma_wait3A_122 = arith.constant 0 : i32
          %dma_wait3A_123 = tpu.memref_slice %arg10[%dma_wait3A_121, %dma_wait3A_122] : memref<10240x128xf32, #tpu.memory_space<vmem_shared>> -> memref<10240x128xf32, #tpu.memory_space<vmem_shared>>
          tpu.wait_indirect_dma semaphore(%arg13 : memref<!tpu.dma_semaphore, #tpu.memory_space<semaphore_mem>>) src(%arg8 : memref<128x128xf32, #tpu.memory_space<vmem>>) dst(%dma_wait3A_123 : memref<10240x128xf32, #tpu.memory_space<vmem_shared>>)
          %add3A_124 = arith.constant 2 : i32
          %add3A_125 = arith.addi %mul3A_83, %add3A_124 : i32
          %dma_start3A_126 = arith.constant 0 : i32
          %dma_start3A_127 = tpu.memref_slice %arg6[%add3A_125, %dma_start3A_126] : memref<8x128xi32, #tpu.memory_space<vmem>> -> memref<1x128xi32, #tpu.memory_space<vmem>>
          %dma_start3A_128 = tpu.memref_squeeze %dma_start3A_127 : memref<1x128xi32, #tpu.memory_space<vmem>> -> memref<128xi32, #tpu.memory_space<vmem>>
          %dma_start3A_129 = arith.constant 0 : i32
          %dma_start3A_130 = arith.constant 0 : i32
          %dma_start3A_131 = tpu.memref_slice %arg2[%dma_start3A_129, %dma_start3A_130] : memref<10000x128xf32, #tpu.memory_space<hbm>> -> memref<10000x128xf32, #tpu.memory_space<hbm>>
          tpu.enqueue_indirect_dma source(%dma_start3A_131 : memref<10000x128xf32, #tpu.memory_space<hbm>>) target(%arg8 : memref<128x128xf32, #tpu.memory_space<vmem>>) offsets(%dma_start3A_128 : memref<128xi32, #tpu.memory_space<vmem>>) semaphore(%arg11 : memref<!tpu.dma_semaphore, #tpu.memory_space<semaphore_mem>>)
          %add3A_132 = arith.constant 1 : i32
          %add3A_133 = arith.addi %mul3A_83, %add3A_132 : i32
          %dma_wait3A_134 = arith.constant 0 : i32
          %dma_wait3A_135 = tpu.memref_slice %arg7[%add3A_133, %dma_wait3A_134] : memref<8x128xi32, #tpu.memory_space<vmem>> -> memref<1x128xi32, #tpu.memory_space<vmem>>
          %dma_wait3A_136 = tpu.memref_squeeze %dma_wait3A_135 : memref<1x128xi32, #tpu.memory_space<vmem>> -> memref<128xi32, #tpu.memory_space<vmem>>
          %dma_wait3A_137 = arith.constant 0 : i32
          %dma_wait3A_138 = arith.constant 0 : i32
          %dma_wait3A_139 = tpu.memref_slice %arg10[%dma_wait3A_137, %dma_wait3A_138] : memref<10240x128xf32, #tpu.memory_space<vmem_shared>> -> memref<10240x128xf32, #tpu.memory_space<vmem_shared>>
          tpu.wait_indirect_dma semaphore(%arg14 : memref<!tpu.dma_semaphore, #tpu.memory_space<semaphore_mem>>) src(%arg9 : memref<128x128xf32, #tpu.memory_space<vmem>>) dst(%dma_wait3A_139 : memref<10240x128xf32, #tpu.memory_space<vmem_shared>>)
          %add3A_140 = arith.constant 3 : i32
          %add3A_141 = arith.addi %mul3A_83, %add3A_140 : i32
          %dma_start3A_142 = arith.constant 0 : i32
          %dma_start3A_143 = tpu.memref_slice %arg6[%add3A_141, %dma_start3A_142] : memref<8x128xi32, #tpu.memory_space<vmem>> -> memref<1x128xi32, #tpu.memory_space<vmem>>
          %dma_start3A_144 = tpu.memref_squeeze %dma_start3A_143 : memref<1x128xi32, #tpu.memory_space<vmem>> -> memref<128xi32, #tpu.memory_space<vmem>>
          %dma_start3A_145 = arith.constant 0 : i32
          %dma_start3A_146 = arith.constant 0 : i32
          %dma_start3A_147 = tpu.memref_slice %arg2[%dma_start3A_145, %dma_start3A_146] : memref<10000x128xf32, #tpu.memory_space<hbm>> -> memref<10000x128xf32, #tpu.memory_space<hbm>>
          tpu.enqueue_indirect_dma source(%dma_start3A_147 : memref<10000x128xf32, #tpu.memory_space<hbm>>) target(%arg9 : memref<128x128xf32, #tpu.memory_space<vmem>>) offsets(%dma_start3A_144 : memref<128xi32, #tpu.memory_space<vmem>>) semaphore(%arg12 : memref<!tpu.dma_semaphore, #tpu.memory_space<semaphore_mem>>)
        } else {
        }
      }
      %scan3A_67 = arith.constant 4 : i32
      %dma_wait3A = arith.constant 6 : i32
      %dma_wait3A_68 = arith.constant 0 : i32
      %dma_wait3A_69 = tpu.memref_slice %arg7[%dma_wait3A, %dma_wait3A_68] : memref<8x128xi32, #tpu.memory_space<vmem>> -> memref<1x128xi32, #tpu.memory_space<vmem>>
      %dma_wait3A_70 = tpu.memref_squeeze %dma_wait3A_69 : memref<1x128xi32, #tpu.memory_space<vmem>> -> memref<128xi32, #tpu.memory_space<vmem>>
      %dma_wait3A_71 = arith.constant 0 : i32
      %dma_wait3A_72 = arith.constant 0 : i32
      %dma_wait3A_73 = tpu.memref_slice %arg10[%dma_wait3A_71, %dma_wait3A_72] : memref<10240x128xf32, #tpu.memory_space<vmem_shared>> -> memref<10240x128xf32, #tpu.memory_space<vmem_shared>>
      tpu.wait_indirect_dma semaphore(%arg13 : memref<!tpu.dma_semaphore, #tpu.memory_space<semaphore_mem>>) src(%arg8 : memref<128x128xf32, #tpu.memory_space<vmem>>) dst(%dma_wait3A_73 : memref<10240x128xf32, #tpu.memory_space<vmem_shared>>)
      %dma_wait3A_74 = arith.constant 7 : i32
      %dma_wait3A_75 = arith.constant 0 : i32
      %dma_wait3A_76 = tpu.memref_slice %arg7[%dma_wait3A_74, %dma_wait3A_75] : memref<8x128xi32, #tpu.memory_space<vmem>> -> memref<1x128xi32, #tpu.memory_space<vmem>>
      %dma_wait3A_77 = tpu.memref_squeeze %dma_wait3A_76 : memref<1x128xi32, #tpu.memory_space<vmem>> -> memref<128xi32, #tpu.memory_space<vmem>>
      %dma_wait3A_78 = arith.constant 0 : i32
      %dma_wait3A_79 = arith.constant 0 : i32
      %dma_wait3A_80 = tpu.memref_slice %arg10[%dma_wait3A_78, %dma_wait3A_79] : memref<10240x128xf32, #tpu.memory_space<vmem_shared>> -> memref<10240x128xf32, #tpu.memory_space<vmem_shared>>
      tpu.wait_indirect_dma semaphore(%arg14 : memref<!tpu.dma_semaphore, #tpu.memory_space<semaphore_mem>>) src(%arg9 : memref<128x128xf32, #tpu.memory_space<vmem>>) dst(%dma_wait3A_80 : memref<10240x128xf32, #tpu.memory_space<vmem_shared>>)
    }
    %while3A_37 = arith.constant 1 : i32
    scf.for %while3A_43 = %while3A_35 to %while3A_31 step %while3A_37  : i32 {
      %mul3A_44 = arith.constant 8 : i32
      %mul3A_45 = arith.muli %while3A_43, %mul3A_44 : i32
      %add3A_46 = arith.addi %add3A, %mul3A_45 : i32
      "tpu.region"() ({
        %run_scoped3A = tpu.sem_alloc : memref<!tpu.dma_semaphore, #tpu.memory_space<semaphore_mem>>
        %dma_start3A_81 = arith.constant 0 : i32
        %dma_start3A_82 = tpu.memref_slice %arg3[%add3A_46, %dma_start3A_81] : memref<2560x128xi32, #tpu.memory_space<hbm>> -> memref<8x128xi32, #tpu.memory_space<hbm>>
        %dma_start3A_83 = arith.constant 0 : i32
        %dma_start3A_84 = tpu.memref_slice %arg3[%add3A_46, %dma_start3A_83] : memref<2560x128xi32, #tpu.memory_space<hbm>> -> memref<8x128xi32, #tpu.memory_space<hbm>>
        tpu.enqueue_dma source(%dma_start3A_84 : memref<8x128xi32, #tpu.memory_space<hbm>>) target(%arg6 : memref<8x128xi32, #tpu.memory_space<vmem>>) target_semaphore(%run_scoped3A : memref<!tpu.dma_semaphore, #tpu.memory_space<semaphore_mem>>)
        %dma_wait3A_85 = arith.constant 0 : i32
        %dma_wait3A_86 = tpu.memref_slice %arg3[%add3A_46, %dma_wait3A_85] : memref<2560x128xi32, #tpu.memory_space<hbm>> -> memref<8x128xi32, #tpu.memory_space<hbm>>
        %dma_wait3A_87 = arith.constant 0 : i32
        %dma_wait3A_88 = tpu.memref_slice %arg3[%add3A_46, %dma_wait3A_87] : memref<2560x128xi32, #tpu.memory_space<hbm>> -> memref<8x128xi32, #tpu.memory_space<hbm>>
        tpu.wait_dma2 semaphore(%run_scoped3A : memref<!tpu.dma_semaphore, #tpu.memory_space<semaphore_mem>>) src(%dma_wait3A_88 : memref<8x128xi32, #tpu.memory_space<hbm>>) dst(%arg6 : memref<8x128xi32, #tpu.memory_space<vmem>>)
        tpu.yield
      }) : () -> ()
      %mul3A_47 = arith.constant 8 : i32
      %mul3A_48 = arith.muli %while3A_43, %mul3A_47 : i32
      %add3A_49 = arith.addi %add3A, %mul3A_48 : i32
      "tpu.region"() ({
        %run_scoped3A = tpu.sem_alloc : memref<!tpu.dma_semaphore, #tpu.memory_space<semaphore_mem>>
        %dma_start3A_81 = arith.constant 0 : i32
        %dma_start3A_82 = tpu.memref_slice %arg4[%add3A_49, %dma_start3A_81] : memref<2560x128xi32, #tpu.memory_space<hbm>> -> memref<8x128xi32, #tpu.memory_space<hbm>>
        %dma_start3A_83 = arith.constant 0 : i32
        %dma_start3A_84 = tpu.memref_slice %arg4[%add3A_49, %dma_start3A_83] : memref<2560x128xi32, #tpu.memory_space<hbm>> -> memref<8x128xi32, #tpu.memory_space<hbm>>
        tpu.enqueue_dma source(%dma_start3A_84 : memref<8x128xi32, #tpu.memory_space<hbm>>) target(%arg7 : memref<8x128xi32, #tpu.memory_space<vmem>>) target_semaphore(%run_scoped3A : memref<!tpu.dma_semaphore, #tpu.memory_space<semaphore_mem>>)
        %dma_wait3A_85 = arith.constant 0 : i32
        %dma_wait3A_86 = tpu.memref_slice %arg4[%add3A_49, %dma_wait3A_85] : memref<2560x128xi32, #tpu.memory_space<hbm>> -> memref<8x128xi32, #tpu.memory_space<hbm>>
        %dma_wait3A_87 = arith.constant 0 : i32
        %dma_wait3A_88 = tpu.memref_slice %arg4[%add3A_49, %dma_wait3A_87] : memref<2560x128xi32, #tpu.memory_space<hbm>> -> memref<8x128xi32, #tpu.memory_space<hbm>>
        tpu.wait_dma2 semaphore(%run_scoped3A : memref<!tpu.dma_semaphore, #tpu.memory_space<semaphore_mem>>) src(%dma_wait3A_88 : memref<8x128xi32, #tpu.memory_space<hbm>>) dst(%arg7 : memref<8x128xi32, #tpu.memory_space<vmem>>)
        tpu.yield
      }) : () -> ()
      %dma_start3A = arith.constant 0 : i32
      %dma_start3A_50 = arith.constant 0 : i32
      %dma_start3A_51 = tpu.memref_slice %arg6[%dma_start3A, %dma_start3A_50] : memref<8x128xi32, #tpu.memory_space<vmem>> -> memref<1x128xi32, #tpu.memory_space<vmem>>
      %dma_start3A_52 = tpu.memref_squeeze %dma_start3A_51 : memref<1x128xi32, #tpu.memory_space<vmem>> -> memref<128xi32, #tpu.memory_space<vmem>>
      %dma_start3A_53 = arith.constant 0 : i32
      %dma_start3A_54 = arith.constant 0 : i32
      %dma_start3A_55 = tpu.memref_slice %arg2[%dma_start3A_53, %dma_start3A_54] : memref<10000x128xf32, #tpu.memory_space<hbm>> -> memref<10000x128xf32, #tpu.memory_space<hbm>>
      tpu.enqueue_indirect_dma source(%dma_start3A_55 : memref<10000x128xf32, #tpu.memory_space<hbm>>) target(%arg8 : memref<128x128xf32, #tpu.memory_space<vmem>>) offsets(%dma_start3A_52 : memref<128xi32, #tpu.memory_space<vmem>>) semaphore(%arg11 : memref<!tpu.dma_semaphore, #tpu.memory_space<semaphore_mem>>)
      %dma_start3A_56 = arith.constant 1 : i32
      %dma_start3A_57 = arith.constant 0 : i32
      %dma_start3A_58 = tpu.memref_slice %arg6[%dma_start3A_56, %dma_start3A_57] : memref<8x128xi32, #tpu.memory_space<vmem>> -> memref<1x128xi32, #tpu.memory_space<vmem>>
      %dma_start3A_59 = tpu.memref_squeeze %dma_start3A_58 : memref<1x128xi32, #tpu.memory_space<vmem>> -> memref<128xi32, #tpu.memory_space<vmem>>
      %dma_start3A_60 = arith.constant 0 : i32
      %dma_start3A_61 = arith.constant 0 : i32
      %dma_start3A_62 = tpu.memref_slice %arg2[%dma_start3A_60, %dma_start3A_61] : memref<10000x128xf32, #tpu.memory_space<hbm>> -> memref<10000x128xf32, #tpu.memory_space<hbm>>
      tpu.enqueue_indirect_dma source(%dma_start3A_62 : memref<10000x128xf32, #tpu.memory_space<hbm>>) target(%arg9 : memref<128x128xf32, #tpu.memory_space<vmem>>) offsets(%dma_start3A_59 : memref<128xi32, #tpu.memory_space<vmem>>) semaphore(%arg12 : memref<!tpu.dma_semaphore, #tpu.memory_space<semaphore_mem>>)
      %scan3A = arith.constant 0 : i32
      %scan3A_63 = arith.constant 0 : i32
      %scan3A_64 = arith.constant 4 : i32
      %scan3A_65 = arith.addi %scan3A_63, %scan3A_64 : i32
      %scan3A_66 = arith.constant 1 : i32
      scf.for %scan3A_81 = %scan3A_63 to %scan3A_65 step %scan3A_66  : i32 {
        %mul3A_82 = arith.constant 2 : i32
        %mul3A_83 = arith.muli %mul3A_82, %scan3A_81 : i32
        %dma_wait3A_84 = arith.constant 0 : i32
        %dma_wait3A_85 = tpu.memref_slice %arg6[%mul3A_83, %dma_wait3A_84] : memref<8x128xi32, #tpu.memory_space<vmem>> -> memref<1x128xi32, #tpu.memory_space<vmem>>
        %dma_wait3A_86 = tpu.memref_squeeze %dma_wait3A_85 : memref<1x128xi32, #tpu.memory_space<vmem>> -> memref<128xi32, #tpu.memory_space<vmem>>
        %dma_wait3A_87 = arith.constant 0 : i32
        %dma_wait3A_88 = arith.constant 0 : i32
        %dma_wait3A_89 = tpu.memref_slice %arg2[%dma_wait3A_87, %dma_wait3A_88] : memref<10000x128xf32, #tpu.memory_space<hbm>> -> memref<10000x128xf32, #tpu.memory_space<hbm>>
        tpu.wait_indirect_dma semaphore(%arg11 : memref<!tpu.dma_semaphore, #tpu.memory_space<semaphore_mem>>) src(%dma_wait3A_89 : memref<10000x128xf32, #tpu.memory_space<hbm>>) dst(%arg8 : memref<128x128xf32, #tpu.memory_space<vmem>>)
        %dma_start3A_90 = arith.constant 0 : i32
        %dma_start3A_91 = tpu.memref_slice %arg7[%mul3A_83, %dma_start3A_90] : memref<8x128xi32, #tpu.memory_space<vmem>> -> memref<1x128xi32, #tpu.memory_space<vmem>>
        %dma_start3A_92 = tpu.memref_squeeze %dma_start3A_91 : memref<1x128xi32, #tpu.memory_space<vmem>> -> memref<128xi32, #tpu.memory_space<vmem>>
        %dma_start3A_93 = arith.constant 0 : i32
        %dma_start3A_94 = arith.constant 0 : i32
        %dma_start3A_95 = tpu.memref_slice %arg10[%dma_start3A_93, %dma_start3A_94] : memref<10240x128xf32, #tpu.memory_space<vmem_shared>> -> memref<10240x128xf32, #tpu.memory_space<vmem_shared>>
        tpu.enqueue_indirect_dma source(%arg8 : memref<128x128xf32, #tpu.memory_space<vmem>>) target(%dma_start3A_95 : memref<10240x128xf32, #tpu.memory_space<vmem_shared>>) offsets(%dma_start3A_92 : memref<128xi32, #tpu.memory_space<vmem>>) semaphore(%arg13 : memref<!tpu.dma_semaphore, #tpu.memory_space<semaphore_mem>>) {add = true}
        %add3A_96 = arith.constant 1 : i32
        %add3A_97 = arith.addi %mul3A_83, %add3A_96 : i32
        %dma_wait3A_98 = arith.constant 0 : i32
        %dma_wait3A_99 = tpu.memref_slice %arg6[%add3A_97, %dma_wait3A_98] : memref<8x128xi32, #tpu.memory_space<vmem>> -> memref<1x128xi32, #tpu.memory_space<vmem>>
        %dma_wait3A_100 = tpu.memref_squeeze %dma_wait3A_99 : memref<1x128xi32, #tpu.memory_space<vmem>> -> memref<128xi32, #tpu.memory_space<vmem>>
        %dma_wait3A_101 = arith.constant 0 : i32
        %dma_wait3A_102 = arith.constant 0 : i32
        %dma_wait3A_103 = tpu.memref_slice %arg2[%dma_wait3A_101, %dma_wait3A_102] : memref<10000x128xf32, #tpu.memory_space<hbm>> -> memref<10000x128xf32, #tpu.memory_space<hbm>>
        tpu.wait_indirect_dma semaphore(%arg12 : memref<!tpu.dma_semaphore, #tpu.memory_space<semaphore_mem>>) src(%dma_wait3A_103 : memref<10000x128xf32, #tpu.memory_space<hbm>>) dst(%arg9 : memref<128x128xf32, #tpu.memory_space<vmem>>)
        %add3A_104 = arith.constant 1 : i32
        %add3A_105 = arith.addi %mul3A_83, %add3A_104 : i32
        %dma_start3A_106 = arith.constant 0 : i32
        %dma_start3A_107 = tpu.memref_slice %arg7[%add3A_105, %dma_start3A_106] : memref<8x128xi32, #tpu.memory_space<vmem>> -> memref<1x128xi32, #tpu.memory_space<vmem>>
        %dma_start3A_108 = tpu.memref_squeeze %dma_start3A_107 : memref<1x128xi32, #tpu.memory_space<vmem>> -> memref<128xi32, #tpu.memory_space<vmem>>
        %dma_start3A_109 = arith.constant 0 : i32
        %dma_start3A_110 = arith.constant 0 : i32
        %dma_start3A_111 = tpu.memref_slice %arg10[%dma_start3A_109, %dma_start3A_110] : memref<10240x128xf32, #tpu.memory_space<vmem_shared>> -> memref<10240x128xf32, #tpu.memory_space<vmem_shared>>
        tpu.enqueue_indirect_dma source(%arg9 : memref<128x128xf32, #tpu.memory_space<vmem>>) target(%dma_start3A_111 : memref<10240x128xf32, #tpu.memory_space<vmem_shared>>) offsets(%dma_start3A_108 : memref<128xi32, #tpu.memory_space<vmem>>) semaphore(%arg14 : memref<!tpu.dma_semaphore, #tpu.memory_space<semaphore_mem>>) {add = true}
        %add3A_112 = arith.constant 2 : i32
        %add3A_113 = arith.addi %mul3A_83, %add3A_112 : i32
        %lt3A = arith.constant 8 : i32
        %lt3A_114 = arith.cmpi slt, %add3A_113, %lt3A : i32
        %convert_element_type3A_115 = arith.extui %lt3A_114 : i1 to i32
        %cond3A_116 = arith.constant 0 : i32
        %cond3A_117 = arith.cmpi ne, %convert_element_type3A_115, %cond3A_116 : i32
        scf.if %cond3A_117 {
          %dma_wait3A_118 = arith.constant 0 : i32
          %dma_wait3A_119 = tpu.memref_slice %arg7[%mul3A_83, %dma_wait3A_118] : memref<8x128xi32, #tpu.memory_space<vmem>> -> memref<1x128xi32, #tpu.memory_space<vmem>>
          %dma_wait3A_120 = tpu.memref_squeeze %dma_wait3A_119 : memref<1x128xi32, #tpu.memory_space<vmem>> -> memref<128xi32, #tpu.memory_space<vmem>>
          %dma_wait3A_121 = arith.constant 0 : i32
          %dma_wait3A_122 = arith.constant 0 : i32
          %dma_wait3A_123 = tpu.memref_slice %arg10[%dma_wait3A_121, %dma_wait3A_122] : memref<10240x128xf32, #tpu.memory_space<vmem_shared>> -> memref<10240x128xf32, #tpu.memory_space<vmem_shared>>
          tpu.wait_indirect_dma semaphore(%arg13 : memref<!tpu.dma_semaphore, #tpu.memory_space<semaphore_mem>>) src(%arg8 : memref<128x128xf32, #tpu.memory_space<vmem>>) dst(%dma_wait3A_123 : memref<10240x128xf32, #tpu.memory_space<vmem_shared>>)
          %add3A_124 = arith.constant 2 : i32
          %add3A_125 = arith.addi %mul3A_83, %add3A_124 : i32
          %dma_start3A_126 = arith.constant 0 : i32
          %dma_start3A_127 = tpu.memref_slice %arg6[%add3A_125, %dma_start3A_126] : memref<8x128xi32, #tpu.memory_space<vmem>> -> memref<1x128xi32, #tpu.memory_space<vmem>>
          %dma_start3A_128 = tpu.memref_squeeze %dma_start3A_127 : memref<1x128xi32, #tpu.memory_space<vmem>> -> memref<128xi32, #tpu.memory_space<vmem>>
          %dma_start3A_129 = arith.constant 0 : i32
          %dma_start3A_130 = arith.constant 0 : i32
          %dma_start3A_131 = tpu.memref_slice %arg2[%dma_start3A_129, %dma_start3A_130] : memref<10000x128xf32, #tpu.memory_space<hbm>> -> memref<10000x128xf32, #tpu.memory_space<hbm>>
          tpu.enqueue_indirect_dma source(%dma_start3A_131 : memref<10000x128xf32, #tpu.memory_space<hbm>>) target(%arg8 : memref<128x128xf32, #tpu.memory_space<vmem>>) offsets(%dma_start3A_128 : memref<128xi32, #tpu.memory_space<vmem>>) semaphore(%arg11 : memref<!tpu.dma_semaphore, #tpu.memory_space<semaphore_mem>>)
          %add3A_132 = arith.constant 1 : i32
          %add3A_133 = arith.addi %mul3A_83, %add3A_132 : i32
          %dma_wait3A_134 = arith.constant 0 : i32
          %dma_wait3A_135 = tpu.memref_slice %arg7[%add3A_133, %dma_wait3A_134] : memref<8x128xi32, #tpu.memory_space<vmem>> -> memref<1x128xi32, #tpu.memory_space<vmem>>
          %dma_wait3A_136 = tpu.memref_squeeze %dma_wait3A_135 : memref<1x128xi32, #tpu.memory_space<vmem>> -> memref<128xi32, #tpu.memory_space<vmem>>
          %dma_wait3A_137 = arith.constant 0 : i32
          %dma_wait3A_138 = arith.constant 0 : i32
          %dma_wait3A_139 = tpu.memref_slice %arg10[%dma_wait3A_137, %dma_wait3A_138] : memref<10240x128xf32, #tpu.memory_space<vmem_shared>> -> memref<10240x128xf32, #tpu.memory_space<vmem_shared>>
          tpu.wait_indirect_dma semaphore(%arg14 : memref<!tpu.dma_semaphore, #tpu.memory_space<semaphore_mem>>) src(%arg9 : memref<128x128xf32, #tpu.memory_space<vmem>>) dst(%dma_wait3A_139 : memref<10240x128xf32, #tpu.memory_space<vmem_shared>>)
          %add3A_140 = arith.constant 3 : i32
          %add3A_141 = arith.addi %mul3A_83, %add3A_140 : i32
          %dma_start3A_142 = arith.constant 0 : i32
          %dma_start3A_143 = tpu.memref_slice %arg6[%add3A_141, %dma_start3A_142] : memref<8x128xi32, #tpu.memory_space<vmem>> -> memref<1x128xi32, #tpu.memory_space<vmem>>
          %dma_start3A_144 = tpu.memref_squeeze %dma_start3A_143 : memref<1x128xi32, #tpu.memory_space<vmem>> -> memref<128xi32, #tpu.memory_space<vmem>>
          %dma_start3A_145 = arith.constant 0 : i32
          %dma_start3A_146 = arith.constant 0 : i32
          %dma_start3A_147 = tpu.memref_slice %arg2[%dma_start3A_145, %dma_start3A_146] : memref<10000x128xf32, #tpu.memory_space<hbm>> -> memref<10000x128xf32, #tpu.memory_space<hbm>>
          tpu.enqueue_indirect_dma source(%dma_start3A_147 : memref<10000x128xf32, #tpu.memory_space<hbm>>) target(%arg9 : memref<128x128xf32, #tpu.memory_space<vmem>>) offsets(%dma_start3A_144 : memref<128xi32, #tpu.memory_space<vmem>>) semaphore(%arg12 : memref<!tpu.dma_semaphore, #tpu.memory_space<semaphore_mem>>)
        } else {
        }
      }
      %scan3A_67 = arith.constant 4 : i32
      %dma_wait3A = arith.constant 6 : i32
      %dma_wait3A_68 = arith.constant 0 : i32
      %dma_wait3A_69 = tpu.memref_slice %arg7[%dma_wait3A, %dma_wait3A_68] : memref<8x128xi32, #tpu.memory_space<vmem>> -> memref<1x128xi32, #tpu.memory_space<vmem>>
      %dma_wait3A_70 = tpu.memref_squeeze %dma_wait3A_69 : memref<1x128xi32, #tpu.memory_space<vmem>> -> memref<128xi32, #tpu.memory_space<vmem>>
      %dma_wait3A_71 = arith.constant 0 : i32
      %dma_wait3A_72 = arith.constant 0 : i32
      %dma_wait3A_73 = tpu.memref_slice %arg10[%dma_wait3A_71, %dma_wait3A_72] : memref<10240x128xf32, #tpu.memory_space<vmem_shared>> -> memref<10240x128xf32, #tpu.memory_space<vmem_shared>>
      tpu.wait_indirect_dma semaphore(%arg13 : memref<!tpu.dma_semaphore, #tpu.memory_space<semaphore_mem>>) src(%arg8 : memref<128x128xf32, #tpu.memory_space<vmem>>) dst(%dma_wait3A_73 : memref<10240x128xf32, #tpu.memory_space<vmem_shared>>)
      %dma_wait3A_74 = arith.constant 7 : i32
      %dma_wait3A_75 = arith.constant 0 : i32
      %dma_wait3A_76 = tpu.memref_slice %arg7[%dma_wait3A_74, %dma_wait3A_75] : memref<8x128xi32, #tpu.memory_space<vmem>> -> memref<1x128xi32, #tpu.memory_space<vmem>>
      %dma_wait3A_77 = tpu.memref_squeeze %dma_wait3A_76 : memref<1x128xi32, #tpu.memory_space<vmem>> -> memref<128xi32, #tpu.memory_space<vmem>>
      %dma_wait3A_78 = arith.constant 0 : i32
      %dma_wait3A_79 = arith.constant 0 : i32
      %dma_wait3A_80 = tpu.memref_slice %arg10[%dma_wait3A_78, %dma_wait3A_79] : memref<10240x128xf32, #tpu.memory_space<vmem_shared>> -> memref<10240x128xf32, #tpu.memory_space<vmem_shared>>
      tpu.wait_indirect_dma semaphore(%arg14 : memref<!tpu.dma_semaphore, #tpu.memory_space<semaphore_mem>>) src(%arg9 : memref<128x128xf32, #tpu.memory_space<vmem>>) dst(%dma_wait3A_80 : memref<10240x128xf32, #tpu.memory_space<vmem_shared>>)
    }
    %barrier3A_38 = arith.constant 0 : index
    tpu.barrier barrier_id(%barrier3A_38)
    %mul3A_39 = arith.constant 640 : i32
    %mul3A_40 = arith.muli %arg1, %mul3A_39 : i32
    %mul3A_41 = arith.constant 640 : i32
    %mul3A_42 = arith.muli %arg1, %mul3A_41 : i32
    "tpu.region"() ({
      %run_scoped3A = tpu.sem_alloc : memref<!tpu.dma_semaphore, #tpu.memory_space<semaphore_mem>>
      %dma_start3A = arith.constant 0 : i32
      %dma_start3A_43 = tpu.memref_slice %arg5[%arg0, %mul3A_42, %dma_start3A] : memref<2x10240x128xf32, #tpu.memory_space<hbm>> -> memref<1x640x128xf32, #tpu.memory_space<hbm>>
      %dma_start3A_44 = tpu.memref_squeeze %dma_start3A_43 : memref<1x640x128xf32, #tpu.memory_space<hbm>> -> memref<640x128xf32, #tpu.memory_space<hbm>>
      %dma_start3A_45 = arith.constant 0 : i32
      %dma_start3A_46 = tpu.memref_slice %arg10[%mul3A_40, %dma_start3A_45] : memref<10240x128xf32, #tpu.memory_space<vmem_shared>> -> memref<640x128xf32, #tpu.memory_space<vmem_shared>>
      tpu.enqueue_dma source(%dma_start3A_46 : memref<640x128xf32, #tpu.memory_space<vmem_shared>>) target(%dma_start3A_44 : memref<640x128xf32, #tpu.memory_space<hbm>>) target_semaphore(%run_scoped3A : memref<!tpu.dma_semaphore, #tpu.memory_space<semaphore_mem>>)
      %dma_wait3A = arith.constant 0 : i32
      %dma_wait3A_47 = tpu.memref_slice %arg5[%arg0, %mul3A_42, %dma_wait3A] : memref<2x10240x128xf32, #tpu.memory_space<hbm>> -> memref<1x640x128xf32, #tpu.memory_space<hbm>>
      %dma_wait3A_48 = tpu.memref_squeeze %dma_wait3A_47 : memref<1x640x128xf32, #tpu.memory_space<hbm>> -> memref<640x128xf32, #tpu.memory_space<hbm>>
      %dma_wait3A_49 = arith.constant 0 : i32
      %dma_wait3A_50 = tpu.memref_slice %arg10[%mul3A_40, %dma_wait3A_49] : memref<10240x128xf32, #tpu.memory_space<vmem_shared>> -> memref<640x128xf32, #tpu.memory_space<vmem_shared>>
      tpu.wait_dma2 semaphore(%run_scoped3A : memref<!tpu.dma_semaphore, #tpu.memory_space<semaphore_mem>>) src(%dma_wait3A_50 : memref<640x128xf32, #tpu.memory_space<vmem_shared>>) dst(%dma_wait3A_48 : memref<640x128xf32, #tpu.memory_space<hbm>>)
      tpu.yield
    }) : () -> ()
    return
  }
}

#map = affine_map<(d0, d1) -> (0, 0)>
#map1 = affine_map<(d0, d1) -> (0, 0, 0)>
module attributes {stable_mosaic.version = 14 : i64} {
  func.func @_agg_body(%arg0: i32, %arg1: i32, %arg2: memref<10000x128xf32, #tpu.memory_space<hbm>>, %arg3: memref<2560x128xi32, #tpu.memory_space<hbm>>, %arg4: memref<2560x128xi32, #tpu.memory_space<hbm>>, %arg5: memref<2x10240x128xf32, #tpu.memory_space<hbm>>, %arg6: memref<8x128xi32, #tpu.memory_space<vmem>>, %arg7: memref<8x128xi32, #tpu.memory_space<vmem>>, %arg8: memref<128x128xf32, #tpu.memory_space<vmem>>, %arg9: memref<128x128xf32, #tpu.memory_space<vmem>>, %arg10: memref<10240x128xf32, #tpu.memory_space<vmem_shared>>, %arg11: memref<!tpu.dma_semaphore, #tpu.memory_space<semaphore_mem>>, %arg12: memref<!tpu.dma_semaphore, #tpu.memory_space<semaphore_mem>>, %arg13: memref<!tpu.dma_semaphore, #tpu.memory_space<semaphore_mem>>, %arg14: memref<!tpu.dma_semaphore, #tpu.memory_space<semaphore_mem>>) attributes {dimension_semantics = [#tpu.dimension_semantics<core_parallel>, #tpu.dimension_semantics<subcore_parallel>], iteration_bounds = array<i64: 2, 16>, scalar_prefetch = 0 : i64, scratch_operands = 9 : i64, tpu.core_type = #tpu.core_type<sc_vector_subcore>, window_params = [{transform_indices = #map}, {transform_indices = #map}, {transform_indices = #map}, {transform_indices = #map1}]} {
    %mul3A = arith.constant 144 : i32
    %mul3A_0 = arith.muli %arg0, %mul3A : i32
    %sub3A = arith.constant 152 : i32
    %sub3A_1 = arith.subi %sub3A, %mul3A_0 : i32
    %mul3A_2 = arith.constant 2432 : i32
    %mul3A_3 = arith.muli %arg0, %mul3A_2 : i32
    %mul3A_4 = arith.muli %arg1, %sub3A_1 : i32
    %add3A = arith.addi %mul3A_3, %mul3A_4 : i32
    %ne3A = arith.constant 15 : i32
    %ne3A_5 = arith.cmpi ne, %arg1, %ne3A : i32
    %convert_element_type3A = arith.extui %ne3A_5 : i1 to i32
    %cond3A = arith.constant 0 : i32
    %cond3A_6 = arith.cmpi ne, %convert_element_type3A, %cond3A : i32
    scf.if %cond3A_6 {
      %mul3A_43 = arith.constant 640 : i32
      %mul3A_44 = arith.muli %arg1, %mul3A_43 : i32
      %mul3A_45 = arith.constant 640 : i32
      %mul3A_46 = arith.muli %arg1, %mul3A_45 : i32
      "tpu.region"() ({
        %run_scoped3A = tpu.sem_alloc : memref<!tpu.dma_semaphore, #tpu.memory_space<semaphore_mem>>
        %dma_start3A = arith.constant 0 : i32
        %dma_start3A_47 = tpu.memref_slice %arg10[%mul3A_46, %dma_start3A] : memref<10240x128xf32, #tpu.memory_space<vmem_shared>> -> memref<640x128xf32, #tpu.memory_space<vmem_shared>>
        %dma_start3A_48 = arith.constant 0 : i32
        %dma_start3A_49 = tpu.memref_slice %arg2[%mul3A_44, %dma_start3A_48] : memref<10000x128xf32, #tpu.memory_space<hbm>> -> memref<640x128xf32, #tpu.memory_space<hbm>>
        tpu.enqueue_dma source(%dma_start3A_49 : memref<640x128xf32, #tpu.memory_space<hbm>>) target(%dma_start3A_47 : memref<640x128xf32, #tpu.memory_space<vmem_shared>>) target_semaphore(%run_scoped3A : memref<!tpu.dma_semaphore, #tpu.memory_space<semaphore_mem>>)
        %dma_wait3A = arith.constant 0 : i32
        %dma_wait3A_50 = tpu.memref_slice %arg10[%mul3A_46, %dma_wait3A] : memref<10240x128xf32, #tpu.memory_space<vmem_shared>> -> memref<640x128xf32, #tpu.memory_space<vmem_shared>>
        %dma_wait3A_51 = arith.constant 0 : i32
        %dma_wait3A_52 = tpu.memref_slice %arg2[%mul3A_44, %dma_wait3A_51] : memref<10000x128xf32, #tpu.memory_space<hbm>> -> memref<640x128xf32, #tpu.memory_space<hbm>>
        tpu.wait_dma2 semaphore(%run_scoped3A : memref<!tpu.dma_semaphore, #tpu.memory_space<semaphore_mem>>) src(%dma_wait3A_52 : memref<640x128xf32, #tpu.memory_space<hbm>>) dst(%dma_wait3A_50 : memref<640x128xf32, #tpu.memory_space<vmem_shared>>)
        tpu.yield
      }) : () -> ()
    } else {
    }
    %eq3A = arith.constant 15 : i32
    %eq3A_7 = arith.cmpi eq, %arg1, %eq3A : i32
    %convert_element_type3A_8 = arith.extui %eq3A_7 : i1 to i32
    %cond3A_9 = arith.constant 0 : i32
    %cond3A_10 = arith.cmpi ne, %convert_element_type3A_8, %cond3A_9 : i32
    scf.if %cond3A_10 {
      "tpu.region"() ({
        %run_scoped3A = tpu.sem_alloc : memref<!tpu.dma_semaphore, #tpu.memory_space<semaphore_mem>>
        %dma_start3A = arith.constant 9600 : i32
        %dma_start3A_43 = arith.constant 0 : i32
        %dma_start3A_44 = tpu.memref_slice %arg10[%dma_start3A, %dma_start3A_43] : memref<10240x128xf32, #tpu.memory_space<vmem_shared>> -> memref<400x128xf32, #tpu.memory_space<vmem_shared>>
        %dma_start3A_45 = arith.constant 9600 : i32
        %dma_start3A_46 = arith.constant 0 : i32
        %dma_start3A_47 = tpu.memref_slice %arg2[%dma_start3A_45, %dma_start3A_46] : memref<10000x128xf32, #tpu.memory_space<hbm>> -> memref<400x128xf32, #tpu.memory_space<hbm>>
        tpu.enqueue_dma source(%dma_start3A_47 : memref<400x128xf32, #tpu.memory_space<hbm>>) target(%dma_start3A_44 : memref<400x128xf32, #tpu.memory_space<vmem_shared>>) target_semaphore(%run_scoped3A : memref<!tpu.dma_semaphore, #tpu.memory_space<semaphore_mem>>)
        %dma_wait3A = arith.constant 9600 : i32
        %dma_wait3A_48 = arith.constant 0 : i32
        %dma_wait3A_49 = tpu.memref_slice %arg10[%dma_wait3A, %dma_wait3A_48] : memref<10240x128xf32, #tpu.memory_space<vmem_shared>> -> memref<400x128xf32, #tpu.memory_space<vmem_shared>>
        %dma_wait3A_50 = arith.constant 9600 : i32
        %dma_wait3A_51 = arith.constant 0 : i32
        %dma_wait3A_52 = tpu.memref_slice %arg2[%dma_wait3A_50, %dma_wait3A_51] : memref<10000x128xf32, #tpu.memory_space<hbm>> -> memref<400x128xf32, #tpu.memory_space<hbm>>
        tpu.wait_dma2 semaphore(%run_scoped3A : memref<!tpu.dma_semaphore, #tpu.memory_space<semaphore_mem>>) src(%dma_wait3A_52 : memref<400x128xf32, #tpu.memory_space<hbm>>) dst(%dma_wait3A_49 : memref<400x128xf32, #tpu.memory_space<vmem_shared>>)
        tpu.yield
      }) : () -> ()
      "tpu.region"() ({
        %run_scoped3A = tpu.sem_alloc : memref<!tpu.dma_semaphore, #tpu.memory_space<semaphore_mem>>
        %dma_start3A = arith.constant 10000 : i32
        %dma_start3A_43 = arith.constant 0 : i32
        %dma_start3A_44 = tpu.memref_slice %arg10[%dma_start3A, %dma_start3A_43] : memref<10240x128xf32, #tpu.memory_space<vmem_shared>> -> memref<240x128xf32, #tpu.memory_space<vmem_shared>>
        %dma_start3A_45 = arith.constant 0 : i32
        %dma_start3A_46 = arith.constant 0 : i32
        %dma_start3A_47 = tpu.memref_slice %arg2[%dma_start3A_45, %dma_start3A_46] : memref<10000x128xf32, #tpu.memory_space<hbm>> -> memref<240x128xf32, #tpu.memory_space<hbm>>
        tpu.enqueue_dma source(%dma_start3A_47 : memref<240x128xf32, #tpu.memory_space<hbm>>) target(%dma_start3A_44 : memref<240x128xf32, #tpu.memory_space<vmem_shared>>) target_semaphore(%run_scoped3A : memref<!tpu.dma_semaphore, #tpu.memory_space<semaphore_mem>>)
        %dma_wait3A = arith.constant 10000 : i32
        %dma_wait3A_48 = arith.constant 0 : i32
        %dma_wait3A_49 = tpu.memref_slice %arg10[%dma_wait3A, %dma_wait3A_48] : memref<10240x128xf32, #tpu.memory_space<vmem_shared>> -> memref<240x128xf32, #tpu.memory_space<vmem_shared>>
        %dma_wait3A_50 = arith.constant 0 : i32
        %dma_wait3A_51 = arith.constant 0 : i32
        %dma_wait3A_52 = tpu.memref_slice %arg2[%dma_wait3A_50, %dma_wait3A_51] : memref<10000x128xf32, #tpu.memory_space<hbm>> -> memref<240x128xf32, #tpu.memory_space<hbm>>
        tpu.wait_dma2 semaphore(%run_scoped3A : memref<!tpu.dma_semaphore, #tpu.memory_space<semaphore_mem>>) src(%dma_wait3A_52 : memref<240x128xf32, #tpu.memory_space<hbm>>) dst(%dma_wait3A_49 : memref<240x128xf32, #tpu.memory_space<vmem_shared>>)
        tpu.yield
      }) : () -> ()
    } else {
    }
    %barrier3A = arith.constant 0 : index
    tpu.barrier barrier_id(%barrier3A)
    %jit3A = arith.constant 8 : i32
    %div3A = arith.divsi %sub3A_1, %jit3A : i32
    %sign3A = arith.constant 0 : i32
    %sign3A_11 = arith.cmpi sgt, %sub3A_1, %sign3A : i32
    %sign3A_12 = arith.extui %sign3A_11 : i1 to i32
    %sign3A_13 = arith.constant 0 : i32
    %sign3A_14 = arith.cmpi slt, %sub3A_1, %sign3A_13 : i32
    %sign3A_15 = arith.extui %sign3A_14 : i1 to i32
    %sign3A_16 = arith.subi %sign3A_12, %sign3A_15 : i32
    %sign3A_17 = arith.constant 0 : i32
    %sign3A_18 = arith.cmpi sgt, %jit3A, %sign3A_17 : i32
    %sign3A_19 = arith.extui %sign3A_18 : i1 to i32
    %sign3A_20 = arith.constant 0 : i32
    %sign3A_21 = arith.cmpi slt, %jit3A, %sign3A_20 : i32
    %sign3A_22 = arith.extui %sign3A_21 : i1 to i32
    %sign3A_23 = arith.subi %sign3A_19, %sign3A_22 : i32
    %ne3A_24 = arith.cmpi ne, %sign3A_16, %sign3A_23 : i32
    %rem3A = arith.remsi %sub3A_1, %jit3A : i32
    %ne3A_25 = arith.constant 0 : i32
    %ne3A_26 = arith.cmpi ne, %rem3A, %ne3A_25 : i32
    %and3A = arith.andi %ne3A_24, %ne3A_26 : i1
    %sub3A_27 = arith.constant 1 : i32
    %sub3A_28 = arith.subi %div3A, %sub3A_27 : i32
    %select_n3A = arith.select %and3A, %sub3A_28, %div3A : i32
    %while3A = arith.constant 0 : i32
    %while3A_29 = arith.constant 0 : i32
    %while3A_30 = arith.subi %select_n3A, %while3A_29 : i32
    %while3A_31 = arith.addi %while3A_29, %while3A_30 : i32
    %while3A_32 = arith.constant 1 : i32
    %while3A_33 = arith.divsi %while3A_30, %while3A_32 : i32
    %while3A_34 = arith.muli %while3A_33, %while3A_32 : i32
    %while3A_35 = arith.addi %while3A_29, %while3A_34 : i32
    %while3A_36 = arith.constant 1 : i32
    scf.for %while3A_43 = %while3A_29 to %while3A_35 step %while3A_36  : i32 {
      %mul3A_44 = arith.constant 8 : i32
      %mul3A_45 = arith.muli %while3A_43, %mul3A_44 : i32
      %add3A_46 = arith.addi %add3A, %mul3A_45 : i32
      "tpu.region"() ({
        %run_scoped3A = tpu.sem_alloc : memref<!tpu.dma_semaphore, #tpu.memory_space<semaphore_mem>>
        %dma_start3A_81 = arith.constant 0 : i32
        %dma_start3A_82 = tpu.memref_slice %arg3[%add3A_46, %dma_start3A_81] : memref<2560x128xi32, #tpu.memory_space<hbm>> -> memref<8x128xi32, #tpu.memory_space<hbm>>
        %dma_start3A_83 = arith.constant 0 : i32
        %dma_start3A_84 = tpu.memref_slice %arg3[%add3A_46, %dma_start3A_83] : memref<2560x128xi32, #tpu.memory_space<hbm>> -> memref<8x128xi32, #tpu.memory_space<hbm>>
        tpu.enqueue_dma source(%dma_start3A_84 : memref<8x128xi32, #tpu.memory_space<hbm>>) target(%arg6 : memref<8x128xi32, #tpu.memory_space<vmem>>) target_semaphore(%run_scoped3A : memref<!tpu.dma_semaphore, #tpu.memory_space<semaphore_mem>>)
        %dma_wait3A_85 = arith.constant 0 : i32
        %dma_wait3A_86 = tpu.memref_slice %arg3[%add3A_46, %dma_wait3A_85] : memref<2560x128xi32, #tpu.memory_space<hbm>> -> memref<8x128xi32, #tpu.memory_space<hbm>>
        %dma_wait3A_87 = arith.constant 0 : i32
        %dma_wait3A_88 = tpu.memref_slice %arg3[%add3A_46, %dma_wait3A_87] : memref<2560x128xi32, #tpu.memory_space<hbm>> -> memref<8x128xi32, #tpu.memory_space<hbm>>
        tpu.wait_dma2 semaphore(%run_scoped3A : memref<!tpu.dma_semaphore, #tpu.memory_space<semaphore_mem>>) src(%dma_wait3A_88 : memref<8x128xi32, #tpu.memory_space<hbm>>) dst(%arg6 : memref<8x128xi32, #tpu.memory_space<vmem>>)
        tpu.yield
      }) : () -> ()
      %mul3A_47 = arith.constant 8 : i32
      %mul3A_48 = arith.muli %while3A_43, %mul3A_47 : i32
      %add3A_49 = arith.addi %add3A, %mul3A_48 : i32
      "tpu.region"() ({
        %run_scoped3A = tpu.sem_alloc : memref<!tpu.dma_semaphore, #tpu.memory_space<semaphore_mem>>
        %dma_start3A_81 = arith.constant 0 : i32
        %dma_start3A_82 = tpu.memref_slice %arg4[%add3A_49, %dma_start3A_81] : memref<2560x128xi32, #tpu.memory_space<hbm>> -> memref<8x128xi32, #tpu.memory_space<hbm>>
        %dma_start3A_83 = arith.constant 0 : i32
        %dma_start3A_84 = tpu.memref_slice %arg4[%add3A_49, %dma_start3A_83] : memref<2560x128xi32, #tpu.memory_space<hbm>> -> memref<8x128xi32, #tpu.memory_space<hbm>>
        tpu.enqueue_dma source(%dma_start3A_84 : memref<8x128xi32, #tpu.memory_space<hbm>>) target(%arg7 : memref<8x128xi32, #tpu.memory_space<vmem>>) target_semaphore(%run_scoped3A : memref<!tpu.dma_semaphore, #tpu.memory_space<semaphore_mem>>)
        %dma_wait3A_85 = arith.constant 0 : i32
        %dma_wait3A_86 = tpu.memref_slice %arg4[%add3A_49, %dma_wait3A_85] : memref<2560x128xi32, #tpu.memory_space<hbm>> -> memref<8x128xi32, #tpu.memory_space<hbm>>
        %dma_wait3A_87 = arith.constant 0 : i32
        %dma_wait3A_88 = tpu.memref_slice %arg4[%add3A_49, %dma_wait3A_87] : memref<2560x128xi32, #tpu.memory_space<hbm>> -> memref<8x128xi32, #tpu.memory_space<hbm>>
        tpu.wait_dma2 semaphore(%run_scoped3A : memref<!tpu.dma_semaphore, #tpu.memory_space<semaphore_mem>>) src(%dma_wait3A_88 : memref<8x128xi32, #tpu.memory_space<hbm>>) dst(%arg7 : memref<8x128xi32, #tpu.memory_space<vmem>>)
        tpu.yield
      }) : () -> ()
      %dma_start3A = arith.constant 0 : i32
      %dma_start3A_50 = arith.constant 0 : i32
      %dma_start3A_51 = tpu.memref_slice %arg6[%dma_start3A, %dma_start3A_50] : memref<8x128xi32, #tpu.memory_space<vmem>> -> memref<1x128xi32, #tpu.memory_space<vmem>>
      %dma_start3A_52 = tpu.memref_squeeze %dma_start3A_51 : memref<1x128xi32, #tpu.memory_space<vmem>> -> memref<128xi32, #tpu.memory_space<vmem>>
      %dma_start3A_53 = arith.constant 0 : i32
      %dma_start3A_54 = arith.constant 0 : i32
      %dma_start3A_55 = tpu.memref_slice %arg2[%dma_start3A_53, %dma_start3A_54] : memref<10000x128xf32, #tpu.memory_space<hbm>> -> memref<10000x128xf32, #tpu.memory_space<hbm>>
      tpu.enqueue_indirect_dma source(%dma_start3A_55 : memref<10000x128xf32, #tpu.memory_space<hbm>>) target(%arg8 : memref<128x128xf32, #tpu.memory_space<vmem>>) offsets(%dma_start3A_52 : memref<128xi32, #tpu.memory_space<vmem>>) semaphore(%arg11 : memref<!tpu.dma_semaphore, #tpu.memory_space<semaphore_mem>>)
      %dma_start3A_56 = arith.constant 1 : i32
      %dma_start3A_57 = arith.constant 0 : i32
      %dma_start3A_58 = tpu.memref_slice %arg6[%dma_start3A_56, %dma_start3A_57] : memref<8x128xi32, #tpu.memory_space<vmem>> -> memref<1x128xi32, #tpu.memory_space<vmem>>
      %dma_start3A_59 = tpu.memref_squeeze %dma_start3A_58 : memref<1x128xi32, #tpu.memory_space<vmem>> -> memref<128xi32, #tpu.memory_space<vmem>>
      %dma_start3A_60 = arith.constant 0 : i32
      %dma_start3A_61 = arith.constant 0 : i32
      %dma_start3A_62 = tpu.memref_slice %arg2[%dma_start3A_60, %dma_start3A_61] : memref<10000x128xf32, #tpu.memory_space<hbm>> -> memref<10000x128xf32, #tpu.memory_space<hbm>>
      tpu.enqueue_indirect_dma source(%dma_start3A_62 : memref<10000x128xf32, #tpu.memory_space<hbm>>) target(%arg9 : memref<128x128xf32, #tpu.memory_space<vmem>>) offsets(%dma_start3A_59 : memref<128xi32, #tpu.memory_space<vmem>>) semaphore(%arg12 : memref<!tpu.dma_semaphore, #tpu.memory_space<semaphore_mem>>)
      %scan3A = arith.constant 0 : i32
      %scan3A_63 = arith.constant 0 : i32
      %scan3A_64 = arith.constant 4 : i32
      %scan3A_65 = arith.addi %scan3A_63, %scan3A_64 : i32
      %scan3A_66 = arith.constant 1 : i32
      scf.for %scan3A_81 = %scan3A_63 to %scan3A_65 step %scan3A_66  : i32 {
        %mul3A_82 = arith.constant 2 : i32
        %mul3A_83 = arith.muli %mul3A_82, %scan3A_81 : i32
        %dma_wait3A_84 = arith.constant 0 : i32
        %dma_wait3A_85 = tpu.memref_slice %arg6[%mul3A_83, %dma_wait3A_84] : memref<8x128xi32, #tpu.memory_space<vmem>> -> memref<1x128xi32, #tpu.memory_space<vmem>>
        %dma_wait3A_86 = tpu.memref_squeeze %dma_wait3A_85 : memref<1x128xi32, #tpu.memory_space<vmem>> -> memref<128xi32, #tpu.memory_space<vmem>>
        %dma_wait3A_87 = arith.constant 0 : i32
        %dma_wait3A_88 = arith.constant 0 : i32
        %dma_wait3A_89 = tpu.memref_slice %arg2[%dma_wait3A_87, %dma_wait3A_88] : memref<10000x128xf32, #tpu.memory_space<hbm>> -> memref<10000x128xf32, #tpu.memory_space<hbm>>
        tpu.wait_indirect_dma semaphore(%arg11 : memref<!tpu.dma_semaphore, #tpu.memory_space<semaphore_mem>>) src(%dma_wait3A_89 : memref<10000x128xf32, #tpu.memory_space<hbm>>) dst(%arg8 : memref<128x128xf32, #tpu.memory_space<vmem>>)
        %dma_start3A_90 = arith.constant 0 : i32
        %dma_start3A_91 = tpu.memref_slice %arg7[%mul3A_83, %dma_start3A_90] : memref<8x128xi32, #tpu.memory_space<vmem>> -> memref<1x128xi32, #tpu.memory_space<vmem>>
        %dma_start3A_92 = tpu.memref_squeeze %dma_start3A_91 : memref<1x128xi32, #tpu.memory_space<vmem>> -> memref<128xi32, #tpu.memory_space<vmem>>
        %dma_start3A_93 = arith.constant 0 : i32
        %dma_start3A_94 = arith.constant 0 : i32
        %dma_start3A_95 = tpu.memref_slice %arg10[%dma_start3A_93, %dma_start3A_94] : memref<10240x128xf32, #tpu.memory_space<vmem_shared>> -> memref<10240x128xf32, #tpu.memory_space<vmem_shared>>
        tpu.enqueue_indirect_dma source(%arg8 : memref<128x128xf32, #tpu.memory_space<vmem>>) target(%dma_start3A_95 : memref<10240x128xf32, #tpu.memory_space<vmem_shared>>) offsets(%dma_start3A_92 : memref<128xi32, #tpu.memory_space<vmem>>) semaphore(%arg13 : memref<!tpu.dma_semaphore, #tpu.memory_space<semaphore_mem>>) {add = true}
        %add3A_96 = arith.constant 1 : i32
        %add3A_97 = arith.addi %mul3A_83, %add3A_96 : i32
        %dma_wait3A_98 = arith.constant 0 : i32
        %dma_wait3A_99 = tpu.memref_slice %arg6[%add3A_97, %dma_wait3A_98] : memref<8x128xi32, #tpu.memory_space<vmem>> -> memref<1x128xi32, #tpu.memory_space<vmem>>
        %dma_wait3A_100 = tpu.memref_squeeze %dma_wait3A_99 : memref<1x128xi32, #tpu.memory_space<vmem>> -> memref<128xi32, #tpu.memory_space<vmem>>
        %dma_wait3A_101 = arith.constant 0 : i32
        %dma_wait3A_102 = arith.constant 0 : i32
        %dma_wait3A_103 = tpu.memref_slice %arg2[%dma_wait3A_101, %dma_wait3A_102] : memref<10000x128xf32, #tpu.memory_space<hbm>> -> memref<10000x128xf32, #tpu.memory_space<hbm>>
        tpu.wait_indirect_dma semaphore(%arg12 : memref<!tpu.dma_semaphore, #tpu.memory_space<semaphore_mem>>) src(%dma_wait3A_103 : memref<10000x128xf32, #tpu.memory_space<hbm>>) dst(%arg9 : memref<128x128xf32, #tpu.memory_space<vmem>>)
        %add3A_104 = arith.constant 1 : i32
        %add3A_105 = arith.addi %mul3A_83, %add3A_104 : i32
        %dma_start3A_106 = arith.constant 0 : i32
        %dma_start3A_107 = tpu.memref_slice %arg7[%add3A_105, %dma_start3A_106] : memref<8x128xi32, #tpu.memory_space<vmem>> -> memref<1x128xi32, #tpu.memory_space<vmem>>
        %dma_start3A_108 = tpu.memref_squeeze %dma_start3A_107 : memref<1x128xi32, #tpu.memory_space<vmem>> -> memref<128xi32, #tpu.memory_space<vmem>>
        %dma_start3A_109 = arith.constant 0 : i32
        %dma_start3A_110 = arith.constant 0 : i32
        %dma_start3A_111 = tpu.memref_slice %arg10[%dma_start3A_109, %dma_start3A_110] : memref<10240x128xf32, #tpu.memory_space<vmem_shared>> -> memref<10240x128xf32, #tpu.memory_space<vmem_shared>>
        tpu.enqueue_indirect_dma source(%arg9 : memref<128x128xf32, #tpu.memory_space<vmem>>) target(%dma_start3A_111 : memref<10240x128xf32, #tpu.memory_space<vmem_shared>>) offsets(%dma_start3A_108 : memref<128xi32, #tpu.memory_space<vmem>>) semaphore(%arg14 : memref<!tpu.dma_semaphore, #tpu.memory_space<semaphore_mem>>) {add = true}
        %add3A_112 = arith.constant 2 : i32
        %add3A_113 = arith.addi %mul3A_83, %add3A_112 : i32
        %lt3A = arith.constant 8 : i32
        %lt3A_114 = arith.cmpi slt, %add3A_113, %lt3A : i32
        %convert_element_type3A_115 = arith.extui %lt3A_114 : i1 to i32
        %cond3A_116 = arith.constant 0 : i32
        %cond3A_117 = arith.cmpi ne, %convert_element_type3A_115, %cond3A_116 : i32
        scf.if %cond3A_117 {
          %dma_wait3A_118 = arith.constant 0 : i32
          %dma_wait3A_119 = tpu.memref_slice %arg7[%mul3A_83, %dma_wait3A_118] : memref<8x128xi32, #tpu.memory_space<vmem>> -> memref<1x128xi32, #tpu.memory_space<vmem>>
          %dma_wait3A_120 = tpu.memref_squeeze %dma_wait3A_119 : memref<1x128xi32, #tpu.memory_space<vmem>> -> memref<128xi32, #tpu.memory_space<vmem>>
          %dma_wait3A_121 = arith.constant 0 : i32
          %dma_wait3A_122 = arith.constant 0 : i32
          %dma_wait3A_123 = tpu.memref_slice %arg10[%dma_wait3A_121, %dma_wait3A_122] : memref<10240x128xf32, #tpu.memory_space<vmem_shared>> -> memref<10240x128xf32, #tpu.memory_space<vmem_shared>>
          tpu.wait_indirect_dma semaphore(%arg13 : memref<!tpu.dma_semaphore, #tpu.memory_space<semaphore_mem>>) src(%arg8 : memref<128x128xf32, #tpu.memory_space<vmem>>) dst(%dma_wait3A_123 : memref<10240x128xf32, #tpu.memory_space<vmem_shared>>)
          %add3A_124 = arith.constant 2 : i32
          %add3A_125 = arith.addi %mul3A_83, %add3A_124 : i32
          %dma_start3A_126 = arith.constant 0 : i32
          %dma_start3A_127 = tpu.memref_slice %arg6[%add3A_125, %dma_start3A_126] : memref<8x128xi32, #tpu.memory_space<vmem>> -> memref<1x128xi32, #tpu.memory_space<vmem>>
          %dma_start3A_128 = tpu.memref_squeeze %dma_start3A_127 : memref<1x128xi32, #tpu.memory_space<vmem>> -> memref<128xi32, #tpu.memory_space<vmem>>
          %dma_start3A_129 = arith.constant 0 : i32
          %dma_start3A_130 = arith.constant 0 : i32
          %dma_start3A_131 = tpu.memref_slice %arg2[%dma_start3A_129, %dma_start3A_130] : memref<10000x128xf32, #tpu.memory_space<hbm>> -> memref<10000x128xf32, #tpu.memory_space<hbm>>
          tpu.enqueue_indirect_dma source(%dma_start3A_131 : memref<10000x128xf32, #tpu.memory_space<hbm>>) target(%arg8 : memref<128x128xf32, #tpu.memory_space<vmem>>) offsets(%dma_start3A_128 : memref<128xi32, #tpu.memory_space<vmem>>) semaphore(%arg11 : memref<!tpu.dma_semaphore, #tpu.memory_space<semaphore_mem>>)
          %add3A_132 = arith.constant 1 : i32
          %add3A_133 = arith.addi %mul3A_83, %add3A_132 : i32
          %dma_wait3A_134 = arith.constant 0 : i32
          %dma_wait3A_135 = tpu.memref_slice %arg7[%add3A_133, %dma_wait3A_134] : memref<8x128xi32, #tpu.memory_space<vmem>> -> memref<1x128xi32, #tpu.memory_space<vmem>>
          %dma_wait3A_136 = tpu.memref_squeeze %dma_wait3A_135 : memref<1x128xi32, #tpu.memory_space<vmem>> -> memref<128xi32, #tpu.memory_space<vmem>>
          %dma_wait3A_137 = arith.constant 0 : i32
          %dma_wait3A_138 = arith.constant 0 : i32
          %dma_wait3A_139 = tpu.memref_slice %arg10[%dma_wait3A_137, %dma_wait3A_138] : memref<10240x128xf32, #tpu.memory_space<vmem_shared>> -> memref<10240x128xf32, #tpu.memory_space<vmem_shared>>
          tpu.wait_indirect_dma semaphore(%arg14 : memref<!tpu.dma_semaphore, #tpu.memory_space<semaphore_mem>>) src(%arg9 : memref<128x128xf32, #tpu.memory_space<vmem>>) dst(%dma_wait3A_139 : memref<10240x128xf32, #tpu.memory_space<vmem_shared>>)
          %add3A_140 = arith.constant 3 : i32
          %add3A_141 = arith.addi %mul3A_83, %add3A_140 : i32
          %dma_start3A_142 = arith.constant 0 : i32
          %dma_start3A_143 = tpu.memref_slice %arg6[%add3A_141, %dma_start3A_142] : memref<8x128xi32, #tpu.memory_space<vmem>> -> memref<1x128xi32, #tpu.memory_space<vmem>>
          %dma_start3A_144 = tpu.memref_squeeze %dma_start3A_143 : memref<1x128xi32, #tpu.memory_space<vmem>> -> memref<128xi32, #tpu.memory_space<vmem>>
          %dma_start3A_145 = arith.constant 0 : i32
          %dma_start3A_146 = arith.constant 0 : i32
          %dma_start3A_147 = tpu.memref_slice %arg2[%dma_start3A_145, %dma_start3A_146] : memref<10000x128xf32, #tpu.memory_space<hbm>> -> memref<10000x128xf32, #tpu.memory_space<hbm>>
          tpu.enqueue_indirect_dma source(%dma_start3A_147 : memref<10000x128xf32, #tpu.memory_space<hbm>>) target(%arg9 : memref<128x128xf32, #tpu.memory_space<vmem>>) offsets(%dma_start3A_144 : memref<128xi32, #tpu.memory_space<vmem>>) semaphore(%arg12 : memref<!tpu.dma_semaphore, #tpu.memory_space<semaphore_mem>>)
        } else {
        }
      }
      %scan3A_67 = arith.constant 4 : i32
      %dma_wait3A = arith.constant 6 : i32
      %dma_wait3A_68 = arith.constant 0 : i32
      %dma_wait3A_69 = tpu.memref_slice %arg7[%dma_wait3A, %dma_wait3A_68] : memref<8x128xi32, #tpu.memory_space<vmem>> -> memref<1x128xi32, #tpu.memory_space<vmem>>
      %dma_wait3A_70 = tpu.memref_squeeze %dma_wait3A_69 : memref<1x128xi32, #tpu.memory_space<vmem>> -> memref<128xi32, #tpu.memory_space<vmem>>
      %dma_wait3A_71 = arith.constant 0 : i32
      %dma_wait3A_72 = arith.constant 0 : i32
      %dma_wait3A_73 = tpu.memref_slice %arg10[%dma_wait3A_71, %dma_wait3A_72] : memref<10240x128xf32, #tpu.memory_space<vmem_shared>> -> memref<10240x128xf32, #tpu.memory_space<vmem_shared>>
      tpu.wait_indirect_dma semaphore(%arg13 : memref<!tpu.dma_semaphore, #tpu.memory_space<semaphore_mem>>) src(%arg8 : memref<128x128xf32, #tpu.memory_space<vmem>>) dst(%dma_wait3A_73 : memref<10240x128xf32, #tpu.memory_space<vmem_shared>>)
      %dma_wait3A_74 = arith.constant 7 : i32
      %dma_wait3A_75 = arith.constant 0 : i32
      %dma_wait3A_76 = tpu.memref_slice %arg7[%dma_wait3A_74, %dma_wait3A_75] : memref<8x128xi32, #tpu.memory_space<vmem>> -> memref<1x128xi32, #tpu.memory_space<vmem>>
      %dma_wait3A_77 = tpu.memref_squeeze %dma_wait3A_76 : memref<1x128xi32, #tpu.memory_space<vmem>> -> memref<128xi32, #tpu.memory_space<vmem>>
      %dma_wait3A_78 = arith.constant 0 : i32
      %dma_wait3A_79 = arith.constant 0 : i32
      %dma_wait3A_80 = tpu.memref_slice %arg10[%dma_wait3A_78, %dma_wait3A_79] : memref<10240x128xf32, #tpu.memory_space<vmem_shared>> -> memref<10240x128xf32, #tpu.memory_space<vmem_shared>>
      tpu.wait_indirect_dma semaphore(%arg14 : memref<!tpu.dma_semaphore, #tpu.memory_space<semaphore_mem>>) src(%arg9 : memref<128x128xf32, #tpu.memory_space<vmem>>) dst(%dma_wait3A_80 : memref<10240x128xf32, #tpu.memory_space<vmem_shared>>)
    }
    %while3A_37 = arith.constant 1 : i32
    scf.for %while3A_43 = %while3A_35 to %while3A_31 step %while3A_37  : i32 {
      %mul3A_44 = arith.constant 8 : i32
      %mul3A_45 = arith.muli %while3A_43, %mul3A_44 : i32
      %add3A_46 = arith.addi %add3A, %mul3A_45 : i32
      "tpu.region"() ({
        %run_scoped3A = tpu.sem_alloc : memref<!tpu.dma_semaphore, #tpu.memory_space<semaphore_mem>>
        %dma_start3A_81 = arith.constant 0 : i32
        %dma_start3A_82 = tpu.memref_slice %arg3[%add3A_46, %dma_start3A_81] : memref<2560x128xi32, #tpu.memory_space<hbm>> -> memref<8x128xi32, #tpu.memory_space<hbm>>
        %dma_start3A_83 = arith.constant 0 : i32
        %dma_start3A_84 = tpu.memref_slice %arg3[%add3A_46, %dma_start3A_83] : memref<2560x128xi32, #tpu.memory_space<hbm>> -> memref<8x128xi32, #tpu.memory_space<hbm>>
        tpu.enqueue_dma source(%dma_start3A_84 : memref<8x128xi32, #tpu.memory_space<hbm>>) target(%arg6 : memref<8x128xi32, #tpu.memory_space<vmem>>) target_semaphore(%run_scoped3A : memref<!tpu.dma_semaphore, #tpu.memory_space<semaphore_mem>>)
        %dma_wait3A_85 = arith.constant 0 : i32
        %dma_wait3A_86 = tpu.memref_slice %arg3[%add3A_46, %dma_wait3A_85] : memref<2560x128xi32, #tpu.memory_space<hbm>> -> memref<8x128xi32, #tpu.memory_space<hbm>>
        %dma_wait3A_87 = arith.constant 0 : i32
        %dma_wait3A_88 = tpu.memref_slice %arg3[%add3A_46, %dma_wait3A_87] : memref<2560x128xi32, #tpu.memory_space<hbm>> -> memref<8x128xi32, #tpu.memory_space<hbm>>
        tpu.wait_dma2 semaphore(%run_scoped3A : memref<!tpu.dma_semaphore, #tpu.memory_space<semaphore_mem>>) src(%dma_wait3A_88 : memref<8x128xi32, #tpu.memory_space<hbm>>) dst(%arg6 : memref<8x128xi32, #tpu.memory_space<vmem>>)
        tpu.yield
      }) : () -> ()
      %mul3A_47 = arith.constant 8 : i32
      %mul3A_48 = arith.muli %while3A_43, %mul3A_47 : i32
      %add3A_49 = arith.addi %add3A, %mul3A_48 : i32
      "tpu.region"() ({
        %run_scoped3A = tpu.sem_alloc : memref<!tpu.dma_semaphore, #tpu.memory_space<semaphore_mem>>
        %dma_start3A_81 = arith.constant 0 : i32
        %dma_start3A_82 = tpu.memref_slice %arg4[%add3A_49, %dma_start3A_81] : memref<2560x128xi32, #tpu.memory_space<hbm>> -> memref<8x128xi32, #tpu.memory_space<hbm>>
        %dma_start3A_83 = arith.constant 0 : i32
        %dma_start3A_84 = tpu.memref_slice %arg4[%add3A_49, %dma_start3A_83] : memref<2560x128xi32, #tpu.memory_space<hbm>> -> memref<8x128xi32, #tpu.memory_space<hbm>>
        tpu.enqueue_dma source(%dma_start3A_84 : memref<8x128xi32, #tpu.memory_space<hbm>>) target(%arg7 : memref<8x128xi32, #tpu.memory_space<vmem>>) target_semaphore(%run_scoped3A : memref<!tpu.dma_semaphore, #tpu.memory_space<semaphore_mem>>)
        %dma_wait3A_85 = arith.constant 0 : i32
        %dma_wait3A_86 = tpu.memref_slice %arg4[%add3A_49, %dma_wait3A_85] : memref<2560x128xi32, #tpu.memory_space<hbm>> -> memref<8x128xi32, #tpu.memory_space<hbm>>
        %dma_wait3A_87 = arith.constant 0 : i32
        %dma_wait3A_88 = tpu.memref_slice %arg4[%add3A_49, %dma_wait3A_87] : memref<2560x128xi32, #tpu.memory_space<hbm>> -> memref<8x128xi32, #tpu.memory_space<hbm>>
        tpu.wait_dma2 semaphore(%run_scoped3A : memref<!tpu.dma_semaphore, #tpu.memory_space<semaphore_mem>>) src(%dma_wait3A_88 : memref<8x128xi32, #tpu.memory_space<hbm>>) dst(%arg7 : memref<8x128xi32, #tpu.memory_space<vmem>>)
        tpu.yield
      }) : () -> ()
      %dma_start3A = arith.constant 0 : i32
      %dma_start3A_50 = arith.constant 0 : i32
      %dma_start3A_51 = tpu.memref_slice %arg6[%dma_start3A, %dma_start3A_50] : memref<8x128xi32, #tpu.memory_space<vmem>> -> memref<1x128xi32, #tpu.memory_space<vmem>>
      %dma_start3A_52 = tpu.memref_squeeze %dma_start3A_51 : memref<1x128xi32, #tpu.memory_space<vmem>> -> memref<128xi32, #tpu.memory_space<vmem>>
      %dma_start3A_53 = arith.constant 0 : i32
      %dma_start3A_54 = arith.constant 0 : i32
      %dma_start3A_55 = tpu.memref_slice %arg2[%dma_start3A_53, %dma_start3A_54] : memref<10000x128xf32, #tpu.memory_space<hbm>> -> memref<10000x128xf32, #tpu.memory_space<hbm>>
      tpu.enqueue_indirect_dma source(%dma_start3A_55 : memref<10000x128xf32, #tpu.memory_space<hbm>>) target(%arg8 : memref<128x128xf32, #tpu.memory_space<vmem>>) offsets(%dma_start3A_52 : memref<128xi32, #tpu.memory_space<vmem>>) semaphore(%arg11 : memref<!tpu.dma_semaphore, #tpu.memory_space<semaphore_mem>>)
      %dma_start3A_56 = arith.constant 1 : i32
      %dma_start3A_57 = arith.constant 0 : i32
      %dma_start3A_58 = tpu.memref_slice %arg6[%dma_start3A_56, %dma_start3A_57] : memref<8x128xi32, #tpu.memory_space<vmem>> -> memref<1x128xi32, #tpu.memory_space<vmem>>
      %dma_start3A_59 = tpu.memref_squeeze %dma_start3A_58 : memref<1x128xi32, #tpu.memory_space<vmem>> -> memref<128xi32, #tpu.memory_space<vmem>>
      %dma_start3A_60 = arith.constant 0 : i32
      %dma_start3A_61 = arith.constant 0 : i32
      %dma_start3A_62 = tpu.memref_slice %arg2[%dma_start3A_60, %dma_start3A_61] : memref<10000x128xf32, #tpu.memory_space<hbm>> -> memref<10000x128xf32, #tpu.memory_space<hbm>>
      tpu.enqueue_indirect_dma source(%dma_start3A_62 : memref<10000x128xf32, #tpu.memory_space<hbm>>) target(%arg9 : memref<128x128xf32, #tpu.memory_space<vmem>>) offsets(%dma_start3A_59 : memref<128xi32, #tpu.memory_space<vmem>>) semaphore(%arg12 : memref<!tpu.dma_semaphore, #tpu.memory_space<semaphore_mem>>)
      %scan3A = arith.constant 0 : i32
      %scan3A_63 = arith.constant 0 : i32
      %scan3A_64 = arith.constant 4 : i32
      %scan3A_65 = arith.addi %scan3A_63, %scan3A_64 : i32
      %scan3A_66 = arith.constant 1 : i32
      scf.for %scan3A_81 = %scan3A_63 to %scan3A_65 step %scan3A_66  : i32 {
        %mul3A_82 = arith.constant 2 : i32
        %mul3A_83 = arith.muli %mul3A_82, %scan3A_81 : i32
        %dma_wait3A_84 = arith.constant 0 : i32
        %dma_wait3A_85 = tpu.memref_slice %arg6[%mul3A_83, %dma_wait3A_84] : memref<8x128xi32, #tpu.memory_space<vmem>> -> memref<1x128xi32, #tpu.memory_space<vmem>>
        %dma_wait3A_86 = tpu.memref_squeeze %dma_wait3A_85 : memref<1x128xi32, #tpu.memory_space<vmem>> -> memref<128xi32, #tpu.memory_space<vmem>>
        %dma_wait3A_87 = arith.constant 0 : i32
        %dma_wait3A_88 = arith.constant 0 : i32
        %dma_wait3A_89 = tpu.memref_slice %arg2[%dma_wait3A_87, %dma_wait3A_88] : memref<10000x128xf32, #tpu.memory_space<hbm>> -> memref<10000x128xf32, #tpu.memory_space<hbm>>
        tpu.wait_indirect_dma semaphore(%arg11 : memref<!tpu.dma_semaphore, #tpu.memory_space<semaphore_mem>>) src(%dma_wait3A_89 : memref<10000x128xf32, #tpu.memory_space<hbm>>) dst(%arg8 : memref<128x128xf32, #tpu.memory_space<vmem>>)
        %dma_start3A_90 = arith.constant 0 : i32
        %dma_start3A_91 = tpu.memref_slice %arg7[%mul3A_83, %dma_start3A_90] : memref<8x128xi32, #tpu.memory_space<vmem>> -> memref<1x128xi32, #tpu.memory_space<vmem>>
        %dma_start3A_92 = tpu.memref_squeeze %dma_start3A_91 : memref<1x128xi32, #tpu.memory_space<vmem>> -> memref<128xi32, #tpu.memory_space<vmem>>
        %dma_start3A_93 = arith.constant 0 : i32
        %dma_start3A_94 = arith.constant 0 : i32
        %dma_start3A_95 = tpu.memref_slice %arg10[%dma_start3A_93, %dma_start3A_94] : memref<10240x128xf32, #tpu.memory_space<vmem_shared>> -> memref<10240x128xf32, #tpu.memory_space<vmem_shared>>
        tpu.enqueue_indirect_dma source(%arg8 : memref<128x128xf32, #tpu.memory_space<vmem>>) target(%dma_start3A_95 : memref<10240x128xf32, #tpu.memory_space<vmem_shared>>) offsets(%dma_start3A_92 : memref<128xi32, #tpu.memory_space<vmem>>) semaphore(%arg13 : memref<!tpu.dma_semaphore, #tpu.memory_space<semaphore_mem>>) {add = true}
        %add3A_96 = arith.constant 1 : i32
        %add3A_97 = arith.addi %mul3A_83, %add3A_96 : i32
        %dma_wait3A_98 = arith.constant 0 : i32
        %dma_wait3A_99 = tpu.memref_slice %arg6[%add3A_97, %dma_wait3A_98] : memref<8x128xi32, #tpu.memory_space<vmem>> -> memref<1x128xi32, #tpu.memory_space<vmem>>
        %dma_wait3A_100 = tpu.memref_squeeze %dma_wait3A_99 : memref<1x128xi32, #tpu.memory_space<vmem>> -> memref<128xi32, #tpu.memory_space<vmem>>
        %dma_wait3A_101 = arith.constant 0 : i32
        %dma_wait3A_102 = arith.constant 0 : i32
        %dma_wait3A_103 = tpu.memref_slice %arg2[%dma_wait3A_101, %dma_wait3A_102] : memref<10000x128xf32, #tpu.memory_space<hbm>> -> memref<10000x128xf32, #tpu.memory_space<hbm>>
        tpu.wait_indirect_dma semaphore(%arg12 : memref<!tpu.dma_semaphore, #tpu.memory_space<semaphore_mem>>) src(%dma_wait3A_103 : memref<10000x128xf32, #tpu.memory_space<hbm>>) dst(%arg9 : memref<128x128xf32, #tpu.memory_space<vmem>>)
        %add3A_104 = arith.constant 1 : i32
        %add3A_105 = arith.addi %mul3A_83, %add3A_104 : i32
        %dma_start3A_106 = arith.constant 0 : i32
        %dma_start3A_107 = tpu.memref_slice %arg7[%add3A_105, %dma_start3A_106] : memref<8x128xi32, #tpu.memory_space<vmem>> -> memref<1x128xi32, #tpu.memory_space<vmem>>
        %dma_start3A_108 = tpu.memref_squeeze %dma_start3A_107 : memref<1x128xi32, #tpu.memory_space<vmem>> -> memref<128xi32, #tpu.memory_space<vmem>>
        %dma_start3A_109 = arith.constant 0 : i32
        %dma_start3A_110 = arith.constant 0 : i32
        %dma_start3A_111 = tpu.memref_slice %arg10[%dma_start3A_109, %dma_start3A_110] : memref<10240x128xf32, #tpu.memory_space<vmem_shared>> -> memref<10240x128xf32, #tpu.memory_space<vmem_shared>>
        tpu.enqueue_indirect_dma source(%arg9 : memref<128x128xf32, #tpu.memory_space<vmem>>) target(%dma_start3A_111 : memref<10240x128xf32, #tpu.memory_space<vmem_shared>>) offsets(%dma_start3A_108 : memref<128xi32, #tpu.memory_space<vmem>>) semaphore(%arg14 : memref<!tpu.dma_semaphore, #tpu.memory_space<semaphore_mem>>) {add = true}
        %add3A_112 = arith.constant 2 : i32
        %add3A_113 = arith.addi %mul3A_83, %add3A_112 : i32
        %lt3A = arith.constant 8 : i32
        %lt3A_114 = arith.cmpi slt, %add3A_113, %lt3A : i32
        %convert_element_type3A_115 = arith.extui %lt3A_114 : i1 to i32
        %cond3A_116 = arith.constant 0 : i32
        %cond3A_117 = arith.cmpi ne, %convert_element_type3A_115, %cond3A_116 : i32
        scf.if %cond3A_117 {
          %dma_wait3A_118 = arith.constant 0 : i32
          %dma_wait3A_119 = tpu.memref_slice %arg7[%mul3A_83, %dma_wait3A_118] : memref<8x128xi32, #tpu.memory_space<vmem>> -> memref<1x128xi32, #tpu.memory_space<vmem>>
          %dma_wait3A_120 = tpu.memref_squeeze %dma_wait3A_119 : memref<1x128xi32, #tpu.memory_space<vmem>> -> memref<128xi32, #tpu.memory_space<vmem>>
          %dma_wait3A_121 = arith.constant 0 : i32
          %dma_wait3A_122 = arith.constant 0 : i32
          %dma_wait3A_123 = tpu.memref_slice %arg10[%dma_wait3A_121, %dma_wait3A_122] : memref<10240x128xf32, #tpu.memory_space<vmem_shared>> -> memref<10240x128xf32, #tpu.memory_space<vmem_shared>>
          tpu.wait_indirect_dma semaphore(%arg13 : memref<!tpu.dma_semaphore, #tpu.memory_space<semaphore_mem>>) src(%arg8 : memref<128x128xf32, #tpu.memory_space<vmem>>) dst(%dma_wait3A_123 : memref<10240x128xf32, #tpu.memory_space<vmem_shared>>)
          %add3A_124 = arith.constant 2 : i32
          %add3A_125 = arith.addi %mul3A_83, %add3A_124 : i32
          %dma_start3A_126 = arith.constant 0 : i32
          %dma_start3A_127 = tpu.memref_slice %arg6[%add3A_125, %dma_start3A_126] : memref<8x128xi32, #tpu.memory_space<vmem>> -> memref<1x128xi32, #tpu.memory_space<vmem>>
          %dma_start3A_128 = tpu.memref_squeeze %dma_start3A_127 : memref<1x128xi32, #tpu.memory_space<vmem>> -> memref<128xi32, #tpu.memory_space<vmem>>
          %dma_start3A_129 = arith.constant 0 : i32
          %dma_start3A_130 = arith.constant 0 : i32
          %dma_start3A_131 = tpu.memref_slice %arg2[%dma_start3A_129, %dma_start3A_130] : memref<10000x128xf32, #tpu.memory_space<hbm>> -> memref<10000x128xf32, #tpu.memory_space<hbm>>
          tpu.enqueue_indirect_dma source(%dma_start3A_131 : memref<10000x128xf32, #tpu.memory_space<hbm>>) target(%arg8 : memref<128x128xf32, #tpu.memory_space<vmem>>) offsets(%dma_start3A_128 : memref<128xi32, #tpu.memory_space<vmem>>) semaphore(%arg11 : memref<!tpu.dma_semaphore, #tpu.memory_space<semaphore_mem>>)
          %add3A_132 = arith.constant 1 : i32
          %add3A_133 = arith.addi %mul3A_83, %add3A_132 : i32
          %dma_wait3A_134 = arith.constant 0 : i32
          %dma_wait3A_135 = tpu.memref_slice %arg7[%add3A_133, %dma_wait3A_134] : memref<8x128xi32, #tpu.memory_space<vmem>> -> memref<1x128xi32, #tpu.memory_space<vmem>>
          %dma_wait3A_136 = tpu.memref_squeeze %dma_wait3A_135 : memref<1x128xi32, #tpu.memory_space<vmem>> -> memref<128xi32, #tpu.memory_space<vmem>>
          %dma_wait3A_137 = arith.constant 0 : i32
          %dma_wait3A_138 = arith.constant 0 : i32
          %dma_wait3A_139 = tpu.memref_slice %arg10[%dma_wait3A_137, %dma_wait3A_138] : memref<10240x128xf32, #tpu.memory_space<vmem_shared>> -> memref<10240x128xf32, #tpu.memory_space<vmem_shared>>
          tpu.wait_indirect_dma semaphore(%arg14 : memref<!tpu.dma_semaphore, #tpu.memory_space<semaphore_mem>>) src(%arg9 : memref<128x128xf32, #tpu.memory_space<vmem>>) dst(%dma_wait3A_139 : memref<10240x128xf32, #tpu.memory_space<vmem_shared>>)
          %add3A_140 = arith.constant 3 : i32
          %add3A_141 = arith.addi %mul3A_83, %add3A_140 : i32
          %dma_start3A_142 = arith.constant 0 : i32
          %dma_start3A_143 = tpu.memref_slice %arg6[%add3A_141, %dma_start3A_142] : memref<8x128xi32, #tpu.memory_space<vmem>> -> memref<1x128xi32, #tpu.memory_space<vmem>>
          %dma_start3A_144 = tpu.memref_squeeze %dma_start3A_143 : memref<1x128xi32, #tpu.memory_space<vmem>> -> memref<128xi32, #tpu.memory_space<vmem>>
          %dma_start3A_145 = arith.constant 0 : i32
          %dma_start3A_146 = arith.constant 0 : i32
          %dma_start3A_147 = tpu.memref_slice %arg2[%dma_start3A_145, %dma_start3A_146] : memref<10000x128xf32, #tpu.memory_space<hbm>> -> memref<10000x128xf32, #tpu.memory_space<hbm>>
          tpu.enqueue_indirect_dma source(%dma_start3A_147 : memref<10000x128xf32, #tpu.memory_space<hbm>>) target(%arg9 : memref<128x128xf32, #tpu.memory_space<vmem>>) offsets(%dma_start3A_144 : memref<128xi32, #tpu.memory_space<vmem>>) semaphore(%arg12 : memref<!tpu.dma_semaphore, #tpu.memory_space<semaphore_mem>>)
        } else {
        }
      }
      %scan3A_67 = arith.constant 4 : i32
      %dma_wait3A = arith.constant 6 : i32
      %dma_wait3A_68 = arith.constant 0 : i32
      %dma_wait3A_69 = tpu.memref_slice %arg7[%dma_wait3A, %dma_wait3A_68] : memref<8x128xi32, #tpu.memory_space<vmem>> -> memref<1x128xi32, #tpu.memory_space<vmem>>
      %dma_wait3A_70 = tpu.memref_squeeze %dma_wait3A_69 : memref<1x128xi32, #tpu.memory_space<vmem>> -> memref<128xi32, #tpu.memory_space<vmem>>
      %dma_wait3A_71 = arith.constant 0 : i32
      %dma_wait3A_72 = arith.constant 0 : i32
      %dma_wait3A_73 = tpu.memref_slice %arg10[%dma_wait3A_71, %dma_wait3A_72] : memref<10240x128xf32, #tpu.memory_space<vmem_shared>> -> memref<10240x128xf32, #tpu.memory_space<vmem_shared>>
      tpu.wait_indirect_dma semaphore(%arg13 : memref<!tpu.dma_semaphore, #tpu.memory_space<semaphore_mem>>) src(%arg8 : memref<128x128xf32, #tpu.memory_space<vmem>>) dst(%dma_wait3A_73 : memref<10240x128xf32, #tpu.memory_space<vmem_shared>>)
      %dma_wait3A_74 = arith.constant 7 : i32
      %dma_wait3A_75 = arith.constant 0 : i32
      %dma_wait3A_76 = tpu.memref_slice %arg7[%dma_wait3A_74, %dma_wait3A_75] : memref<8x128xi32, #tpu.memory_space<vmem>> -> memref<1x128xi32, #tpu.memory_space<vmem>>
      %dma_wait3A_77 = tpu.memref_squeeze %dma_wait3A_76 : memref<1x128xi32, #tpu.memory_space<vmem>> -> memref<128xi32, #tpu.memory_space<vmem>>
      %dma_wait3A_78 = arith.constant 0 : i32
      %dma_wait3A_79 = arith.constant 0 : i32
      %dma_wait3A_80 = tpu.memref_slice %arg10[%dma_wait3A_78, %dma_wait3A_79] : memref<10240x128xf32, #tpu.memory_space<vmem_shared>> -> memref<10240x128xf32, #tpu.memory_space<vmem_shared>>
      tpu.wait_indirect_dma semaphore(%arg14 : memref<!tpu.dma_semaphore, #tpu.memory_space<semaphore_mem>>) src(%arg9 : memref<128x128xf32, #tpu.memory_space<vmem>>) dst(%dma_wait3A_80 : memref<10240x128xf32, #tpu.memory_space<vmem_shared>>)
    }
    %barrier3A_38 = arith.constant 0 : index
    tpu.barrier barrier_id(%barrier3A_38)
    %mul3A_39 = arith.constant 640 : i32
    %mul3A_40 = arith.muli %arg1, %mul3A_39 : i32
    %mul3A_41 = arith.constant 640 : i32
    %mul3A_42 = arith.muli %arg1, %mul3A_41 : i32
    "tpu.region"() ({
      %run_scoped3A = tpu.sem_alloc : memref<!tpu.dma_semaphore, #tpu.memory_space<semaphore_mem>>
      %dma_start3A = arith.constant 0 : i32
      %dma_start3A_43 = tpu.memref_slice %arg5[%arg0, %mul3A_42, %dma_start3A] : memref<2x10240x128xf32, #tpu.memory_space<hbm>> -> memref<1x640x128xf32, #tpu.memory_space<hbm>>
      %dma_start3A_44 = tpu.memref_squeeze %dma_start3A_43 : memref<1x640x128xf32, #tpu.memory_space<hbm>> -> memref<640x128xf32, #tpu.memory_space<hbm>>
      %dma_start3A_45 = arith.constant 0 : i32
      %dma_start3A_46 = tpu.memref_slice %arg10[%mul3A_40, %dma_start3A_45] : memref<10240x128xf32, #tpu.memory_space<vmem_shared>> -> memref<640x128xf32, #tpu.memory_space<vmem_shared>>
      tpu.enqueue_dma source(%dma_start3A_46 : memref<640x128xf32, #tpu.memory_space<vmem_shared>>) target(%dma_start3A_44 : memref<640x128xf32, #tpu.memory_space<hbm>>) target_semaphore(%run_scoped3A : memref<!tpu.dma_semaphore, #tpu.memory_space<semaphore_mem>>)
      %dma_wait3A = arith.constant 0 : i32
      %dma_wait3A_47 = tpu.memref_slice %arg5[%arg0, %mul3A_42, %dma_wait3A] : memref<2x10240x128xf32, #tpu.memory_space<hbm>> -> memref<1x640x128xf32, #tpu.memory_space<hbm>>
      %dma_wait3A_48 = tpu.memref_squeeze %dma_wait3A_47 : memref<1x640x128xf32, #tpu.memory_space<hbm>> -> memref<640x128xf32, #tpu.memory_space<hbm>>
      %dma_wait3A_49 = arith.constant 0 : i32
      %dma_wait3A_50 = tpu.memref_slice %arg10[%mul3A_40, %dma_wait3A_49] : memref<10240x128xf32, #tpu.memory_space<vmem_shared>> -> memref<640x128xf32, #tpu.memory_space<vmem_shared>>
      tpu.wait_dma2 semaphore(%run_scoped3A : memref<!tpu.dma_semaphore, #tpu.memory_space<semaphore_mem>>) src(%dma_wait3A_50 : memref<640x128xf32, #tpu.memory_space<vmem_shared>>) dst(%dma_wait3A_48 : memref<640x128xf32, #tpu.memory_space<hbm>>)
      tpu.yield
    }) : () -> ()
    return
  }
}

module attributes {stable_mosaic.version = 14 : i64} {
  func.func @_tc_a_body(%arg0: i32, %arg1: memref<1000x128xf32, #tpu.memory_space<vmem>>, %arg2: memref<128x128xf32, #tpu.memory_space<vmem>>, %arg3: memref<1000x1xf32, #tpu.memory_space<vmem>>, %arg4: memref<1000x1xf32, #tpu.memory_space<vmem>>, %arg5: memref<1000x1xf32, #tpu.memory_space<vmem>>, %arg6: memref<1000x128xf32, #tpu.memory_space<vmem>>) attributes {dimension_semantics = [#tpu.dimension_semantics<arbitrary>], iteration_bounds = array<i64: 10>, scalar_prefetch = 0 : i64, scratch_operands = 0 : i64, tpu.core_type = #tpu.core_type<tc>, window_params = [{transform_indices = @transform_0, window_bounds = array<i64: 1000, 128>}, {pipeline_mode = #tpu.pipeline_mode<synchronous>, transform_indices = @transform_1, window_bounds = array<i64: 128, 128>}, {transform_indices = @transform_2, window_bounds = array<i64: 1000, 1>}, {transform_indices = @transform_3, window_bounds = array<i64: 1000, 1>}, {transform_indices = @transform_4, window_bounds = array<i64: 1000, 1>}, {transform_indices = @transform_5, window_bounds = array<i64: 1000, 128>}]} {
    %get3A = arith.constant 0 : index
    %get3A_0 = arith.constant 0 : index
    %get3A_1 = vector.load %arg3[%get3A, %get3A_0] : memref<1000x1xf32, #tpu.memory_space<vmem>>, vector<1000x1xf32>
    %get3A_2 = arith.constant 0 : index
    %get3A_3 = arith.constant 0 : index
    %get3A_4 = vector.load %arg4[%get3A_2, %get3A_3] : memref<1000x1xf32, #tpu.memory_space<vmem>>, vector<1000x1xf32>
    %add3A = arith.addf %get3A_1, %get3A_4 : vector<1000x1xf32>
    %add3A_5 = arith.constant 1.000000e+00 : f32
    %add3A_6 = vector.broadcast %add3A_5 : f32 to vector<1000x1xf32>
    %add3A_7 = arith.addf %add3A, %add3A_6 : vector<1000x1xf32>
    %rsqrt3A = math.rsqrt %add3A_7 : vector<1000x1xf32>
    %swap3A = arith.constant 0 : index
    %swap3A_8 = arith.constant 0 : index
    %swap3A_9 = vector.load %arg5[%swap3A, %swap3A_8] : memref<1000x1xf32, #tpu.memory_space<vmem>>, vector<1000x1xf32>
    tpu.vector_store %arg5[%swap3A, %swap3A_8], %rsqrt3A {strides = array<i32>} : memref<1000x1xf32, #tpu.memory_space<vmem>>, vector<1000x1xf32>,
    %get3A_10 = arith.constant 0 : index
    %get3A_11 = arith.constant 0 : index
    %get3A_12 = vector.load %arg1[%get3A_10, %get3A_11] : memref<1000x128xf32, #tpu.memory_space<vmem>>, vector<1000x128xf32>
    %get3A_13 = arith.constant 0 : index
    %get3A_14 = arith.constant 0 : index
    %get3A_15 = vector.load %arg2[%get3A_13, %get3A_14] : memref<128x128xf32, #tpu.memory_space<vmem>>, vector<128x128xf32>
    %dot_general3A = arith.constant dense<0.000000e+00> : vector<1000x128xf32>
    %dot_general3A_16 = tpu.matmul %get3A_12, %get3A_15, %dot_general3A {dimension_numbers = #tpu.dot_dimension_numbers<[1], [0], [0], [1], [0, 0, 1, 1], [], []>, transpose_lhs_hint = false} : vector<1000x128xf32>, vector<128x128xf32>, vector<1000x128xf32> -> vector<1000x128xf32>
    %mul3A = vector.broadcast %rsqrt3A : vector<1000x1xf32> to vector<1000x128xf32>
    %mul3A_17 = arith.mulf %mul3A, %dot_general3A_16 : vector<1000x128xf32>
    %swap3A_18 = arith.constant 0 : index
    %swap3A_19 = arith.constant 0 : index
    %swap3A_20 = vector.load %arg6[%swap3A_18, %swap3A_19] : memref<1000x128xf32, #tpu.memory_space<vmem>>, vector<1000x128xf32>
    tpu.vector_store %arg6[%swap3A_18, %swap3A_19], %mul3A_17 {strides = array<i32>} : memref<1000x128xf32, #tpu.memory_space<vmem>>, vector<1000x128xf32>,
    return
  }
  func.func @transform_0(%arg0: i32) -> (i32, i32) {
    %c0_i32 = arith.constant 0 : i32
    %c0_i32_0 = arith.constant 0 : i32
    return %arg0, %c0_i32 : i32, i32
  }
  func.func @transform_1(%arg0: i32) -> (i32, i32) {
    %c0_i32 = arith.constant 0 : i32
    %c0_i32_0 = arith.constant 0 : i32
    %c0_i32_1 = arith.constant 0 : i32
    return %c0_i32, %c0_i32_0 : i32, i32
  }
  func.func @transform_2(%arg0: i32) -> (i32, i32) {
    %c0_i32 = arith.constant 0 : i32
    %c0_i32_0 = arith.constant 0 : i32
    return %arg0, %c0_i32 : i32, i32
  }
  func.func @transform_3(%arg0: i32) -> (i32, i32) {
    %c0_i32 = arith.constant 0 : i32
    %c0_i32_0 = arith.constant 0 : i32
    return %arg0, %c0_i32 : i32, i32
  }
  func.func @transform_4(%arg0: i32) -> (i32, i32) {
    %c0_i32 = arith.constant 0 : i32
    %c0_i32_0 = arith.constant 0 : i32
    return %arg0, %c0_i32 : i32, i32
  }
  func.func @transform_5(%arg0: i32) -> (i32, i32) {
    %c0_i32 = arith.constant 0 : i32
    %c0_i32_0 = arith.constant 0 : i32
    return %arg0, %c0_i32 : i32, i32
  }
}

module attributes {stable_mosaic.version = 14 : i64} {
  func.func @_tc_bc_body(%arg0: i32, %arg1: memref<1000x128xf32, #tpu.memory_space<vmem>>, %arg2: memref<1000x128xf32, #tpu.memory_space<vmem>>, %arg3: memref<1000x128xf32, #tpu.memory_space<vmem>>, %arg4: memref<1000x1xf32, #tpu.memory_space<vmem>>, %arg5: memref<1x128xf32, #tpu.memory_space<vmem>>, %arg6: memref<128x128xf32, #tpu.memory_space<vmem>>, %arg7: memref<1000x128xf32, #tpu.memory_space<vmem>>) attributes {dimension_semantics = [#tpu.dimension_semantics<arbitrary>], iteration_bounds = array<i64: 10>, scalar_prefetch = 0 : i64, scratch_operands = 0 : i64, tpu.core_type = #tpu.core_type<tc>, window_params = [{transform_indices = @transform_0, window_bounds = array<i64: 1000, 128>}, {transform_indices = @transform_1, window_bounds = array<i64: 1000, 128>}, {transform_indices = @transform_2, window_bounds = array<i64: 1000, 128>}, {transform_indices = @transform_3, window_bounds = array<i64: 1000, 1>}, {pipeline_mode = #tpu.pipeline_mode<synchronous>, transform_indices = @transform_4, window_bounds = array<i64: 1, 128>}, {pipeline_mode = #tpu.pipeline_mode<synchronous>, transform_indices = @transform_5, window_bounds = array<i64: 128, 128>}, {transform_indices = @transform_6, window_bounds = array<i64: 1000, 128>}]} {
    %get3A = arith.constant 0 : index
    %get3A_0 = arith.constant 0 : index
    %get3A_1 = vector.load %arg4[%get3A, %get3A_0] : memref<1000x1xf32, #tpu.memory_space<vmem>>, vector<1000x1xf32>
    %get3A_2 = arith.constant 0 : index
    %get3A_3 = arith.constant 0 : index
    %get3A_4 = vector.load %arg1[%get3A_2, %get3A_3] : memref<1000x128xf32, #tpu.memory_space<vmem>>, vector<1000x128xf32>
    %get3A_5 = arith.constant 0 : index
    %get3A_6 = arith.constant 0 : index
    %get3A_7 = vector.load %arg2[%get3A_5, %get3A_6] : memref<1000x128xf32, #tpu.memory_space<vmem>>, vector<1000x128xf32>
    %add3A = arith.addf %get3A_4, %get3A_7 : vector<1000x128xf32>
    %get3A_8 = arith.constant 0 : index
    %get3A_9 = arith.constant 0 : index
    %get3A_10 = vector.load %arg3[%get3A_8, %get3A_9] : memref<1000x128xf32, #tpu.memory_space<vmem>>, vector<1000x128xf32>
    %sub3A = arith.subf %add3A, %get3A_10 : vector<1000x128xf32>
    %mul3A = vector.broadcast %get3A_1 : vector<1000x1xf32> to vector<1000x128xf32>
    %mul3A_11 = arith.mulf %mul3A, %sub3A : vector<1000x128xf32>
    %get3A_12 = arith.constant 0 : index
    %get3A_13 = arith.constant 0 : index
    %get3A_14 = vector.load %arg5[%get3A_12, %get3A_13] : memref<1x128xf32, #tpu.memory_space<vmem>>, vector<1x128xf32>
    %add3A_15 = vector.broadcast %get3A_14 : vector<1x128xf32> to vector<1000x128xf32>
    %add3A_16 = arith.addf %mul3A_11, %add3A_15 : vector<1000x128xf32>
    %max3A = arith.constant 0.000000e+00 : f32
    %max3A_17 = vector.broadcast %max3A : f32 to vector<1000x128xf32>
    %max3A_18 = arith.maximumf %add3A_16, %max3A_17 : vector<1000x128xf32>
    %get3A_19 = arith.constant 0 : index
    %get3A_20 = arith.constant 0 : index
    %get3A_21 = vector.load %arg6[%get3A_19, %get3A_20] : memref<128x128xf32, #tpu.memory_space<vmem>>, vector<128x128xf32>
    %dot_general3A = arith.constant dense<0.000000e+00> : vector<1000x128xf32>
    %dot_general3A_22 = tpu.matmul %max3A_18, %get3A_21, %dot_general3A {dimension_numbers = #tpu.dot_dimension_numbers<[1], [0], [0], [1], [0, 0, 1, 1], [], []>, transpose_lhs_hint = false} : vector<1000x128xf32>, vector<128x128xf32>, vector<1000x128xf32> -> vector<1000x128xf32>
    %mul3A_23 = vector.broadcast %get3A_1 : vector<1000x1xf32> to vector<1000x128xf32>
    %mul3A_24 = arith.mulf %mul3A_23, %dot_general3A_22 : vector<1000x128xf32>
    %swap3A = arith.constant 0 : index
    %swap3A_25 = arith.constant 0 : index
    %swap3A_26 = vector.load %arg7[%swap3A, %swap3A_25] : memref<1000x128xf32, #tpu.memory_space<vmem>>, vector<1000x128xf32>
    tpu.vector_store %arg7[%swap3A, %swap3A_25], %mul3A_24 {strides = array<i32>} : memref<1000x128xf32, #tpu.memory_space<vmem>>, vector<1000x128xf32>,
    return
  }
  func.func @transform_0(%arg0: i32) -> (i32, i32) {
    %c0_i32 = arith.constant 0 : i32
    %c0_i32_0 = arith.constant 0 : i32
    return %arg0, %c0_i32 : i32, i32
  }
  func.func @transform_1(%arg0: i32) -> (i32, i32) {
    %c0_i32 = arith.constant 0 : i32
    %c0_i32_0 = arith.constant 0 : i32
    return %arg0, %c0_i32 : i32, i32
  }
  func.func @transform_2(%arg0: i32) -> (i32, i32) {
    %c0_i32 = arith.constant 0 : i32
    %c0_i32_0 = arith.constant 0 : i32
    return %arg0, %c0_i32 : i32, i32
  }
  func.func @transform_3(%arg0: i32) -> (i32, i32) {
    %c0_i32 = arith.constant 0 : i32
    %c0_i32_0 = arith.constant 0 : i32
    return %arg0, %c0_i32 : i32, i32
  }
  func.func @transform_4(%arg0: i32) -> (i32, i32) {
    %c0_i32 = arith.constant 0 : i32
    %c0_i32_0 = arith.constant 0 : i32
    %c0_i32_1 = arith.constant 0 : i32
    return %c0_i32, %c0_i32_0 : i32, i32
  }
  func.func @transform_5(%arg0: i32) -> (i32, i32) {
    %c0_i32 = arith.constant 0 : i32
    %c0_i32_0 = arith.constant 0 : i32
    %c0_i32_1 = arith.constant 0 : i32
    return %c0_i32, %c0_i32_0 : i32, i32
  }
  func.func @transform_6(%arg0: i32) -> (i32, i32) {
    %c0_i32 = arith.constant 0 : i32
    %c0_i32_0 = arith.constant 0 : i32
    return %arg0, %c0_i32 : i32, i32
  }
}

module attributes {stable_mosaic.version = 14 : i64} {
  func.func @_tc_d_body(%arg0: i32, %arg1: memref<1000x128xf32, #tpu.memory_space<vmem>>, %arg2: memref<1000x128xf32, #tpu.memory_space<vmem>>, %arg3: memref<1000x128xf32, #tpu.memory_space<vmem>>, %arg4: memref<1000x1xf32, #tpu.memory_space<vmem>>, %arg5: memref<1x128xf32, #tpu.memory_space<vmem>>, %arg6: memref<1000x1xi32, #tpu.memory_space<vmem>>, %arg7: memref<128x128xf32, #tpu.memory_space<vmem>>, %arg8: memref<1x128xf32, #tpu.memory_space<vmem>>, %arg9: memref<128x64xf32, #tpu.memory_space<vmem>>, %arg10: memref<1x64xf32, #tpu.memory_space<vmem>>, %arg11: memref<128x64xf32, #tpu.memory_space<vmem>>, %arg12: memref<128x128xf32, #tpu.memory_space<vmem>>, %arg13: memref<128x128xf32, #tpu.memory_space<vmem>>) attributes {dimension_semantics = [#tpu.dimension_semantics<arbitrary>], iteration_bounds = array<i64: 10>, scalar_prefetch = 0 : i64, scratch_operands = 2 : i64, tpu.core_type = #tpu.core_type<tc>, window_params = [{transform_indices = @transform_0, window_bounds = array<i64: 1000, 128>}, {transform_indices = @transform_1, window_bounds = array<i64: 1000, 128>}, {transform_indices = @transform_2, window_bounds = array<i64: 1000, 128>}, {transform_indices = @transform_3, window_bounds = array<i64: 1000, 1>}, {pipeline_mode = #tpu.pipeline_mode<synchronous>, transform_indices = @transform_4, window_bounds = array<i64: 1, 128>}, {transform_indices = @transform_5, window_bounds = array<i64: 1000, 1>}, {pipeline_mode = #tpu.pipeline_mode<synchronous>, transform_indices = @transform_6, window_bounds = array<i64: 128, 128>}, {pipeline_mode = #tpu.pipeline_mode<synchronous>, transform_indices = @transform_7, window_bounds = array<i64: 1, 128>}, {pipeline_mode = #tpu.pipeline_mode<synchronous>, transform_indices = @transform_8, window_bounds = array<i64: 128, 64>}, {pipeline_mode = #tpu.pipeline_mode<synchronous>, transform_indices = @transform_9, window_bounds = array<i64: 1, 64>}, {pipeline_mode = #tpu.pipeline_mode<synchronous>, transform_indices = @transform_10, window_bounds = array<i64: 128, 64>}]} {
    %eq3A = arith.constant 0 : i32
    %eq3A_0 = arith.cmpi eq, %arg0, %eq3A : i32
    %convert_element_type3A = arith.extui %eq3A_0 : i1 to i32
    %cond3A = arith.constant 0 : i32
    %cond3A_1 = arith.cmpi ne, %convert_element_type3A, %cond3A : i32
    scf.if %cond3A_1 {
      %broadcast_in_dim3A_50 = arith.constant 0.000000e+00 : f32
      %broadcast_in_dim3A_51 = vector.broadcast %broadcast_in_dim3A_50 : f32 to vector<128x128xf32>
      %swap3A_52 = arith.constant 0 : index
      %swap3A_53 = arith.constant 0 : index
      %swap3A_54 = vector.load %arg12[%swap3A_52, %swap3A_53] : memref<128x128xf32, #tpu.memory_space<vmem>>, vector<128x128xf32>
      tpu.vector_store %arg12[%swap3A_52, %swap3A_53], %broadcast_in_dim3A_51 {strides = array<i32>} : memref<128x128xf32, #tpu.memory_space<vmem>>, vector<128x128xf32>,
      %broadcast_in_dim3A_55 = arith.constant 0.000000e+00 : f32
      %broadcast_in_dim3A_56 = vector.broadcast %broadcast_in_dim3A_55 : f32 to vector<128x128xf32>
      %swap3A_57 = arith.constant 0 : index
      %swap3A_58 = arith.constant 0 : index
      %swap3A_59 = vector.load %arg13[%swap3A_57, %swap3A_58] : memref<128x128xf32, #tpu.memory_space<vmem>>, vector<128x128xf32>
      tpu.vector_store %arg13[%swap3A_57, %swap3A_58], %broadcast_in_dim3A_56 {strides = array<i32>} : memref<128x128xf32, #tpu.memory_space<vmem>>, vector<128x128xf32>,
    } else {
    }
    %get3A = arith.constant 0 : index
    %get3A_2 = arith.constant 0 : index
    %get3A_3 = vector.load %arg4[%get3A, %get3A_2] : memref<1000x1xf32, #tpu.memory_space<vmem>>, vector<1000x1xf32>
    %get3A_4 = arith.constant 0 : index
    %get3A_5 = arith.constant 0 : index
    %get3A_6 = vector.load %arg1[%get3A_4, %get3A_5] : memref<1000x128xf32, #tpu.memory_space<vmem>>, vector<1000x128xf32>
    %get3A_7 = arith.constant 0 : index
    %get3A_8 = arith.constant 0 : index
    %get3A_9 = vector.load %arg2[%get3A_7, %get3A_8] : memref<1000x128xf32, #tpu.memory_space<vmem>>, vector<1000x128xf32>
    %add3A = arith.addf %get3A_6, %get3A_9 : vector<1000x128xf32>
    %get3A_10 = arith.constant 0 : index
    %get3A_11 = arith.constant 0 : index
    %get3A_12 = vector.load %arg3[%get3A_10, %get3A_11] : memref<1000x128xf32, #tpu.memory_space<vmem>>, vector<1000x128xf32>
    %sub3A = arith.subf %add3A, %get3A_12 : vector<1000x128xf32>
    %mul3A = vector.broadcast %get3A_3 : vector<1000x1xf32> to vector<1000x128xf32>
    %mul3A_13 = arith.mulf %mul3A, %sub3A : vector<1000x128xf32>
    %get3A_14 = arith.constant 0 : index
    %get3A_15 = arith.constant 0 : index
    %get3A_16 = vector.load %arg5[%get3A_14, %get3A_15] : memref<1x128xf32, #tpu.memory_space<vmem>>, vector<1x128xf32>
    %add3A_17 = vector.broadcast %get3A_16 : vector<1x128xf32> to vector<1000x128xf32>
    %add3A_18 = arith.addf %mul3A_13, %add3A_17 : vector<1000x128xf32>
    %max3A = arith.constant 0.000000e+00 : f32
    %max3A_19 = vector.broadcast %max3A : f32 to vector<1000x128xf32>
    %max3A_20 = arith.maximumf %add3A_18, %max3A_19 : vector<1000x128xf32>
    %iota3A = tpu.iota {dimensions = array<i32: 1>} : vector<1000x128xi32>
    %get3A_21 = arith.constant 0 : index
    %get3A_22 = arith.constant 0 : index
    %get3A_23 = vector.load %arg6[%get3A_21, %get3A_22] : memref<1000x1xi32, #tpu.memory_space<vmem>>, vector<1000x1xi32>
    %eq3A_24 = vector.broadcast %get3A_23 : vector<1000x1xi32> to vector<1000x128xi32>
    %eq3A_25 = arith.cmpi eq, %eq3A_24, %iota3A : vector<1000x128xi32>
    %convert_element_type3A_26 = arith.extui %eq3A_25 : vector<1000x128xi1> to vector<1000x128xi32>
    %convert_element_type3A_27 = arith.sitofp %convert_element_type3A_26 : vector<1000x128xi32> to vector<1000x128xf32>
    %get3A_28 = arith.constant 0 : index
    %get3A_29 = arith.constant 0 : index
    %get3A_30 = vector.load %arg12[%get3A_28, %get3A_29] : memref<128x128xf32, #tpu.memory_space<vmem>>, vector<128x128xf32>
    %dot_general3A = arith.constant dense<0.000000e+00> : vector<128x128xf32>
    %dot_general3A_31 = tpu.matmul %convert_element_type3A_27, %max3A_20, %dot_general3A {dimension_numbers = #tpu.dot_dimension_numbers<[0], [0], [1], [1], [0, 1, 1, 1], [], []>, transpose_lhs_hint = false} : vector<1000x128xf32>, vector<1000x128xf32>, vector<128x128xf32> -> vector<128x128xf32>
    %add3A_32 = arith.addf %get3A_30, %dot_general3A_31 : vector<128x128xf32>
    %swap3A = arith.constant 0 : index
    %swap3A_33 = arith.constant 0 : index
    %swap3A_34 = vector.load %arg12[%swap3A, %swap3A_33] : memref<128x128xf32, #tpu.memory_space<vmem>>, vector<128x128xf32>
    tpu.vector_store %arg12[%swap3A, %swap3A_33], %add3A_32 {strides = array<i32>} : memref<128x128xf32, #tpu.memory_space<vmem>>, vector<128x128xf32>,
    %get3A_35 = arith.constant 0 : index
    %get3A_36 = arith.constant 0 : index
    %get3A_37 = vector.load %arg13[%get3A_35, %get3A_36] : memref<128x128xf32, #tpu.memory_space<vmem>>, vector<128x128xf32>
    %broadcast_in_dim3A = arith.constant 1.000000e+00 : f32
    %broadcast_in_dim3A_38 = vector.broadcast %broadcast_in_dim3A : f32 to vector<1000x128xf32>
    %dot_general3A_39 = arith.constant dense<0.000000e+00> : vector<128x128xf32>
    %dot_general3A_40 = tpu.matmul %convert_element_type3A_27, %broadcast_in_dim3A_38, %dot_general3A_39 {dimension_numbers = #tpu.dot_dimension_numbers<[0], [0], [1], [1], [0, 1, 1, 1], [], []>, transpose_lhs_hint = false} : vector<1000x128xf32>, vector<1000x128xf32>, vector<128x128xf32> -> vector<128x128xf32>
    %add3A_41 = arith.addf %get3A_37, %dot_general3A_40 : vector<128x128xf32>
    %swap3A_42 = arith.constant 0 : index
    %swap3A_43 = arith.constant 0 : index
    %swap3A_44 = vector.load %arg13[%swap3A_42, %swap3A_43] : memref<128x128xf32, #tpu.memory_space<vmem>>, vector<128x128xf32>
    tpu.vector_store %arg13[%swap3A_42, %swap3A_43], %add3A_41 {strides = array<i32>} : memref<128x128xf32, #tpu.memory_space<vmem>>, vector<128x128xf32>,
    %eq3A_45 = arith.constant 9 : i32
    %eq3A_46 = arith.cmpi eq, %arg0, %eq3A_45 : i32
    %convert_element_type3A_47 = arith.extui %eq3A_46 : i1 to i32
    %cond3A_48 = arith.constant 0 : i32
    %cond3A_49 = arith.cmpi ne, %convert_element_type3A_47, %cond3A_48 : i32
    scf.if %cond3A_49 {
      %get3A_50 = arith.constant 0 : index
      %get3A_51 = arith.constant 0 : index
      %get3A_52 = vector.load %arg12[%get3A_50, %get3A_51] : memref<128x128xf32, #tpu.memory_space<vmem>>, vector<128x128xf32>
      %get3A_53 = arith.constant 0 : index
      %get3A_54 = arith.constant 0 : index
      %get3A_55 = vector.load %arg13[%get3A_53, %get3A_54] : memref<128x128xf32, #tpu.memory_space<vmem>>, vector<128x128xf32>
      %max3A_56 = arith.constant 1.000000e+00 : f32
      %max3A_57 = vector.broadcast %max3A_56 : f32 to vector<128x128xf32>
      %max3A_58 = arith.maximumf %get3A_55, %max3A_57 : vector<128x128xf32>
      %div3A = arith.divf %get3A_52, %max3A_58 : vector<128x128xf32>
      %get3A_59 = arith.constant 0 : index
      %get3A_60 = arith.constant 0 : index
      %get3A_61 = vector.load %arg7[%get3A_59, %get3A_60] : memref<128x128xf32, #tpu.memory_space<vmem>>, vector<128x128xf32>
      %dot_general3A_62 = arith.constant dense<0.000000e+00> : vector<128x128xf32>
      %dot_general3A_63 = tpu.matmul %div3A, %get3A_61, %dot_general3A_62 {dimension_numbers = #tpu.dot_dimension_numbers<[1], [0], [0], [1], [0, 0, 1, 1], [], []>, transpose_lhs_hint = false} : vector<128x128xf32>, vector<128x128xf32>, vector<128x128xf32> -> vector<128x128xf32>
      %get3A_64 = arith.constant 0 : index
      %get3A_65 = arith.constant 0 : index
      %get3A_66 = vector.load %arg8[%get3A_64, %get3A_65] : memref<1x128xf32, #tpu.memory_space<vmem>>, vector<1x128xf32>
      %add3A_67 = vector.broadcast %get3A_66 : vector<1x128xf32> to vector<128x128xf32>
      %add3A_68 = arith.addf %dot_general3A_63, %add3A_67 : vector<128x128xf32>
      %max3A_69 = arith.constant 0.000000e+00 : f32
      %max3A_70 = vector.broadcast %max3A_69 : f32 to vector<128x128xf32>
      %max3A_71 = arith.maximumf %add3A_68, %max3A_70 : vector<128x128xf32>
      %get3A_72 = arith.constant 0 : index
      %get3A_73 = arith.constant 0 : index
      %get3A_74 = vector.load %arg9[%get3A_72, %get3A_73] : memref<128x64xf32, #tpu.memory_space<vmem>>, vector<128x64xf32>
      %dot_general3A_75 = arith.constant dense<0.000000e+00> : vector<128x64xf32>
      %dot_general3A_76 = tpu.matmul %max3A_71, %get3A_74, %dot_general3A_75 {dimension_numbers = #tpu.dot_dimension_numbers<[1], [0], [0], [1], [0, 0, 1, 1], [], []>, transpose_lhs_hint = false} : vector<128x128xf32>, vector<128x64xf32>, vector<128x64xf32> -> vector<128x64xf32>
      %get3A_77 = arith.constant 0 : index
      %get3A_78 = arith.constant 0 : index
      %get3A_79 = vector.load %arg10[%get3A_77, %get3A_78] : memref<1x64xf32, #tpu.memory_space<vmem>>, vector<1x64xf32>
      %add3A_80 = vector.broadcast %get3A_79 : vector<1x64xf32> to vector<128x64xf32>
      %add3A_81 = arith.addf %dot_general3A_76, %add3A_80 : vector<128x64xf32>
      %reduce_max3A = arith.constant dense<0xFF800000> : vector<128xf32>
      %reduce_max3A_82 = vector.multi_reduction <maximumf>, %add3A_81, %reduce_max3A [1] : vector<128x64xf32> to vector<128xf32>
      %broadcast_in_dim3A_83 = vector.shape_cast %reduce_max3A_82 : vector<128xf32> to vector<128x1xf32>
      %sub3A_84 = vector.broadcast %broadcast_in_dim3A_83 : vector<128x1xf32> to vector<128x64xf32>
      %sub3A_85 = arith.subf %add3A_81, %sub3A_84 : vector<128x64xf32>
      %sub3A_86 = vector.broadcast %broadcast_in_dim3A_83 : vector<128x1xf32> to vector<128x64xf32>
      %sub3A_87 = arith.subf %add3A_81, %sub3A_86 : vector<128x64xf32>
      %exp3A = math.exp %sub3A_87 : vector<128x64xf32>
      %reduce_sum3A = arith.constant dense<0.000000e+00> : vector<128xf32>
      %reduce_sum3A_88 = vector.multi_reduction <add>, %exp3A, %reduce_sum3A [1] : vector<128x64xf32> to vector<128xf32>
      %broadcast_in_dim3A_89 = vector.shape_cast %reduce_sum3A_88 : vector<128xf32> to vector<128x1xf32>
      %log3A = math.log %broadcast_in_dim3A_89 : vector<128x1xf32>
      %sub3A_90 = vector.broadcast %log3A : vector<128x1xf32> to vector<128x64xf32>
      %sub3A_91 = arith.subf %sub3A_85, %sub3A_90 : vector<128x64xf32>
      %swap3A_92 = arith.constant 0 : index
      %swap3A_93 = arith.constant 0 : index
      %swap3A_94 = vector.load %arg11[%swap3A_92, %swap3A_93] : memref<128x64xf32, #tpu.memory_space<vmem>>, vector<128x64xf32>
      tpu.vector_store %arg11[%swap3A_92, %swap3A_93], %sub3A_91 {strides = array<i32>} : memref<128x64xf32, #tpu.memory_space<vmem>>, vector<128x64xf32>,
    } else {
    }
    return
  }
  func.func @transform_0(%arg0: i32) -> (i32, i32) {
    %c0_i32 = arith.constant 0 : i32
    %c0_i32_0 = arith.constant 0 : i32
    return %arg0, %c0_i32 : i32, i32
  }
  func.func @transform_1(%arg0: i32) -> (i32, i32) {
    %c0_i32 = arith.constant 0 : i32
    %c0_i32_0 = arith.constant 0 : i32
    return %arg0, %c0_i32 : i32, i32
  }
  func.func @transform_2(%arg0: i32) -> (i32, i32) {
    %c0_i32 = arith.constant 0 : i32
    %c0_i32_0 = arith.constant 0 : i32
    return %arg0, %c0_i32 : i32, i32
  }
  func.func @transform_3(%arg0: i32) -> (i32, i32) {
    %c0_i32 = arith.constant 0 : i32
    %c0_i32_0 = arith.constant 0 : i32
    return %arg0, %c0_i32 : i32, i32
  }
  func.func @transform_4(%arg0: i32) -> (i32, i32) {
    %c0_i32 = arith.constant 0 : i32
    %c0_i32_0 = arith.constant 0 : i32
    %c0_i32_1 = arith.constant 0 : i32
    return %c0_i32, %c0_i32_0 : i32, i32
  }
  func.func @transform_5(%arg0: i32) -> (i32, i32) {
    %c0_i32 = arith.constant 0 : i32
    %c0_i32_0 = arith.constant 0 : i32
    return %arg0, %c0_i32 : i32, i32
  }
  func.func @transform_6(%arg0: i32) -> (i32, i32) {
    %c0_i32 = arith.constant 0 : i32
    %c0_i32_0 = arith.constant 0 : i32
    %c0_i32_1 = arith.constant 0 : i32
    return %c0_i32, %c0_i32_0 : i32, i32
  }
  func.func @transform_7(%arg0: i32) -> (i32, i32) {
    %c0_i32 = arith.constant 0 : i32
    %c0_i32_0 = arith.constant 0 : i32
    %c0_i32_1 = arith.constant 0 : i32
    return %c0_i32, %c0_i32_0 : i32, i32
  }
  func.func @transform_8(%arg0: i32) -> (i32, i32) {
    %c0_i32 = arith.constant 0 : i32
    %c0_i32_0 = arith.constant 0 : i32
    %c0_i32_1 = arith.constant 0 : i32
    return %c0_i32, %c0_i32_0 : i32, i32
  }
  func.func @transform_9(%arg0: i32) -> (i32, i32) {
    %c0_i32 = arith.constant 0 : i32
    %c0_i32_0 = arith.constant 0 : i32
    %c0_i32_1 = arith.constant 0 : i32
    return %c0_i32, %c0_i32_0 : i32, i32
  }
  func.func @transform_10(%arg0: i32) -> (i32, i32) {
    %c0_i32 = arith.constant 0 : i32
    %c0_i32_0 = arith.constant 0 : i32
    %c0_i32_1 = arith.constant 0 : i32
    return %c0_i32, %c0_i32_0 : i32, i32
  }
}

</mosaic_0001>

<sc_bundles>
// kernel: kernel.10.cloned.1.call-start
scs
__scs_entry_jumppad:
0x0: {  	(pc) =	sbr.rel $0x88, $3  }
0x1: {  	(tag) =	ssettag $0x0;
	lr =	simm.s32 $0x1  }
0x2: {  	[smem:$0x3F94] =	sst lr;
	_ =	strace $0xD0000000  }
0x3: {  	_ = 	snop  }
0x4: {  	_ = 	snop  }
0x5: {  	_ = 	snop  }
0x6: {  	_ = 	snop  }
0x7: {  	_ = 	snop  }
__scs_overlays_trampoline_lowered:
0x8: {  	[smem:$0x3FA3] =	sst s0  }
0x9: {  	[smem:$0x3FA4] =	sst s1  }
0xa: {  	[smem:$0x3FA5] =	sst s2  }
0xb: {  	[smem:$0x3FA6] =	sst s3  }
0xc: {  	[smem:$0x3FA7] =	sst s4  }
0xd: {  	[smem:$0x3FA8] =	sst s5  }
0xe: {  	[smem:$0x3FA9] =	sst s6  }
0xf: {  	[smem:$0x3FAA] =	sst s7  }
0x10: {  	[smem:$0x3FAB] =	sst s8  }
0x11: {  	[smem:$0x3FAC] =	sst s9;
	s0 =	simm.s32 @!p0 $0x0  }
0x12: {  	s1 =	sld [smem:$0x3F92];
	s0 =	simm.s32 @p0 $0x1  }
0x13: {  	[smem:$0x3FAD] =	sst s0;
	s0 =	simm.s32 @!p1 $0x0  }
0x14: {  	s2 =	sld [smem:$0x3F91];
	s0 =	simm.s32 @p1 $0x1  }
0x15: {  	[smem:$0x3FAE] =	sst s0;
	s0 =	simm.s32 @!p2 $0x0  }
0x16: {  	s3 =	sld [smem:$0x3FDB];
	s0 =	simm.s32 @p2 $0x1  }
0x17: {  	s4 =	simm.s32 $0x1BF5;
	[smem:$0x3FB0] =	sst s0  }
0x18: {  	s0 =	sld [smem:$0x3F93];
	_ =	swait.ge [sflag:s4], $0x0  }
0x19: {  	s7 =	sld [smem:$0x3F94]  }
0x1a: {  	s8 =	sadd.s32 $0xFFFFE003, lr  }
0x1b: {  	s9 =	sadd.s32 $0xFFFFFEF7, lr;
	s5 =	simm.s32 $0xFFFFFFFF;
	p2 =	slt.u32 s8, $0xFFFFF086  }
0x1c: {  	p1 =	slt.u32 s9, $0xF7A;
	s5 =	simm.s32 @!p2 $0x0  }
0x1d: {  	s5 =	simm.s32 @p1 $0x1;
	p0 =	seq.s32 s7, s2  }
0x1e: {  	s7 =	smul.u32 @!p0 $0xF7A, s2;
	p2 =	seq.s32 @!p0 s5, $0x0  }
0x1f: {  	s9 =	smul.u32 $0xF7A, s1;
	s8 =	simm.s32 @!p0 $0x1BF5;
	p2 =	por !p2, p0  }
0x20: {  	[sflag:s8] =	ssyncset.s32 @!p0 $0xFFFFF086;
	s6 =	sadd.s32 @!p0 s3, s7;
	s7 =	simm.s32 @!p0 $0x108  }
0x21: {  	s3 =	sadd.s32 s3, s9;
	s6 =	sadd.s32 @!p0 $0x88, s6;
	s7 =	simm.s32 @p2 $0x1082  }
0x22: {  	[simem:s7], [sflag:s8] =	dma.local @!p0 [hbm:s6], $0xF7A  }
0x23: {  	s9 =	sor.u32 $0xD0000000, s2;
	s6 =	simm.s32 $0x108;
	_ =	swait.ge @!p0 [sflag:s8], $0x0  }
0x24: {  	s3 =	sadd.s32 $0x88, s3;
	s6 =	simm.s32 @!p1 $0x1082;
	[sflag:s4] =	ssyncset.s32 $0xFFFFF086  }
0x25: {  	[simem:s6], [sflag:s4] =	dma.local [hbm:s3], $0xF7A  }
0x26: {  	[smem:$0x3F94] =	sst s1;
	(tag) =	ssettag s2;
	_ =	strace s9  }
0x27: {  	s1 =	sld [smem:$0x3FA4]  }
0x28: {  	s2 =	sld [smem:$0x3FA5]  }
0x29: {  	s4 =	sld [smem:$0x3FA7]  }
0x2a: {  	p0 =	seq.s32 s5, $0x0;
	s5 =	sld [smem:$0x3FA8]  }
0x2b: {  	s6 =	sld [smem:$0x3FA9]  }
0x2c: {  	s7 =	sld [smem:$0x3FAA]  }
0x2d: {  	s3 =	simm.s32 $0x108;
	s8 =	sld [smem:$0x3FAB]  }
0x2e: {  	s3 =	simm.s32 @!p0 $0x1082;
	s9 =	sld [smem:$0x3FAC]  }
0x2f: {  	lr =	sadd.s32 s0, s3;
	s0 =	sld [smem:$0x3FA3]  }
0x30: {  	s3 =	sld [smem:$0x3FA6]  }
0x31: {  	[smem:$0x3FAF] =	sst s10  }
0x32: {  	s10 =	sld [smem:$0x3FAD];
	_ =	sdelay $0x3  }
0x33: {  	p0 =	seq.s32 s10, $0x1;
	s10 =	sld [smem:$0x3FAF];
	_ =	sdelay $0x3  }
0x34: {  	[smem:$0x3FAF] =	sst s10  }
0x35: {  	s10 =	sld [smem:$0x3FAE];
	_ =	sdelay $0x3  }
0x36: {  	p1 =	seq.s32 s10, $0x1;
	s10 =	sld [smem:$0x3FAF];
	_ =	sdelay $0x3  }
0x37: {  	[smem:$0x3FAF] =	sst s10  }
0x38: {  	s10 =	sld [smem:$0x3FB0]  }
0x39: {  	_ = 	snop;
	(pc) =	sbr.ind lr, $3  }
0x3a: {  	_ = 	snop  }
0x3b: {  	_ = 	snop  }
0x3c: {  	p2 =	seq.s32 s10, $0x1;
	s10 =	sld [smem:$0x3FAF]  }
0x3d: {  	_ =	shalt  }
0x3e: {  	_ =	shalt  }
0x3f: {  	_ =	shalt  }
0x40: {  	_ =	shalt  }
0x41: {  	_ =	shalt  }
0x42: {  	_ =	shalt  }
0x43: {  	_ =	shalt  }
0x44: {  	_ =	shalt  }
0x45: {  	_ =	shalt  }
0x46: {  	_ =	shalt  }
0x47: {  	_ =	shalt  }
0x48: {  	_ =	shalt  }
0x49: {  	_ =	shalt  }
0x4a: {  	_ =	shalt  }
0x4b: {  	_ =	shalt  }
0x4c: {  	_ =	shalt  }
0x4d: {  	_ =	shalt  }
0x4e: {  	_ =	shalt  }
0x4f: {  	_ =	shalt  }
0x50: {  	_ =	shalt  }
0x51: {  	_ =	shalt  }
0x52: {  	_ =	shalt  }
0x53: {  	_ =	shalt  }
0x54: {  	_ =	shalt  }
0x55: {  	_ =	shalt  }
0x56: {  	_ =	shalt  }
0x57: {  	_ =	shalt  }
0x58: {  	_ =	shalt  }
0x59: {  	_ =	shalt  }
0x5a: {  	_ =	shalt  }
0x5b: {  	_ =	shalt  }
0x5c: {  	_ =	shalt  }
0x5d: {  	_ =	shalt  }
0x5e: {  	_ =	shalt  }
0x5f: {  	_ =	shalt  }
0x60: {  	_ =	shalt  }
0x61: {  	_ =	shalt  }
0x62: {  	_ =	shalt  }
0x63: {  	_ =	shalt  }
0x64: {  	_ =	shalt  }
0x65: {  	_ =	shalt  }
0x66: {  	_ =	shalt  }
0x67: {  	_ =	shalt  }
0x68: {  	_ =	shalt  }
0x69: {  	_ =	shalt  }
0x6a: {  	_ =	shalt  }
0x6b: {  	_ =	shalt  }
0x6c: {  	_ =	shalt  }
0x6d: {  	_ =	shalt  }
0x6e: {  	_ =	shalt  }
0x6f: {  	_ =	shalt  }
0x70: {  	_ =	shalt  }
0x71: {  	_ =	shalt  }
0x72: {  	_ =	shalt  }
0x73: {  	_ =	shalt  }
0x74: {  	_ =	shalt  }
0x75: {  	_ =	shalt  }
0x76: {  	_ =	shalt  }
0x77: {  	_ =	shalt  }
0x78: {  	_ =	shalt  }
0x79: {  	_ =	shalt  }
0x7a: {  	_ =	shalt  }
0x7b: {  	_ =	shalt  }
0x7c: {  	_ =	shalt  }
0x7d: {  	_ =	shalt  }
0x7e: {  	_ =	shalt  }
0x7f: {  	_ =	shalt  }
0x80: {  	_ =	shalt  }
0x81: {  	_ =	shalt  }
0x82: {  	_ =	shalt  }
0x83: {  	_ =	shalt  }
0x84: {  	_ =	shalt  }
0x85: {  	_ =	shalt  }
0x86: {  	_ =	shalt  }
0x87: {  	_ =	shalt  }
.Lfunc_end0:
.L_simem_size_0:
called_computation_lowered:
.L_overlay_start_0:
0x88: {  	s2 =	sld [smem:$0x3FD9]  }
0x89: {  	s3 =	sld [smem:$0x3FFE];
	_ =	sdelay $0x1  }
0x8a: {  	s1 =	srdreg.scid  }
0x8b: {  	s0 =	sand.u32 $0x1, s1  }
0x8c: {  	s16 =	sshll.u32 s0, $0xA;
	s2 =	sadd.s32 s3, s2  }
0x8d: {  	s2 =	sadd.s32 s2, s16  }
0x8e: {  	[smem:$0x3FBB] =	sst s2  }
0x8f: {  	_ = 	snop  }
0x90: {  	(tm) =	ssettm $0x1  }
0x91: {  	s17 =	sld [smem:$0x3FFB];
	_ =	sdelay $0x3  }
0x92: {  	_ =	strace s17  }
0x93: {  	s2 =	sld [smem:$0x3FFC];
	_ =	sdelay $0x3  }
0x94: {  	_ =	strace s2  }
0x95: {  	s2 =	sld [smem:$0x3FFD];
	_ =	sdelay $0x3  }
0x96: {  	_ =	strace s2  }
0x97: {  	_ =	strace $0x8FFFFFFF  }
0x98: {  	s18 =	sld [smem:$0x3FDB];
	_ =	sdelay $0x1  }
0x99: {  	s19 =	simm.s32 $_scs_section_size  }
0x9a: {  	s4 =	simm.s32 $_size__tile_overlayer_lowered;
	s5 =	simm.s32 $_tile_overlayer_lowered  }
0x9b: {  	s22 =	simm.s32 $0x1BFF;
	s21 =	sshll.u32 s5, $0x1;
	s2 =	sadd.s32 s19, s18  }
0x9c: {  	s6 =	simm.s32 $0x0;
	s20 =	sshll.u32 s4, $0x1;
	s4 =	sadd.s32 s21, s2  }
0x9d: {  	[timem:s6], [sflag:s22] =	dma.local [hbm:s4], s20  }
0x9e: {  	_ =	swait.ge [sflag:s22], s20  }
0x9f: {  	s3 =	ssub.s32 $0x0, s20;
	[sflag:s22] =	ssyncset.done $0x0  }
0xa0: {  	[sflag:s22] =	ssyncadd.s32 s3;
	_ =	sdelay $0x1  }
0xa1: {  	s23 =	simm.s32 $0x1B8B  }
0xa2: {  	_ =	swait.ge [sflag:s23], $0x1  }
0xa3: {  	[sflag:s23] =	ssyncset.done $0x0  }
0xa4: {  	s25 =	simm.s32 $0x1B8E;
	s24 =	sld [smem:$0x3FFE];
	[sflag:s23] =	ssyncadd.s32 $0xFFFFFFFF  }
0xa5: {  	s26 =	simm.s32 $execute0_lowered;
	[smem:$0x3FD2] =	sst s25  }
0xa6: {  	s4 =	sshll.u32 s26, $0x1;
	_ =	strace $0x80000046;
	[dreg:$0x1] =	wrdreg $0xFFFFFFFF  }
0xa7: {  	s28 =	simm.s32 $_size_execute0_lowered;
	s2 =	sadd.s32 s2, s4;
	[dreg:$0x0] =	wrdreg $0x0  }
0xa8: {  	s4 =	sshll.u32 s28, $0x1;
	[dreg:$0x2] =	wrdreg s2  }
0xa9: {  	[dreg:$0x3] =	wrdreg s4  }
0xaa: {  	[dreg:$0x4] =	wrdreg $0xC0  }
0xab: {  	_ =	task [dreg:s6], $0x5FFFF  }
0xac: {  	[dreg:$0x1] =	wrdreg $0xFFFFFFFF  }
0xad: {  	[dreg:$0x0] =	wrdreg $0x60  }
0xae: {  	[dreg:$0x2] =	wrdreg s24  }
0xaf: {  	[dreg:$0x3] =	wrdreg $0x44000  }
0xb0: {  	[dreg:$0x4] =	wrdreg $0x9  }
0xb1: {  	_ =	task.clear_ibuf [dreg:s6], $0x5FFFF;
	_ =	strace $0x90000046  }
0xb2: {  	s29 =	simm.s32 $0x9;
	_ =	strace $0x80000048  }
0xb3: {  	_ =	swait.ge [sflag:s29], $0x1  }
0xb4: {  	[sflag:s29] =	ssyncadd.s32 $0xFFFFFFFF  }
0xb5: {  	_ =	strace $0x90000048  }
0xb6: {  	_ =	sfence  }
0xb7: {  	s30 =	sld [smem:$0x0];
	_ =	sdelay $0x2  }
0xb8: {  	s31 =	sshll.u32 s1, $0xD;
	s1 =	sshrl.u32 s1, $0x2  }
0xb9: {  	s3 =	sand.u32 $0x4000, s31;
	s1 =	sadd.s32 s1, s30  }
0xba: {  	s0 =	sor.u32 s3, s0;
	s1 =	sshll.u32 s1, $0x11  }
0xbb: {  	s0 =	sor.u32 s1, s0  }
0xbc: {  	s0 =	sadd.s32 $0x8F2B, s0  }
0xbd: {  	[sflag:s0] =	ssyncadd.remote.s32 $0x1  }
0xbe: {  	_ =	sfence.sel $0xFFFF  }
0xbf: {  	[dreg:$0x0] =	wrdreg $0xFFFFFFFF;
	(pc) =	sbr.abs _section_cstart, $3  }
0xc0: {  	[dreg:$0x1] =	wrdreg $0xFFFFFFFF  }
0xc1: {  	_ =	task.clear_ibuf [dreg:s6], $0x2FFFF;
	_ =	strace $0x9FFFFFFF  }
0xc2: {  	(tm) =	ssettm $0x7FFFFFFF  }
0xc3: {  	_ =	shalt  }
tec
execute0_lowered:
.L_overlay_start_1:
0x0: {  	(tag) =	ssettag $0x1  }
0x1: {  	s5 =	rddreg [dreg:$0x0]  }
0x2: {  	s2 =	rddreg [dreg:$0x1]  }
0x3: {  	s0 =	rddreg [dreg:$0x2]  }
0x4: {  	s1 =	stileid.u32;
	s6 =	srdreg.scid  }
0x5: {  	s3 =	simm.s32 $0x0;
	s14 =	simm.s32 $0x100;
	s15 =	simm.s32 $0x180  }
0x6: {  	s16 =	simm.s32 $0x200;
	s17 =	simm.s32 $0x280;
	s4 =	smul.u32 $0xA00, s1  }
0x7: {  	s18 =	simm.s32 $0x300;
	s19 =	simm.s32 $0x380;
	s7 =	smul.u32 $0x14000, s1  }
0x8: {  	s20 =	simm.s32 $0x0;
	s6 =	sand.u32 $0x1, s6;
	s25 =	smul.u32 $0x50000, s1  }
0x9: {  	[smem:$0x7FF] =	sst s3;
	s31 =	sshll.u32 s1, $0x6;
	s8 =	smul.u32 $0x140000, s6  }
0xa: {  	_ =	strace $0x80000047;
	s11 =	ssub.s32 $0x2, s6;
	s13 =	smul.u32 $0x500, s6  }
0xb: {  	s9 =	sadd.s32 s4, s5;
	s24 =	sshrl.u32 s7, $0x3;
	s4 =	sadd.s32 $0x41A00, s5  }
0xc: {  	s12 =	sshrl.u32 s11, $0x1;
	s10 =	sadd.s32 s24, s5;
	s7 =	sadd.s32 s7, s8  }
0xd: {  	s8 =	sshrl.u32 s25, $0x2;
	s28 =	ssub.s32 s11, s12;
	s30 =	sadd.s32 s13, s9  }
0xe: {  	s9 =	simm.s32 $0x400;
	s11 =	sor.u32 $0x1C01, s31;
	s13 =	simm.s32 $0x80  }
0xf: {  	s7 =	sshrl.u32 s7, $0x3;
	s29 =	sadd.s32 s8, s2;
	s8 =	sadd.s32 $0xFA00, s30  }
0x10: {  	s26 =	sadd.s32 s7, s5;
	s5 =	sadd.s32 $0x19A00, s10;
	s7 =	smax.u32 s28, $0x1  }
0x11: {  	s10 =	simm.s32 $0x1;
	s12 =	sshrl.u32 s29, $0x3;
	s6 =	sadd.s32 $0x42200, s26  }
.LBB2_1:
0x12: {  	[tilespmem:s9], [sflag:$0x1] =	stream.linear.gather [hbm4b:s4+s3], $0x4000, $0x38;
	[tilespmem:$0x18400] =	vst v63  }
0x13: {  	_ =	swait.ge [sflag:s10], $0x4000  }
0x14: {  	[sflag:s10] =	ssyncset.done $0x0  }
0x15: {  	[sflag:s10] =	ssyncadd.s32 $0xFFFFC000  }
0x16: {  	[spmem:s12], [sflag:s11] =	dma.local [hbm:s5], $0x2800  }
0x17: {  	_ =	swait.ge [sflag:s10], $0x2800  }
0x18: {  	[sflag:s10] =	ssyncset.done $0x0  }
0x19: {  	[sflag:s10] =	ssyncadd.s32 $0xFFFFD800  }
0x1a: {  	s21 =	sadd.s32 $0x0, s8;
	[bflag:$0x0] =	sbarrier.arrive $0xFFFF  }
0x1b: {  	[tilespmem:s3], [sflag:$0x1] =	stream.linear.gather [hbm4b:s21+s3], $0x400, $0x38;
	[tilespmem:$0x18400] =	vst v63  }
0x1c: {  	_ =	swait.ge [sflag:s10], $0x400  }
0x1d: {  	[sflag:s10] =	ssyncset.done $0x0  }
0x1e: {  	[sflag:s10] =	ssyncadd.s32 $0xFFFFFC00  }
0x1f: {  	[spmem:s2] =	stream.indirect.scatter.add.f32 [tilespmem:s9], [sflag:$0x1], $0x80, s3, s13, $0xb8;
	[tilespmem:$0x18400] =	vst v63  }
0x20: {  	_ =	swait.ge [sflag:s10], $0x4000  }
0x21: {  	[sflag:s10] =	ssyncset.done $0x0  }
0x22: {  	[sflag:s10] =	ssyncadd.s32 $0xFFFFC000  }
0x23: {  	[spmem:s2] =	stream.indirect.scatter.add.f32 [tilespmem:s9], [sflag:$0x1], $0x80, s13, s13, $0xb8;
	[tilespmem:$0x18400] =	vst v63  }
0x24: {  	_ =	swait.ge [sflag:s10], $0x4000  }
0x25: {  	[sflag:s10] =	ssyncset.done $0x0  }
0x26: {  	[sflag:s10] =	ssyncadd.s32 $0xFFFFC000  }
0x27: {  	[spmem:s2] =	stream.indirect.scatter.add.f32 [tilespmem:s9], [sflag:$0x1], $0x80, s14, s13, $0xb8;
	[tilespmem:$0x18400] =	vst v63  }
0x28: {  	_ =	swait.ge [sflag:s10], $0x4000  }
0x29: {  	[sflag:s10] =	ssyncset.done $0x0  }
0x2a: {  	[sflag:s10] =	ssyncadd.s32 $0xFFFFC000  }
0x2b: {  	[spmem:s2] =	stream.indirect.scatter.add.f32 [tilespmem:s9], [sflag:$0x1], $0x80, s15, s13, $0xb8;
	[tilespmem:$0x18400] =	vst v63  }
0x2c: {  	_ =	swait.ge [sflag:s10], $0x4000  }
0x2d: {  	[sflag:s10] =	ssyncset.done $0x0  }
0x2e: {  	[sflag:s10] =	ssyncadd.s32 $0xFFFFC000  }
0x2f: {  	[spmem:s2] =	stream.indirect.scatter.add.f32 [tilespmem:s9], [sflag:$0x1], $0x80, s16, s13, $0xb8;
	[tilespmem:$0x18400] =	vst v63  }
0x30: {  	_ =	swait.ge [sflag:s10], $0x4000  }
0x31: {  	[sflag:s10] =	ssyncset.done $0x0  }
0x32: {  	[sflag:s10] =	ssyncadd.s32 $0xFFFFC000  }
0x33: {  	[spmem:s2] =	stream.indirect.scatter.add.f32 [tilespmem:s9], [sflag:$0x1], $0x80, s17, s13, $0xb8;
	[tilespmem:$0x18400] =	vst v63  }
0x34: {  	_ =	swait.ge [sflag:s10], $0x4000  }
0x35: {  	[sflag:s10] =	ssyncset.done $0x0  }
0x36: {  	[sflag:s10] =	ssyncadd.s32 $0xFFFFC000  }
0x37: {  	[spmem:s2] =	stream.indirect.scatter.add.f32 [tilespmem:s9], [sflag:$0x1], $0x80, s18, s13, $0xb8;
	[tilespmem:$0x18400] =	vst v63  }
0x38: {  	_ =	swait.ge [sflag:s10], $0x4000  }
0x39: {  	[sflag:s10] =	ssyncset.done $0x0  }
0x3a: {  	[sflag:s10] =	ssyncadd.s32 $0xFFFFC000  }
0x3b: {  	[spmem:s2] =	stream.indirect.scatter.add.f32 [tilespmem:s9], [sflag:$0x1], $0x80, s19, s13, $0xb8;
	[tilespmem:$0x18400] =	vst v63  }
0x3c: {  	_ =	swait.ge [sflag:s10], $0x4000  }
0x3d: {  	s23 =	simm.s32 $0x100;
	s21 =	simm.s32 $0x80;
	[sflag:s10] =	ssyncset.done $0x0  }
.LBB2_2:
0x3e: {  	s24 =	sadd.s32 s21, s8  }
0x3f: {  	[sflag:s10] =	ssyncadd.s32 $0xFFFFC000;
	s21 =	smov.u32 s23;
	s22 =	sadd.s32 $0x80, s23  }
0x40: {  	[tilespmem:s3], [sflag:$0x1] =	stream.linear.gather [hbm4b:s24+s3], $0x400, $0x38;
	[tilespmem:$0x18400] =	vst v63  }
0x41: {  	p0 =	sne.s32 s23, $0x480;
	_ =	swait.ge [sflag:s10], $0x400  }
0x42: {  	[sflag:s10] =	ssyncset.done $0x0  }
0x43: {  	[sflag:s10] =	ssyncadd.s32 $0xFFFFFC00  }
0x44: {  	[spmem:s2] =	stream.indirect.scatter.add.f32 [tilespmem:s9], [sflag:$0x1], $0x80, s3, s13, $0xb8;
	[tilespmem:$0x18400] =	vst v63  }
0x45: {  	_ =	swait.ge [sflag:s10], $0x4000  }
0x46: {  	[sflag:s10] =	ssyncset.done $0x0  }
0x47: {  	[sflag:s10] =	ssyncadd.s32 $0xFFFFC000  }
0x48: {  	[spmem:s2] =	stream.indirect.scatter.add.f32 [tilespmem:s9], [sflag:$0x1], $0x80, s13, s13, $0xb8;
	[tilespmem:$0x18400] =	vst v63  }
0x49: {  	_ =	swait.ge [sflag:s10], $0x4000  }
0x4a: {  	[sflag:s10] =	ssyncset.done $0x0  }
0x4b: {  	[sflag:s10] =	ssyncadd.s32 $0xFFFFC000  }
0x4c: {  	[spmem:s2] =	stream.indirect.scatter.add.f32 [tilespmem:s9], [sflag:$0x1], $0x80, s14, s13, $0xb8;
	[tilespmem:$0x18400] =	vst v63  }
0x4d: {  	_ =	swait.ge [sflag:s10], $0x4000  }
0x4e: {  	[sflag:s10] =	ssyncset.done $0x0  }
0x4f: {  	[sflag:s10] =	ssyncadd.s32 $0xFFFFC000  }
0x50: {  	[spmem:s2] =	stream.indirect.scatter.add.f32 [tilespmem:s9], [sflag:$0x1], $0x80, s15, s13, $0xb8;
	[tilespmem:$0x18400] =	vst v63  }
0x51: {  	_ =	swait.ge [sflag:s10], $0x4000  }
0x52: {  	[sflag:s10] =	ssyncset.done $0x0  }
0x53: {  	[sflag:s10] =	ssyncadd.s32 $0xFFFFC000  }
0x54: {  	[spmem:s2] =	stream.indirect.scatter.add.f32 [tilespmem:s9], [sflag:$0x1], $0x80, s16, s13, $0xb8;
	[tilespmem:$0x18400] =	vst v63  }
0x55: {  	_ =	swait.ge [sflag:s10], $0x4000  }
0x56: {  	[sflag:s10] =	ssyncset.done $0x0  }
0x57: {  	[sflag:s10] =	ssyncadd.s32 $0xFFFFC000  }
0x58: {  	[spmem:s2] =	stream.indirect.scatter.add.f32 [tilespmem:s9], [sflag:$0x1], $0x80, s17, s13, $0xb8;
	[tilespmem:$0x18400] =	vst v63  }
0x59: {  	_ =	swait.ge [sflag:s10], $0x4000  }
0x5a: {  	[sflag:s10] =	ssyncset.done $0x0  }
0x5b: {  	[sflag:s10] =	ssyncadd.s32 $0xFFFFC000  }
0x5c: {  	[spmem:s2] =	stream.indirect.scatter.add.f32 [tilespmem:s9], [sflag:$0x1], $0x80, s18, s13, $0xb8;
	[tilespmem:$0x18400] =	vst v63  }
0x5d: {  	_ =	swait.ge [sflag:s10], $0x4000  }
.Ltmp0:
0x5e: {  	[sflag:s10] =	ssyncset.done $0x0;
	(pc) =	sbr.rel @p0 .LBB2_2-.Ltmp0, $4  }
0x5f: {  	[sflag:s10] =	ssyncadd.s32 $0xFFFFC000  }
0x60: {  	[spmem:s2] =	stream.indirect.scatter.add.f32 [tilespmem:s9], [sflag:$0x1], $0x80, s19, s13, $0xb8;
	[tilespmem:$0x18400] =	vst v63  }
0x61: {  	_ =	swait.ge [sflag:s10], $0x4000  }
0x62: {  	s23 =	smov.u32 s22;
	[sflag:s10] =	ssyncset.done $0x0  }
0x63: {  	s21 =	sadd.s32 s21, s8;
	[sflag:s10] =	ssyncadd.s32 $0xFFFFC000  }
0x64: {  	[tilespmem:s3], [sflag:$0x1] =	stream.linear.gather [hbm4b:s21+s3], $0x400, $0x38;
	[tilespmem:$0x18400] =	vst v63  }
0x65: {  	_ =	swait.ge [sflag:s10], $0x400  }
0x66: {  	[sflag:s10] =	ssyncset.done $0x0  }
0x67: {  	[sflag:s10] =	ssyncadd.s32 $0xFFFFFC00  }
0x68: {  	[spmem:s2] =	stream.indirect.scatter.add.f32 [tilespmem:s9], [sflag:$0x1], $0x80, s3, s13, $0xb8;
	[tilespmem:$0x18400] =	vst v63  }
0x69: {  	_ =	swait.ge [sflag:s10], $0x4000  }
0x6a: {  	[sflag:s10] =	ssyncset.done $0x0  }
0x6b: {  	[sflag:s10] =	ssyncadd.s32 $0xFFFFC000  }
0x6c: {  	[spmem:s2] =	stream.indirect.scatter.add.f32 [tilespmem:s9], [sflag:$0x1], $0x80, s13, s13, $0xb8;
	[tilespmem:$0x18400] =	vst v63  }
0x6d: {  	_ =	swait.ge [sflag:s10], $0x4000  }
0x6e: {  	[sflag:s10] =	ssyncset.done $0x0  }
0x6f: {  	[sflag:s10] =	ssyncadd.s32 $0xFFFFC000  }
0x70: {  	[spmem:s2] =	stream.indirect.scatter.add.f32 [tilespmem:s9], [sflag:$0x1], $0x80, s14, s13, $0xb8;
	[tilespmem:$0x18400] =	vst v63  }
0x71: {  	_ =	swait.ge [sflag:s10], $0x4000  }
0x72: {  	[sflag:s10] =	ssyncset.done $0x0  }
0x73: {  	[sflag:s10] =	ssyncadd.s32 $0xFFFFC000  }
0x74: {  	[spmem:s2] =	stream.indirect.scatter.add.f32 [tilespmem:s9], [sflag:$0x1], $0x80, s15, s13, $0xb8;
	[tilespmem:$0x18400] =	vst v63  }
0x75: {  	_ =	swait.ge [sflag:s10], $0x4000  }
0x76: {  	[sflag:s10] =	ssyncset.done $0x0  }
0x77: {  	[sflag:s10] =	ssyncadd.s32 $0xFFFFC000  }
0x78: {  	[spmem:s2] =	stream.indirect.scatter.add.f32 [tilespmem:s9], [sflag:$0x1], $0x80, s16, s13, $0xb8;
	[tilespmem:$0x18400] =	vst v63  }
0x79: {  	_ =	swait.ge [sflag:s10], $0x4000  }
0x7a: {  	[sflag:s10] =	ssyncset.done $0x0  }
0x7b: {  	[sflag:s10] =	ssyncadd.s32 $0xFFFFC000  }
0x7c: {  	[spmem:s2] =	stream.indirect.scatter.add.f32 [tilespmem:s9], [sflag:$0x1], $0x80, s17, s13, $0xb8;
	[tilespmem:$0x18400] =	vst v63  }
0x7d: {  	_ =	swait.ge [sflag:s10], $0x4000  }
0x7e: {  	[sflag:s10] =	ssyncset.done $0x0  }
0x7f: {  	[sflag:s10] =	ssyncadd.s32 $0xFFFFC000  }
0x80: {  	[spmem:s2] =	stream.indirect.scatter.add.f32 [tilespmem:s9], [sflag:$0x1], $0x80, s18, s13, $0xb8;
	[tilespmem:$0x18400] =	vst v63  }
0x81: {  	_ =	swait.ge [sflag:s10], $0x4000  }
0x82: {  	[sflag:s10] =	ssyncset.done $0x0  }
0x83: {  	[sflag:s10] =	ssyncadd.s32 $0xFFFFC000  }
0x84: {  	[spmem:s2] =	stream.indirect.scatter.add.f32 [tilespmem:s9], [sflag:$0x1], $0x80, s19, s13, $0xb8;
	[tilespmem:$0x18400] =	vst v63  }
0x85: {  	_ =	swait.ge [sflag:s10], $0x4000  }
0x86: {  	s20 =	sadd.s32 $0x1, s20;
	[sflag:s10] =	ssyncset.done $0x0  }
0x87: {  	p0 =	sne.s32 s20, s7;
	[sflag:s10] =	ssyncadd.s32 $0xFFFFC000  }
.Ltmp1:
0x88: {  	[bflag:$0x0] =	sbarrier.arrive $0xFFFF;
	(pc) =	sbr.rel @p0 .LBB2_1-.Ltmp1, $4  }
0x89: {  	[hbm:s6], [sflag:s11] =	dma.local [spmem:s12], $0x2800  }
0x8a: {  	_ =	swait.ge [sflag:s10], $0x2800  }
0x8b: {  	[sflag:s10] =	ssyncset.done $0x0  }
0x8c: {  	[sflag:s10] =	ssyncadd.s32 $0xFFFFD800  }
0x8d: {  	_ =	sfence.sel $0x180000  }
0x8e: {  	[bflag:$0x0] =	sbarrier.arrive $0xFFFF  }
0x8f: {  	p0 =	sne.s32 s1, $0x0;
	_ =	strace $0x90000047  }
0x90: {  	s0 =	sadd.s32 @!p0 $0x100000, s0;
	[bflag:$0x2] =	sbarrier.arrive $0xFFFF  }
0x91: {  	[sflag:s0] =	ssyncadd.tile.s32 @!p0 $0x1;
	_ =	shalt  }
.Lfunc_end2:
_tile_overlayer_lowered:
.L_overlay_start_2:
0x92: {  	(tag) =	ssettag $0x2  }
0x93: {  	s0 =	rddreg [dreg:$0x0];
	s2 =	stileid.u32  }
0x94: {  	s1 =	rddreg [dreg:$0x1];
	p0 =	sne.s32 s2, $0x0  }
0x95: {  	s3 =	rddreg [dreg:$0x2];
	[bflag:$0x3] =	sbarrier.arrive $0xFFFF;
	s2 =	simm.s32 @!p0 $0x1C01  }
0x96: {  	[timem:s3], [sflag:s2] =	dma.local @!p0 [hbm:s0], s1  }
0x97: {  	s0 =	simm.s32 @!p0 $0x1  }
0x98: {  	_ =	swait.ge @!p0 [sflag:s0], s1  }
0x99: {  	s1 =	ssub.s32 @!p0 $0x0, s1;
	[sflag:s0] =	ssyncset.done @!p0 $0x0  }
0x9a: {  	[sflag:s0] =	ssyncadd.s32 @!p0 s1  }
0x9b: {  	[bflag:$0x3] =	sbarrier.arrive $0xFFFF  }
0x9c: {  	_ =	shalt  }

// kernel: kernel.13.cloned.1.call-start
scs
__scs_entry_jumppad:
0x0: {  	(pc) =	sbr.rel $0x88, $3  }
0x1: {  	(tag) =	ssettag $0x0;
	lr =	simm.s32 $0x1  }
0x2: {  	[smem:$0x3F94] =	sst lr;
	_ =	strace $0xD0000000  }
0x3: {  	_ = 	snop  }
0x4: {  	_ = 	snop  }
0x5: {  	_ = 	snop  }
0x6: {  	_ = 	snop  }
0x7: {  	_ = 	snop  }
__scs_overlays_trampoline_lowered:
0x8: {  	[smem:$0x3FA3] =	sst s0  }
0x9: {  	[smem:$0x3FA4] =	sst s1  }
0xa: {  	[smem:$0x3FA5] =	sst s2  }
0xb: {  	[smem:$0x3FA6] =	sst s3  }
0xc: {  	[smem:$0x3FA7] =	sst s4  }
0xd: {  	[smem:$0x3FA8] =	sst s5  }
0xe: {  	[smem:$0x3FA9] =	sst s6  }
0xf: {  	[smem:$0x3FAA] =	sst s7  }
0x10: {  	[smem:$0x3FAB] =	sst s8  }
0x11: {  	[smem:$0x3FAC] =	sst s9;
	s0 =	simm.s32 @!p0 $0x0  }
0x12: {  	s1 =	sld [smem:$0x3F92];
	s0 =	simm.s32 @p0 $0x1  }
0x13: {  	[smem:$0x3FAD] =	sst s0;
	s0 =	simm.s32 @!p1 $0x0  }
0x14: {  	s2 =	sld [smem:$0x3F91];
	s0 =	simm.s32 @p1 $0x1  }
0x15: {  	[smem:$0x3FAE] =	sst s0;
	s0 =	simm.s32 @!p2 $0x0  }
0x16: {  	s3 =	sld [smem:$0x3FDB];
	s0 =	simm.s32 @p2 $0x1  }
0x17: {  	s4 =	simm.s32 $0x1BF5;
	[smem:$0x3FB0] =	sst s0  }
0x18: {  	s0 =	sld [smem:$0x3F93];
	_ =	swait.ge [sflag:s4], $0x0  }
0x19: {  	s7 =	sld [smem:$0x3F94]  }
0x1a: {  	s8 =	sadd.s32 $0xFFFFE003, lr  }
0x1b: {  	s9 =	sadd.s32 $0xFFFFFEF7, lr;
	s5 =	simm.s32 $0xFFFFFFFF;
	p2 =	slt.u32 s8, $0xFFFFF086  }
0x1c: {  	p1 =	slt.u32 s9, $0xF7A;
	s5 =	simm.s32 @!p2 $0x0  }
0x1d: {  	s5 =	simm.s32 @p1 $0x1;
	p0 =	seq.s32 s7, s2  }
0x1e: {  	s7 =	smul.u32 @!p0 $0xF7A, s2;
	p2 =	seq.s32 @!p0 s5, $0x0  }
0x1f: {  	s9 =	smul.u32 $0xF7A, s1;
	s8 =	simm.s32 @!p0 $0x1BF5;
	p2 =	por !p2, p0  }
0x20: {  	[sflag:s8] =	ssyncset.s32 @!p0 $0xFFFFF086;
	s6 =	sadd.s32 @!p0 s3, s7;
	s7 =	simm.s32 @!p0 $0x108  }
0x21: {  	s3 =	sadd.s32 s3, s9;
	s6 =	sadd.s32 @!p0 $0x88, s6;
	s7 =	simm.s32 @p2 $0x1082  }
0x22: {  	[simem:s7], [sflag:s8] =	dma.local @!p0 [hbm:s6], $0xF7A  }
0x23: {  	s9 =	sor.u32 $0xD0000000, s2;
	s6 =	simm.s32 $0x108;
	_ =	swait.ge @!p0 [sflag:s8], $0x0  }
0x24: {  	s3 =	sadd.s32 $0x88, s3;
	s6 =	simm.s32 @!p1 $0x1082;
	[sflag:s4] =	ssyncset.s32 $0xFFFFF086  }
0x25: {  	[simem:s6], [sflag:s4] =	dma.local [hbm:s3], $0xF7A  }
0x26: {  	[smem:$0x3F94] =	sst s1;
	(tag) =	ssettag s2;
	_ =	strace s9  }
0x27: {  	s1 =	sld [smem:$0x3FA4]  }
0x28: {  	s2 =	sld [smem:$0x3FA5]  }
0x29: {  	s4 =	sld [smem:$0x3FA7]  }
0x2a: {  	p0 =	seq.s32 s5, $0x0;
	s5 =	sld [smem:$0x3FA8]  }
0x2b: {  	s6 =	sld [smem:$0x3FA9]  }
0x2c: {  	s7 =	sld [smem:$0x3FAA]  }
0x2d: {  	s3 =	simm.s32 $0x108;
	s8 =	sld [smem:$0x3FAB]  }
0x2e: {  	s3 =	simm.s32 @!p0 $0x1082;
	s9 =	sld [smem:$0x3FAC]  }
0x2f: {  	lr =	sadd.s32 s0, s3;
	s0 =	sld [smem:$0x3FA3]  }
0x30: {  	s3 =	sld [smem:$0x3FA6]  }
0x31: {  	[smem:$0x3FAF] =	sst s10  }
0x32: {  	s10 =	sld [smem:$0x3FAD];
	_ =	sdelay $0x3  }
0x33: {  	p0 =	seq.s32 s10, $0x1;
	s10 =	sld [smem:$0x3FAF];
	_ =	sdelay $0x3  }
0x34: {  	[smem:$0x3FAF] =	sst s10  }
0x35: {  	s10 =	sld [smem:$0x3FAE];
	_ =	sdelay $0x3  }
0x36: {  	p1 =	seq.s32 s10, $0x1;
	s10 =	sld [smem:$0x3FAF];
	_ =	sdelay $0x3  }
0x37: {  	[smem:$0x3FAF] =	sst s10  }
0x38: {  	s10 =	sld [smem:$0x3FB0]  }
0x39: {  	_ = 	snop;
	(pc) =	sbr.ind lr, $3  }
0x3a: {  	_ = 	snop  }
0x3b: {  	_ = 	snop  }
0x3c: {  	p2 =	seq.s32 s10, $0x1;
	s10 =	sld [smem:$0x3FAF]  }
0x3d: {  	_ =	shalt  }
0x3e: {  	_ =	shalt  }
0x3f: {  	_ =	shalt  }
0x40: {  	_ =	shalt  }
0x41: {  	_ =	shalt  }
0x42: {  	_ =	shalt  }
0x43: {  	_ =	shalt  }
0x44: {  	_ =	shalt  }
0x45: {  	_ =	shalt  }
0x46: {  	_ =	shalt  }
0x47: {  	_ =	shalt  }
0x48: {  	_ =	shalt  }
0x49: {  	_ =	shalt  }
0x4a: {  	_ =	shalt  }
0x4b: {  	_ =	shalt  }
0x4c: {  	_ =	shalt  }
0x4d: {  	_ =	shalt  }
0x4e: {  	_ =	shalt  }
0x4f: {  	_ =	shalt  }
0x50: {  	_ =	shalt  }
0x51: {  	_ =	shalt  }
0x52: {  	_ =	shalt  }
0x53: {  	_ =	shalt  }
0x54: {  	_ =	shalt  }
0x55: {  	_ =	shalt  }
0x56: {  	_ =	shalt  }
0x57: {  	_ =	shalt  }
0x58: {  	_ =	shalt  }
0x59: {  	_ =	shalt  }
0x5a: {  	_ =	shalt  }
0x5b: {  	_ =	shalt  }
0x5c: {  	_ =	shalt  }
0x5d: {  	_ =	shalt  }
0x5e: {  	_ =	shalt  }
0x5f: {  	_ =	shalt  }
0x60: {  	_ =	shalt  }
0x61: {  	_ =	shalt  }
0x62: {  	_ =	shalt  }
0x63: {  	_ =	shalt  }
0x64: {  	_ =	shalt  }
0x65: {  	_ =	shalt  }
0x66: {  	_ =	shalt  }
0x67: {  	_ =	shalt  }
0x68: {  	_ =	shalt  }
0x69: {  	_ =	shalt  }
0x6a: {  	_ =	shalt  }
0x6b: {  	_ =	shalt  }
0x6c: {  	_ =	shalt  }
0x6d: {  	_ =	shalt  }
0x6e: {  	_ =	shalt  }
0x6f: {  	_ =	shalt  }
0x70: {  	_ =	shalt  }
0x71: {  	_ =	shalt  }
0x72: {  	_ =	shalt  }
0x73: {  	_ =	shalt  }
0x74: {  	_ =	shalt  }
0x75: {  	_ =	shalt  }
0x76: {  	_ =	shalt  }
0x77: {  	_ =	shalt  }
0x78: {  	_ =	shalt  }
0x79: {  	_ =	shalt  }
0x7a: {  	_ =	shalt  }
0x7b: {  	_ =	shalt  }
0x7c: {  	_ =	shalt  }
0x7d: {  	_ =	shalt  }
0x7e: {  	_ =	shalt  }
0x7f: {  	_ =	shalt  }
0x80: {  	_ =	shalt  }
0x81: {  	_ =	shalt  }
0x82: {  	_ =	shalt  }
0x83: {  	_ =	shalt  }
0x84: {  	_ =	shalt  }
0x85: {  	_ =	shalt  }
0x86: {  	_ =	shalt  }
0x87: {  	_ =	shalt  }
.Lfunc_end0:
.L_simem_size_0:
called_computation.1_lowered:
.L_overlay_start_0:
0x88: {  	s2 =	sld [smem:$0x3FD9]  }
0x89: {  	s3 =	sld [smem:$0x3FFE];
	_ =	sdelay $0x1  }
0x8a: {  	s1 =	srdreg.scid  }
0x8b: {  	s0 =	sand.u32 $0x1, s1  }
0x8c: {  	s16 =	sshll.u32 s0, $0xA;
	s2 =	sadd.s32 s3, s2  }
0x8d: {  	s2 =	sadd.s32 s2, s16  }
0x8e: {  	[smem:$0x3FBB] =	sst s2  }
0x8f: {  	_ = 	snop  }
0x90: {  	(tm) =	ssettm $0x1  }
0x91: {  	s17 =	sld [smem:$0x3FFB];
	_ =	sdelay $0x3  }
0x92: {  	_ =	strace s17  }
0x93: {  	s2 =	sld [smem:$0x3FFC];
	_ =	sdelay $0x3  }
0x94: {  	_ =	strace s2  }
0x95: {  	s2 =	sld [smem:$0x3FFD];
	_ =	sdelay $0x3  }
0x96: {  	_ =	strace s2  }
0x97: {  	_ =	strace $0x8FFFFFFF  }
0x98: {  	s18 =	sld [smem:$0x3FDB];
	_ =	sdelay $0x1  }
0x99: {  	s19 =	simm.s32 $_scs_section_size  }
0x9a: {  	s4 =	simm.s32 $_size__tile_overlayer_lowered;
	s5 =	simm.s32 $_tile_overlayer_lowered  }
0x9b: {  	s22 =	simm.s32 $0x1BFF;
	s21 =	sshll.u32 s5, $0x1;
	s2 =	sadd.s32 s19, s18  }
0x9c: {  	s6 =	simm.s32 $0x0;
	s20 =	sshll.u32 s4, $0x1;
	s4 =	sadd.s32 s21, s2  }
0x9d: {  	[timem:s6], [sflag:s22] =	dma.local [hbm:s4], s20  }
0x9e: {  	_ =	swait.ge [sflag:s22], s20  }
0x9f: {  	s3 =	ssub.s32 $0x0, s20;
	[sflag:s22] =	ssyncset.done $0x0  }
0xa0: {  	[sflag:s22] =	ssyncadd.s32 s3;
	_ =	sdelay $0x1  }
0xa1: {  	s23 =	simm.s32 $0x1B8B  }
0xa2: {  	_ =	swait.ge [sflag:s23], $0x1  }
0xa3: {  	[sflag:s23] =	ssyncset.done $0x0  }
0xa4: {  	s25 =	simm.s32 $0x1B8E;
	s24 =	sld [smem:$0x3FFE];
	[sflag:s23] =	ssyncadd.s32 $0xFFFFFFFF  }
0xa5: {  	s26 =	simm.s32 $execute0_lowered;
	[smem:$0x3FD2] =	sst s25  }
0xa6: {  	s4 =	sshll.u32 s26, $0x1;
	_ =	strace $0x80000049;
	[dreg:$0x1] =	wrdreg $0xFFFFFFFF  }
0xa7: {  	s28 =	simm.s32 $_size_execute0_lowered;
	s2 =	sadd.s32 s2, s4;
	[dreg:$0x0] =	wrdreg $0x0  }
0xa8: {  	s4 =	sshll.u32 s28, $0x1;
	[dreg:$0x2] =	wrdreg s2  }
0xa9: {  	[dreg:$0x3] =	wrdreg s4  }
0xaa: {  	[dreg:$0x4] =	wrdreg $0xC0  }
0xab: {  	_ =	task [dreg:s6], $0x5FFFF  }
0xac: {  	[dreg:$0x1] =	wrdreg $0xFFFFFFFF  }
0xad: {  	[dreg:$0x0] =	wrdreg $0x60  }
0xae: {  	[dreg:$0x2] =	wrdreg s24  }
0xaf: {  	[dreg:$0x3] =	wrdreg $0x88000  }
0xb0: {  	[dreg:$0x4] =	wrdreg $0x9  }
0xb1: {  	_ =	task.clear_ibuf [dreg:s6], $0x5FFFF;
	_ =	strace $0x90000049  }
0xb2: {  	s29 =	simm.s32 $0x9;
	_ =	strace $0x8000004B  }
0xb3: {  	_ =	swait.ge [sflag:s29], $0x1  }
0xb4: {  	[sflag:s29] =	ssyncadd.s32 $0xFFFFFFFF  }
0xb5: {  	_ =	strace $0x9000004B  }
0xb6: {  	_ =	sfence  }
0xb7: {  	s30 =	sld [smem:$0x0];
	_ =	sdelay $0x2  }
0xb8: {  	s31 =	sshll.u32 s1, $0xD;
	s1 =	sshrl.u32 s1, $0x2  }
0xb9: {  	s3 =	sand.u32 $0x4000, s31;
	s1 =	sadd.s32 s1, s30  }
0xba: {  	s0 =	sor.u32 s3, s0;
	s1 =	sshll.u32 s1, $0x11  }
0xbb: {  	s0 =	sor.u32 s1, s0  }
0xbc: {  	s0 =	sadd.s32 $0x8F2B, s0  }
0xbd: {  	[sflag:s0] =	ssyncadd.remote.s32 $0x1  }
0xbe: {  	_ =	sfence.sel $0xFFFF  }
0xbf: {  	[dreg:$0x0] =	wrdreg $0xFFFFFFFF;
	(pc) =	sbr.abs _section_cstart, $3  }
0xc0: {  	[dreg:$0x1] =	wrdreg $0xFFFFFFFF  }
0xc1: {  	_ =	task.clear_ibuf [dreg:s6], $0x2FFFF;
	_ =	strace $0x9FFFFFFF  }
0xc2: {  	(tm) =	ssettm $0x7FFFFFFF  }
0xc3: {  	_ =	shalt  }
tec
execute0_lowered:
.L_overlay_start_1:
0x0: {  	(tag) =	ssettag $0x1  }
0x1: {  	s0 =	rddreg [dreg:$0x0]  }
0x2: {  	s1 =	rddreg [dreg:$0x1]  }
0x3: {  	s2 =	simm.s32 $0x0;
	s3 =	srdreg.scid;
	s12 =	stileid.u32  }
0x4: {  	s16 =	simm.s32 $0x5;
	s17 =	simm.s32 $0x400;
	s18 =	simm.s32 $0x80  }
0x5: {  	s19 =	simm.s32 $0x800;
	s20 =	simm.s32 $0x4800;
	s26 =	simm.s32 $0x480  }
0x6: {  	s21 =	simm.s32 $0x1;
	s28 =	simm.s32 $0x500;
	s29 =	simm.s32 $0x580  }
0x7: {  	s30 =	simm.s32 $0x200;
	s31 =	simm.s32 $0x280;
	s22 =	smul.u32 $0x14000, s12  }
0x8: {  	[smem:$0x7FF] =	sst s2;
	s3 =	sand.u32 $0x1, s3;
	s24 =	smul.u32 $0x50000, s12  }
0x9: {  	s6 =	sadd.s32 $0x5A00, s0;
	s4 =	sadd.s32 $0x19A00, s0;
	s11 =	smul.u32 $0x2800, s12  }
0xa: {  	s8 =	sadd.s32 $0xFA00, s0;
	p0 =	seq.s32 s12, $0xF;
	s5 =	smul.u32 $0x140000, s3  }
0xb: {  	_ =	strace $0x8000004A;
	s7 =	smul.u32 $0xFFFFFF70, s3;
	[dreg:$0x3] =	wrdreg s6  }
0xc: {  	s9 =	smul.u32 $0x980, s3;
	[dreg:$0x4] =	wrdreg s8;
	s3 =	ssub.s32 $0x2, s3  }
0xd: {  	[dreg:$0x5] =	wrdreg s26;
	s26 =	simm.s32 $0x180;
	s10 =	sshrl.u32 s3, $0x1  }
0xe: {  	s8 =	sshrl.u32 s24, $0x2;
	s25 =	sadd.s32 s4, s11;
	s24 =	simm.s32 $0x100  }
0xf: {  	s7 =	sadd.s32 $0x98, s7;
	s5 =	sadd.s32 s22, s5;
	s3 =	ssub.s32 s3, s10  }
0x10: {  	s10 =	sadd.s32 s8, s1;
	[dreg:$0x7] =	wrdreg s25;
	s22 =	simm.s32 $0x2  }
0x11: {  	s25 =	simm.s32 $0x4;
	s23 =	smul.u32 s12, s7;
	s5 =	sshrl.u32 s5, $0x3  }
0x12: {  	s8 =	sshrl.u32 s7, $0x3;
	s3 =	smax.u32 s3, $0x1;
	[dreg:$0x6] =	wrdreg s10  }
0x13: {  	s7 =	simm.s32 $0x380;
	s5 =	sadd.s32 s5, s0;
	s0 =	sadd.s32 $0x3F200, s0  }
0x14: {  	[dreg:$0xa] =	wrdreg s3;
	s6 =	sadd.s32 s9, s23;
	s9 =	sadd.s32 $0x12C000, s1  }
0x15: {  	[dreg:$0x8] =	wrdreg s0;
	s0 =	sadd.s32 $0x138800, s1;
	s5 =	sadd.s32 $0x67E00, s5  }
0x16: {  	s23 =	simm.s32 $0x3;
	[dreg:$0x9] =	wrdreg s5;
	s13 =	sshll.u32 s6, $0x4  }
0x17: {  	s3 =	sshrl.u32 @p0 s9, $0x3;
	s0 =	sshrl.u32 @p0 s0, $0x3;
	s6 =	simm.s32 $0x300  }
0x18: {  	s9 =	simm.s32 $0x700;
	[dreg:$0xb] =	wrdreg s3;
	s3 =	sshll.u32 @!p0 s12, $0x6  }
0x19: {  	s5 =	simm.s32 $0x0;
	[dreg:$0xc] =	wrdreg s0;
	s0 =	sor.u32 @!p0 $0x1C05, s3  }
0x1a: {  	s3 =	simm.s32 $0x680;
	[dreg:$0xd] =	wrdreg s0;
	s0 =	sshrl.u32 @!p0 s10, $0x3  }
0x1b: {  	s10 =	simm.s32 $0x780;
	[dreg:$0xe] =	wrdreg s0;
	s0 =	simm.s32 $0x600  }
.LBB2_1:
0x1c: {  	s12 =	rddreg [dreg:$0x8]  }
0x1d: {  	s11 =	simm.s32 @p0 $0x1FC5;
	s14 =	rddreg [dreg:$0xb]  }
0x1e: {  	[spmem:s14], [sflag:s11] =	dma.local @p0 [hbm:s12], $0x1900  }
0x1f: {  	s12 =	simm.s32 @p0 $0x5  }
0x20: {  	_ =	swait.ge @p0 [sflag:s12], $0x1900  }
0x21: {  	[sflag:s12] =	ssyncset.done @p0 $0x0  }
0x22: {  	s14 =	rddreg [dreg:$0xc];
	[sflag:s12] =	ssyncadd.s32 @p0 $0xFFFFE700  }
0x23: {  	[spmem:s14], [sflag:s11] =	dma.local @p0 [hbm:s4], $0xF00  }
0x24: {  	_ =	swait.ge @p0 [sflag:s12], $0xF00  }
0x25: {  	s11 =	rddreg [dreg:$0x7]  }
0x26: {  	[sflag:s12] =	ssyncset.done @p0 $0x0;
	s14 =	rddreg [dreg:$0xe]  }
0x27: {  	[sflag:s12] =	ssyncadd.s32 @p0 $0xFFFFF100;
	s12 =	rddreg [dreg:$0xd]  }
0x28: {  	[spmem:s14], [sflag:s12] =	dma.local @!p0 [hbm:s11], $0x2800  }
0x29: {  	s11 =	simm.s32 @!p0 $0x5  }
0x2a: {  	_ =	swait.ge @!p0 [sflag:s11], $0x2800  }
0x2b: {  	[sflag:s11] =	ssyncset.done @!p0 $0x0  }
0x2c: {  	[sflag:s11] =	ssyncadd.s32 @!p0 $0xFFFFD800  }
0x2d: {  	[bflag:$0x0] =	sbarrier.arrive $0xFFFF  }
0x2e: {  	s15 =	sand.u32 $0x1FFFFF80, s13;
	s14 =	rddreg [dreg:$0x3]  }
0x2f: {  	s11 =	sadd.s32 s14, s15  }
0x30: {  	[tilespmem:s2], [sflag:$0x5] =	stream.linear.gather [hbm4b:s11+s2], $0x400, $0x38;
	[tilespmem:$0x1C800] =	vst v63  }
0x31: {  	_ =	swait.ge [sflag:s16], $0x400  }
0x32: {  	s14 =	rddreg [dreg:$0x4];
	[sflag:s16] =	ssyncset.done $0x0  }
0x33: {  	[sflag:s16] =	ssyncadd.s32 $0xFFFFFC00;
	s11 =	sadd.s32 s14, s15  }
0x34: {  	[tilespmem:s17], [sflag:$0x5] =	stream.linear.gather [hbm4b:s11+s2], $0x400, $0x38;
	[tilespmem:$0x1C800] =	vst v63  }
0x35: {  	_ =	swait.ge [sflag:s16], $0x400  }
0x36: {  	[sflag:s16] =	ssyncset.done $0x0  }
0x37: {  	[sflag:s16] =	ssyncadd.s32 $0xFFFFFC00  }
0x38: {  	[tilespmem:s19], [sflag:$0x1] =	stream.indirect.gather [hbm4b:s4+s18], $0x80, s2, s18, $0xb8;
	[tilespmem:$0x1C800] =	vst v63  }
0x39: {  	_ = 	snop  }
0x3a: {  	[tilespmem:s20], [sflag:$0x2] =	stream.indirect.gather [hbm4b:s4+s18], $0x80, s18, s18, $0xb8;
	[tilespmem:$0x1C800] =	vst v63  }
0x3b: {  	_ =	swait.ge [sflag:s21], $0x4000  }
0x3c: {  	[sflag:s21] =	ssyncset.done $0x0  }
0x3d: {  	[sflag:s21] =	ssyncadd.s32 $0xFFFFC000  }
0x3e: {  	[spmem:s1] =	stream.indirect.scatter.add.f32 [tilespmem:s19], [sflag:$0x3], $0x80, s17, s18, $0xb8;
	[tilespmem:$0x1C800] =	vst v63  }
0x3f: {  	_ =	swait.ge [sflag:s22], $0x4000  }
0x40: {  	[sflag:s22] =	ssyncset.done $0x0  }
0x41: {  	s15 =	rddreg [dreg:$0x5];
	[sflag:s22] =	ssyncadd.s32 $0xFFFFC000  }
0x42: {  	[spmem:s1] =	stream.indirect.scatter.add.f32 [tilespmem:s20], [sflag:$0x4], $0x80, s15, s18, $0xb8;
	[tilespmem:$0x1C800] =	vst v63  }
0x43: {  	_ =	swait.ge [sflag:s23], $0x4000  }
0x44: {  	[sflag:s23] =	ssyncset.done $0x0  }
0x45: {  	[sflag:s23] =	ssyncadd.s32 $0xFFFFC000  }
0x46: {  	[tilespmem:s19], [sflag:$0x1] =	stream.indirect.gather [hbm4b:s4+s18], $0x80, s24, s18, $0xb8;
	[tilespmem:$0x1C800] =	vst v63  }
0x47: {  	_ =	swait.ge [sflag:s25], $0x4000  }
0x48: {  	[sflag:s25] =	ssyncset.done $0x0  }
0x49: {  	[sflag:s25] =	ssyncadd.s32 $0xFFFFC000  }
0x4a: {  	[tilespmem:s20], [sflag:$0x2] =	stream.indirect.gather [hbm4b:s4+s18], $0x80, s26, s18, $0xb8;
	[tilespmem:$0x1C800] =	vst v63  }
0x4b: {  	_ =	swait.ge [sflag:s21], $0x4000  }
0x4c: {  	[sflag:s21] =	ssyncset.done $0x0  }
0x4d: {  	[sflag:s21] =	ssyncadd.s32 $0xFFFFC000  }
0x4e: {  	[spmem:s1] =	stream.indirect.scatter.add.f32 [tilespmem:s19], [sflag:$0x3], $0x80, s28, s18, $0xb8;
	[tilespmem:$0x1C800] =	vst v63  }
0x4f: {  	_ =	swait.ge [sflag:s22], $0x4000  }
0x50: {  	[sflag:s22] =	ssyncset.done $0x0  }
0x51: {  	[sflag:s22] =	ssyncadd.s32 $0xFFFFC000  }
0x52: {  	[spmem:s1] =	stream.indirect.scatter.add.f32 [tilespmem:s20], [sflag:$0x4], $0x80, s29, s18, $0xb8;
	[tilespmem:$0x1C800] =	vst v63  }
0x53: {  	_ =	swait.ge [sflag:s23], $0x4000  }
0x54: {  	[sflag:s23] =	ssyncset.done $0x0  }
0x55: {  	[sflag:s23] =	ssyncadd.s32 $0xFFFFC000  }
0x56: {  	[tilespmem:s19], [sflag:$0x1] =	stream.indirect.gather [hbm4b:s4+s18], $0x80, s30, s18, $0xb8;
	[tilespmem:$0x1C800] =	vst v63  }
0x57: {  	_ =	swait.ge [sflag:s25], $0x4000  }
0x58: {  	[sflag:s25] =	ssyncset.done $0x0  }
0x59: {  	[sflag:s25] =	ssyncadd.s32 $0xFFFFC000  }
0x5a: {  	[tilespmem:s20], [sflag:$0x2] =	stream.indirect.gather [hbm4b:s4+s18], $0x80, s31, s18, $0xb8;
	[tilespmem:$0x1C800] =	vst v63  }
0x5b: {  	_ =	swait.ge [sflag:s21], $0x4000  }
0x5c: {  	[sflag:s21] =	ssyncset.done $0x0  }
0x5d: {  	[sflag:s21] =	ssyncadd.s32 $0xFFFFC000  }
0x5e: {  	[spmem:s1] =	stream.indirect.scatter.add.f32 [tilespmem:s19], [sflag:$0x3], $0x80, s0, s18, $0xb8;
	[tilespmem:$0x1C800] =	vst v63  }
0x5f: {  	_ =	swait.ge [sflag:s22], $0x4000  }
0x60: {  	[sflag:s22] =	ssyncset.done $0x0  }
0x61: {  	[sflag:s22] =	ssyncadd.s32 $0xFFFFC000  }
0x62: {  	[spmem:s1] =	stream.indirect.scatter.add.f32 [tilespmem:s20], [sflag:$0x4], $0x80, s3, s18, $0xb8;
	[tilespmem:$0x1C800] =	vst v63  }
0x63: {  	_ =	swait.ge [sflag:s23], $0x4000  }
0x64: {  	[sflag:s23] =	ssyncset.done $0x0  }
0x65: {  	[sflag:s23] =	ssyncadd.s32 $0xFFFFC000  }
0x66: {  	[tilespmem:s19], [sflag:$0x1] =	stream.indirect.gather [hbm4b:s4+s18], $0x80, s6, s18, $0xb8;
	[tilespmem:$0x1C800] =	vst v63  }
0x67: {  	_ =	swait.ge [sflag:s25], $0x4000  }
0x68: {  	[sflag:s25] =	ssyncset.done $0x0  }
0x69: {  	[sflag:s25] =	ssyncadd.s32 $0xFFFFC000  }
0x6a: {  	[tilespmem:s20], [sflag:$0x2] =	stream.indirect.gather [hbm4b:s4+s18], $0x80, s7, s18, $0xb8;
	[tilespmem:$0x1C800] =	vst v63  }
0x6b: {  	_ =	swait.ge [sflag:s21], $0x4000  }
0x6c: {  	[sflag:s21] =	ssyncset.done $0x0  }
0x6d: {  	[sflag:s21] =	ssyncadd.s32 $0xFFFFC000  }
0x6e: {  	[spmem:s1] =	stream.indirect.scatter.add.f32 [tilespmem:s19], [sflag:$0x3], $0x80, s9, s18, $0xb8;
	[tilespmem:$0x1C800] =	vst v63  }
0x6f: {  	_ =	swait.ge [sflag:s22], $0x4000  }
0x70: {  	[sflag:s22] =	ssyncset.done $0x0  }
0x71: {  	p1 =	sne.s32 s8, $0x1;
	[sflag:s22] =	ssyncadd.s32 $0xFFFFC000  }
0x72: {  	[spmem:s1] =	stream.indirect.scatter.add.f32 [tilespmem:s20], [sflag:$0x4], $0x80, s10, s18, $0xb8;
	[tilespmem:$0x1C800] =	vst v63  }
.Ltmp0:
0x73: {  	_ =	swait.ge [sflag:s23], $0x4000;
	(pc) =	sbr.rel @!p1 .LBB2_3-.Ltmp0, $4  }
0x74: {  	[sflag:s23] =	ssyncset.done $0x0  }
0x75: {  	[sflag:s23] =	ssyncadd.s32 $0xFFFFC000  }
0x76: {  	_ =	swait.ge [sflag:s25], $0x4000  }
0x77: {  	s12 =	sadd.s32 $0xFFFFFFFF, s8;
	s11 =	smov.u32 s13;
	[sflag:s25] =	ssyncset.done $0x0  }
.LBB2_2:
0x78: {  	s11 =	sadd.s32 $0x80, s11  }
0x79: {  	s14 =	rddreg [dreg:$0x3];
	s15 =	sand.u32 $0x1FFFFF80, s11  }
0x7a: {  	[sflag:s25] =	ssyncadd.s32 $0xFFFFC000;
	s14 =	sadd.s32 s14, s15  }
0x7b: {  	[tilespmem:s2], [sflag:$0x5] =	stream.linear.gather [hbm4b:s14+s2], $0x400, $0x38;
	[tilespmem:$0x1C800] =	vst v63  }
0x7c: {  	_ =	swait.ge [sflag:s16], $0x400  }
0x7d: {  	s14 =	rddreg [dreg:$0x4];
	[sflag:s16] =	ssyncset.done $0x0  }
0x7e: {  	[sflag:s16] =	ssyncadd.s32 $0xFFFFFC00;
	s14 =	sadd.s32 s14, s15  }
0x7f: {  	[tilespmem:s17], [sflag:$0x5] =	stream.linear.gather [hbm4b:s14+s2], $0x400, $0x38;
	[tilespmem:$0x1C800] =	vst v63  }
0x80: {  	_ =	swait.ge [sflag:s16], $0x400  }
0x81: {  	[sflag:s16] =	ssyncset.done $0x0  }
0x82: {  	[sflag:s16] =	ssyncadd.s32 $0xFFFFFC00  }
0x83: {  	[tilespmem:s19], [sflag:$0x1] =	stream.indirect.gather [hbm4b:s4+s18], $0x80, s2, s18, $0xb8;
	[tilespmem:$0x1C800] =	vst v63  }
0x84: {  	_ = 	snop  }
0x85: {  	[tilespmem:s20], [sflag:$0x2] =	stream.indirect.gather [hbm4b:s4+s18], $0x80, s18, s18, $0xb8;
	[tilespmem:$0x1C800] =	vst v63  }
0x86: {  	_ =	swait.ge [sflag:s21], $0x4000  }
0x87: {  	[sflag:s21] =	ssyncset.done $0x0  }
0x88: {  	[sflag:s21] =	ssyncadd.s32 $0xFFFFC000  }
0x89: {  	[spmem:s1] =	stream.indirect.scatter.add.f32 [tilespmem:s19], [sflag:$0x3], $0x80, s17, s18, $0xb8;
	[tilespmem:$0x1C800] =	vst v63  }
0x8a: {  	_ =	swait.ge [sflag:s22], $0x4000  }
0x8b: {  	[sflag:s22] =	ssyncset.done $0x0  }
0x8c: {  	s15 =	rddreg [dreg:$0x5];
	[sflag:s22] =	ssyncadd.s32 $0xFFFFC000  }
0x8d: {  	[spmem:s1] =	stream.indirect.scatter.add.f32 [tilespmem:s20], [sflag:$0x4], $0x80, s15, s18, $0xb8;
	[tilespmem:$0x1C800] =	vst v63  }
0x8e: {  	_ =	swait.ge [sflag:s23], $0x4000  }
0x8f: {  	[sflag:s23] =	ssyncset.done $0x0  }
0x90: {  	[sflag:s23] =	ssyncadd.s32 $0xFFFFC000  }
0x91: {  	[tilespmem:s19], [sflag:$0x1] =	stream.indirect.gather [hbm4b:s4+s18], $0x80, s24, s18, $0xb8;
	[tilespmem:$0x1C800] =	vst v63  }
0x92: {  	_ =	swait.ge [sflag:s25], $0x4000  }
0x93: {  	[sflag:s25] =	ssyncset.done $0x0  }
0x94: {  	[sflag:s25] =	ssyncadd.s32 $0xFFFFC000  }
0x95: {  	[tilespmem:s20], [sflag:$0x2] =	stream.indirect.gather [hbm4b:s4+s18], $0x80, s26, s18, $0xb8;
	[tilespmem:$0x1C800] =	vst v63  }
0x96: {  	_ =	swait.ge [sflag:s21], $0x4000  }
0x97: {  	[sflag:s21] =	ssyncset.done $0x0  }
0x98: {  	[sflag:s21] =	ssyncadd.s32 $0xFFFFC000  }
0x99: {  	[spmem:s1] =	stream.indirect.scatter.add.f32 [tilespmem:s19], [sflag:$0x3], $0x80, s28, s18, $0xb8;
	[tilespmem:$0x1C800] =	vst v63  }
0x9a: {  	_ =	swait.ge [sflag:s22], $0x4000  }
0x9b: {  	[sflag:s22] =	ssyncset.done $0x0  }
0x9c: {  	[sflag:s22] =	ssyncadd.s32 $0xFFFFC000  }
0x9d: {  	[spmem:s1] =	stream.indirect.scatter.add.f32 [tilespmem:s20], [sflag:$0x4], $0x80, s29, s18, $0xb8;
	[tilespmem:$0x1C800] =	vst v63  }
0x9e: {  	_ =	swait.ge [sflag:s23], $0x4000  }
0x9f: {  	[sflag:s23] =	ssyncset.done $0x0  }
0xa0: {  	[sflag:s23] =	ssyncadd.s32 $0xFFFFC000  }
0xa1: {  	[tilespmem:s19], [sflag:$0x1] =	stream.indirect.gather [hbm4b:s4+s18], $0x80, s30, s18, $0xb8;
	[tilespmem:$0x1C800] =	vst v63  }
0xa2: {  	_ =	swait.ge [sflag:s25], $0x4000  }
0xa3: {  	[sflag:s25] =	ssyncset.done $0x0  }
0xa4: {  	[sflag:s25] =	ssyncadd.s32 $0xFFFFC000  }
0xa5: {  	[tilespmem:s20], [sflag:$0x2] =	stream.indirect.gather [hbm4b:s4+s18], $0x80, s31, s18, $0xb8;
	[tilespmem:$0x1C800] =	vst v63  }
0xa6: {  	_ =	swait.ge [sflag:s21], $0x4000  }
0xa7: {  	[sflag:s21] =	ssyncset.done $0x0  }
0xa8: {  	[sflag:s21] =	ssyncadd.s32 $0xFFFFC000  }
0xa9: {  	[spmem:s1] =	stream.indirect.scatter.add.f32 [tilespmem:s19], [sflag:$0x3], $0x80, s0, s18, $0xb8;
	[tilespmem:$0x1C800] =	vst v63  }
0xaa: {  	_ =	swait.ge [sflag:s22], $0x4000  }
0xab: {  	[sflag:s22] =	ssyncset.done $0x0  }
0xac: {  	[sflag:s22] =	ssyncadd.s32 $0xFFFFC000  }
0xad: {  	[spmem:s1] =	stream.indirect.scatter.add.f32 [tilespmem:s20], [sflag:$0x4], $0x80, s3, s18, $0xb8;
	[tilespmem:$0x1C800] =	vst v63  }
0xae: {  	_ =	swait.ge [sflag:s23], $0x4000  }
0xaf: {  	[sflag:s23] =	ssyncset.done $0x0  }
0xb0: {  	[sflag:s23] =	ssyncadd.s32 $0xFFFFC000  }
0xb1: {  	[tilespmem:s19], [sflag:$0x1] =	stream.indirect.gather [hbm4b:s4+s18], $0x80, s6, s18, $0xb8;
	[tilespmem:$0x1C800] =	vst v63  }
0xb2: {  	_ =	swait.ge [sflag:s25], $0x4000  }
0xb3: {  	[sflag:s25] =	ssyncset.done $0x0  }
0xb4: {  	[sflag:s25] =	ssyncadd.s32 $0xFFFFC000  }
0xb5: {  	[tilespmem:s20], [sflag:$0x2] =	stream.indirect.gather [hbm4b:s4+s18], $0x80, s7, s18, $0xb8;
	[tilespmem:$0x1C800] =	vst v63  }
0xb6: {  	_ =	swait.ge [sflag:s21], $0x4000  }
0xb7: {  	[sflag:s21] =	ssyncset.done $0x0  }
0xb8: {  	[sflag:s21] =	ssyncadd.s32 $0xFFFFC000  }
0xb9: {  	[spmem:s1] =	stream.indirect.scatter.add.f32 [tilespmem:s19], [sflag:$0x3], $0x80, s9, s18, $0xb8;
	[tilespmem:$0x1C800] =	vst v63  }
0xba: {  	_ =	swait.ge [sflag:s22], $0x4000  }
0xbb: {  	[sflag:s22] =	ssyncset.done $0x0  }
0xbc: {  	p1 =	sne.s32 s12, $0x1;
	[sflag:s22] =	ssyncadd.s32 $0xFFFFC000  }
0xbd: {  	[spmem:s1] =	stream.indirect.scatter.add.f32 [tilespmem:s20], [sflag:$0x4], $0x80, s10, s18, $0xb8;
	[tilespmem:$0x1C800] =	vst v63  }
.Ltmp1:
0xbe: {  	_ =	swait.ge [sflag:s23], $0x4000;
	(pc) =	sbr.rel @p1 .LBB2_2-.Ltmp1, $4  }
0xbf: {  	[sflag:s23] =	ssyncset.done $0x0  }
0xc0: {  	[sflag:s23] =	ssyncadd.s32 $0xFFFFC000  }
0xc1: {  	_ =	swait.ge [sflag:s25], $0x4000  }
0xc2: {  	s12 =	sadd.s32 $0xFFFFFFFF, s12;
	[sflag:s25] =	ssyncset.done $0x0  }
.LBB2_3:
0xc3: {  	[sflag:s25] =	ssyncadd.s32 $0xFFFFC000  }
0xc4: {  	s11 =	stileid.u32;
	[bflag:$0x0] =	sbarrier.arrive $0xFFFF  }
0xc5: {  	s11 =	sshll.u32 s11, $0x6;
	s12 =	rddreg [dreg:$0x6]  }
0xc6: {  	s11 =	sor.u32 $0x1C05, s11;
	s14 =	rddreg [dreg:$0x9];
	s12 =	sshrl.u32 s12, $0x3  }
0xc7: {  	[hbm:s14], [sflag:s11] =	dma.local [spmem:s12], $0x2800  }
0xc8: {  	_ =	swait.ge [sflag:s16], $0x2800  }
0xc9: {  	s5 =	sadd.s32 $0x1, s5;
	s15 =	rddreg [dreg:$0xa]  }
0xca: {  	p1 =	sne.s32 s5, s15  }
.Ltmp2:
0xcb: {  	_ = 	snop;
	(pc) =	sbr.rel @p1 .LBB2_1-.Ltmp2, $3  }
0xcc: {  	_ =	sdelay $0x1  }
0xcd: {  	[sflag:s16] =	ssyncset.done $0x0  }
0xce: {  	[sflag:s16] =	ssyncadd.s32 $0xFFFFD800  }
0xcf: {  	_ =	sfence.sel $0x180000  }
0xd0: {  	[bflag:$0x0] =	sbarrier.arrive $0xFFFF  }
0xd1: {  	_ =	strace $0x9000004A  }
0xd2: {  	s0 =	stileid.u32;
	[bflag:$0x2] =	sbarrier.arrive $0xFFFF  }
0xd3: {  	p0 =	sne.s32 s0, $0x0;
	s0 =	rddreg [dreg:$0x2]  }
0xd4: {  	s0 =	sadd.s32 @!p0 $0x100000, s0  }
0xd5: {  	[sflag:s0] =	ssyncadd.tile.s32 @!p0 $0x1;
	_ =	shalt  }
.Lfunc_end2:
_tile_overlayer_lowered:
.L_overlay_start_2:
0xd6: {  	(tag) =	ssettag $0x2  }
0xd7: {  	s0 =	rddreg [dreg:$0x0];
	s2 =	stileid.u32  }
0xd8: {  	s1 =	rddreg [dreg:$0x1];
	p0 =	sne.s32 s2, $0x0  }
0xd9: {  	s3 =	rddreg [dreg:$0x2];
	[bflag:$0x3] =	sbarrier.arrive $0xFFFF;
	s2 =	simm.s32 @!p0 $0x1C05  }
0xda: {  	[timem:s3], [sflag:s2] =	dma.local @!p0 [hbm:s0], s1  }
0xdb: {  	s0 =	simm.s32 @!p0 $0x5  }
0xdc: {  	_ =	swait.ge @!p0 [sflag:s0], s1  }
0xdd: {  	s1 =	ssub.s32 @!p0 $0x0, s1;
	[sflag:s0] =	ssyncset.done @!p0 $0x0  }
0xde: {  	[sflag:s0] =	ssyncadd.s32 @!p0 s1  }
0xdf: {  	[bflag:$0x3] =	sbarrier.arrive $0xFFFF  }
0xe0: {  	_ =	shalt  }

// kernel: kernel.16.cloned.1.call-start
scs
__scs_entry_jumppad:
0x0: {  	(pc) =	sbr.rel $0x88, $3  }
0x1: {  	(tag) =	ssettag $0x0;
	lr =	simm.s32 $0x1  }
0x2: {  	[smem:$0x3F94] =	sst lr;
	_ =	strace $0xD0000000  }
0x3: {  	_ = 	snop  }
0x4: {  	_ = 	snop  }
0x5: {  	_ = 	snop  }
0x6: {  	_ = 	snop  }
0x7: {  	_ = 	snop  }
__scs_overlays_trampoline_lowered:
0x8: {  	[smem:$0x3FA3] =	sst s0  }
0x9: {  	[smem:$0x3FA4] =	sst s1  }
0xa: {  	[smem:$0x3FA5] =	sst s2  }
0xb: {  	[smem:$0x3FA6] =	sst s3  }
0xc: {  	[smem:$0x3FA7] =	sst s4  }
0xd: {  	[smem:$0x3FA8] =	sst s5  }
0xe: {  	[smem:$0x3FA9] =	sst s6  }
0xf: {  	[smem:$0x3FAA] =	sst s7  }
0x10: {  	[smem:$0x3FAB] =	sst s8  }
0x11: {  	[smem:$0x3FAC] =	sst s9;
	s0 =	simm.s32 @!p0 $0x0  }
0x12: {  	s1 =	sld [smem:$0x3F92];
	s0 =	simm.s32 @p0 $0x1  }
0x13: {  	[smem:$0x3FAD] =	sst s0;
	s0 =	simm.s32 @!p1 $0x0  }
0x14: {  	s2 =	sld [smem:$0x3F91];
	s0 =	simm.s32 @p1 $0x1  }
0x15: {  	[smem:$0x3FAE] =	sst s0;
	s0 =	simm.s32 @!p2 $0x0  }
0x16: {  	s3 =	sld [smem:$0x3FDB];
	s0 =	simm.s32 @p2 $0x1  }
0x17: {  	s4 =	simm.s32 $0x1BF5;
	[smem:$0x3FB0] =	sst s0  }
0x18: {  	s0 =	sld [smem:$0x3F93];
	_ =	swait.ge [sflag:s4], $0x0  }
0x19: {  	s7 =	sld [smem:$0x3F94]  }
0x1a: {  	s8 =	sadd.s32 $0xFFFFE003, lr  }
0x1b: {  	s9 =	sadd.s32 $0xFFFFFEF7, lr;
	s5 =	simm.s32 $0xFFFFFFFF;
	p2 =	slt.u32 s8, $0xFFFFF086  }
0x1c: {  	p1 =	slt.u32 s9, $0xF7A;
	s5 =	simm.s32 @!p2 $0x0  }
0x1d: {  	s5 =	simm.s32 @p1 $0x1;
	p0 =	seq.s32 s7, s2  }
0x1e: {  	s7 =	smul.u32 @!p0 $0xF7A, s2;
	p2 =	seq.s32 @!p0 s5, $0x0  }
0x1f: {  	s9 =	smul.u32 $0xF7A, s1;
	s8 =	simm.s32 @!p0 $0x1BF5;
	p2 =	por !p2, p0  }
0x20: {  	[sflag:s8] =	ssyncset.s32 @!p0 $0xFFFFF086;
	s6 =	sadd.s32 @!p0 s3, s7;
	s7 =	simm.s32 @!p0 $0x108  }
0x21: {  	s3 =	sadd.s32 s3, s9;
	s6 =	sadd.s32 @!p0 $0x88, s6;
	s7 =	simm.s32 @p2 $0x1082  }
0x22: {  	[simem:s7], [sflag:s8] =	dma.local @!p0 [hbm:s6], $0xF7A  }
0x23: {  	s9 =	sor.u32 $0xD0000000, s2;
	s6 =	simm.s32 $0x108;
	_ =	swait.ge @!p0 [sflag:s8], $0x0  }
0x24: {  	s3 =	sadd.s32 $0x88, s3;
	s6 =	simm.s32 @!p1 $0x1082;
	[sflag:s4] =	ssyncset.s32 $0xFFFFF086  }
0x25: {  	[simem:s6], [sflag:s4] =	dma.local [hbm:s3], $0xF7A  }
0x26: {  	[smem:$0x3F94] =	sst s1;
	(tag) =	ssettag s2;
	_ =	strace s9  }
0x27: {  	s1 =	sld [smem:$0x3FA4]  }
0x28: {  	s2 =	sld [smem:$0x3FA5]  }
0x29: {  	s4 =	sld [smem:$0x3FA7]  }
0x2a: {  	p0 =	seq.s32 s5, $0x0;
	s5 =	sld [smem:$0x3FA8]  }
0x2b: {  	s6 =	sld [smem:$0x3FA9]  }
0x2c: {  	s7 =	sld [smem:$0x3FAA]  }
0x2d: {  	s3 =	simm.s32 $0x108;
	s8 =	sld [smem:$0x3FAB]  }
0x2e: {  	s3 =	simm.s32 @!p0 $0x1082;
	s9 =	sld [smem:$0x3FAC]  }
0x2f: {  	lr =	sadd.s32 s0, s3;
	s0 =	sld [smem:$0x3FA3]  }
0x30: {  	s3 =	sld [smem:$0x3FA6]  }
0x31: {  	[smem:$0x3FAF] =	sst s10  }
0x32: {  	s10 =	sld [smem:$0x3FAD];
	_ =	sdelay $0x3  }
0x33: {  	p0 =	seq.s32 s10, $0x1;
	s10 =	sld [smem:$0x3FAF];
	_ =	sdelay $0x3  }
0x34: {  	[smem:$0x3FAF] =	sst s10  }
0x35: {  	s10 =	sld [smem:$0x3FAE];
	_ =	sdelay $0x3  }
0x36: {  	p1 =	seq.s32 s10, $0x1;
	s10 =	sld [smem:$0x3FAF];
	_ =	sdelay $0x3  }
0x37: {  	[smem:$0x3FAF] =	sst s10  }
0x38: {  	s10 =	sld [smem:$0x3FB0]  }
0x39: {  	_ = 	snop;
	(pc) =	sbr.ind lr, $3  }
0x3a: {  	_ = 	snop  }
0x3b: {  	_ = 	snop  }
0x3c: {  	p2 =	seq.s32 s10, $0x1;
	s10 =	sld [smem:$0x3FAF]  }
0x3d: {  	_ =	shalt  }
0x3e: {  	_ =	shalt  }
0x3f: {  	_ =	shalt  }
0x40: {  	_ =	shalt  }
0x41: {  	_ =	shalt  }
0x42: {  	_ =	shalt  }
0x43: {  	_ =	shalt  }
0x44: {  	_ =	shalt  }
0x45: {  	_ =	shalt  }
0x46: {  	_ =	shalt  }
0x47: {  	_ =	shalt  }
0x48: {  	_ =	shalt  }
0x49: {  	_ =	shalt  }
0x4a: {  	_ =	shalt  }
0x4b: {  	_ =	shalt  }
0x4c: {  	_ =	shalt  }
0x4d: {  	_ =	shalt  }
0x4e: {  	_ =	shalt  }
0x4f: {  	_ =	shalt  }
0x50: {  	_ =	shalt  }
0x51: {  	_ =	shalt  }
0x52: {  	_ =	shalt  }
0x53: {  	_ =	shalt  }
0x54: {  	_ =	shalt  }
0x55: {  	_ =	shalt  }
0x56: {  	_ =	shalt  }
0x57: {  	_ =	shalt  }
0x58: {  	_ =	shalt  }
0x59: {  	_ =	shalt  }
0x5a: {  	_ =	shalt  }
0x5b: {  	_ =	shalt  }
0x5c: {  	_ =	shalt  }
0x5d: {  	_ =	shalt  }
0x5e: {  	_ =	shalt  }
0x5f: {  	_ =	shalt  }
0x60: {  	_ =	shalt  }
0x61: {  	_ =	shalt  }
0x62: {  	_ =	shalt  }
0x63: {  	_ =	shalt  }
0x64: {  	_ =	shalt  }
0x65: {  	_ =	shalt  }
0x66: {  	_ =	shalt  }
0x67: {  	_ =	shalt  }
0x68: {  	_ =	shalt  }
0x69: {  	_ =	shalt  }
0x6a: {  	_ =	shalt  }
0x6b: {  	_ =	shalt  }
0x6c: {  	_ =	shalt  }
0x6d: {  	_ =	shalt  }
0x6e: {  	_ =	shalt  }
0x6f: {  	_ =	shalt  }
0x70: {  	_ =	shalt  }
0x71: {  	_ =	shalt  }
0x72: {  	_ =	shalt  }
0x73: {  	_ =	shalt  }
0x74: {  	_ =	shalt  }
0x75: {  	_ =	shalt  }
0x76: {  	_ =	shalt  }
0x77: {  	_ =	shalt  }
0x78: {  	_ =	shalt  }
0x79: {  	_ =	shalt  }
0x7a: {  	_ =	shalt  }
0x7b: {  	_ =	shalt  }
0x7c: {  	_ =	shalt  }
0x7d: {  	_ =	shalt  }
0x7e: {  	_ =	shalt  }
0x7f: {  	_ =	shalt  }
0x80: {  	_ =	shalt  }
0x81: {  	_ =	shalt  }
0x82: {  	_ =	shalt  }
0x83: {  	_ =	shalt  }
0x84: {  	_ =	shalt  }
0x85: {  	_ =	shalt  }
0x86: {  	_ =	shalt  }
0x87: {  	_ =	shalt  }
.Lfunc_end0:
.L_simem_size_0:
called_computation.2_lowered:
.L_overlay_start_0:
0x88: {  	s2 =	sld [smem:$0x3FD9]  }
0x89: {  	s3 =	sld [smem:$0x3FFE];
	_ =	sdelay $0x1  }
0x8a: {  	s1 =	srdreg.scid  }
0x8b: {  	s0 =	sand.u32 $0x1, s1  }
0x8c: {  	s16 =	sshll.u32 s0, $0xA;
	s2 =	sadd.s32 s3, s2  }
0x8d: {  	s2 =	sadd.s32 s2, s16  }
0x8e: {  	[smem:$0x3FBB] =	sst s2  }
0x8f: {  	_ = 	snop  }
0x90: {  	(tm) =	ssettm $0x1  }
0x91: {  	s17 =	sld [smem:$0x3FFB];
	_ =	sdelay $0x3  }
0x92: {  	_ =	strace s17  }
0x93: {  	s2 =	sld [smem:$0x3FFC];
	_ =	sdelay $0x3  }
0x94: {  	_ =	strace s2  }
0x95: {  	s2 =	sld [smem:$0x3FFD];
	_ =	sdelay $0x3  }
0x96: {  	_ =	strace s2  }
0x97: {  	_ =	strace $0x8FFFFFFF  }
0x98: {  	s18 =	sld [smem:$0x3FDB];
	_ =	sdelay $0x1  }
0x99: {  	s19 =	simm.s32 $_scs_section_size  }
0x9a: {  	s4 =	simm.s32 $_size__tile_overlayer_lowered;
	s5 =	simm.s32 $_tile_overlayer_lowered  }
0x9b: {  	s22 =	simm.s32 $0x1BFF;
	s21 =	sshll.u32 s5, $0x1;
	s2 =	sadd.s32 s19, s18  }
0x9c: {  	s6 =	simm.s32 $0x0;
	s20 =	sshll.u32 s4, $0x1;
	s4 =	sadd.s32 s21, s2  }
0x9d: {  	[timem:s6], [sflag:s22] =	dma.local [hbm:s4], s20  }
0x9e: {  	_ =	swait.ge [sflag:s22], s20  }
0x9f: {  	s3 =	ssub.s32 $0x0, s20;
	[sflag:s22] =	ssyncset.done $0x0  }
0xa0: {  	[sflag:s22] =	ssyncadd.s32 s3;
	_ =	sdelay $0x1  }
0xa1: {  	s23 =	simm.s32 $0x1B8B  }
0xa2: {  	_ =	swait.ge [sflag:s23], $0x1  }
0xa3: {  	[sflag:s23] =	ssyncset.done $0x0  }
0xa4: {  	s25 =	simm.s32 $0x1B8E;
	s24 =	sld [smem:$0x3FFE];
	[sflag:s23] =	ssyncadd.s32 $0xFFFFFFFF  }
0xa5: {  	s26 =	simm.s32 $execute0_lowered;
	[smem:$0x3FD2] =	sst s25  }
0xa6: {  	s4 =	sshll.u32 s26, $0x1;
	_ =	strace $0x8000004C;
	[dreg:$0x1] =	wrdreg $0xFFFFFFFF  }
0xa7: {  	s28 =	simm.s32 $_size_execute0_lowered;
	s2 =	sadd.s32 s2, s4;
	[dreg:$0x0] =	wrdreg $0x0  }
0xa8: {  	s4 =	sshll.u32 s28, $0x1;
	[dreg:$0x2] =	wrdreg s2  }
0xa9: {  	[dreg:$0x3] =	wrdreg s4  }
0xaa: {  	[dreg:$0x4] =	wrdreg $0xC0  }
0xab: {  	_ =	task [dreg:s6], $0x5FFFF  }
0xac: {  	[dreg:$0x1] =	wrdreg $0xFFFFFFFF  }
0xad: {  	[dreg:$0x0] =	wrdreg $0x60  }
0xae: {  	[dreg:$0x2] =	wrdreg s24  }
0xaf: {  	[dreg:$0x3] =	wrdreg $0x88000  }
0xb0: {  	[dreg:$0x4] =	wrdreg $0x9  }
0xb1: {  	_ =	task.clear_ibuf [dreg:s6], $0x5FFFF;
	_ =	strace $0x9000004C  }
0xb2: {  	s29 =	simm.s32 $0x9;
	_ =	strace $0x8000004E  }
0xb3: {  	_ =	swait.ge [sflag:s29], $0x1  }
0xb4: {  	[sflag:s29] =	ssyncadd.s32 $0xFFFFFFFF  }
0xb5: {  	_ =	strace $0x9000004E  }
0xb6: {  	_ =	sfence  }
0xb7: {  	s30 =	sld [smem:$0x0];
	_ =	sdelay $0x2  }
0xb8: {  	s31 =	sshll.u32 s1, $0xD;
	s1 =	sshrl.u32 s1, $0x2  }
0xb9: {  	s3 =	sand.u32 $0x4000, s31;
	s1 =	sadd.s32 s1, s30  }
0xba: {  	s0 =	sor.u32 s3, s0;
	s1 =	sshll.u32 s1, $0x11  }
0xbb: {  	s0 =	sor.u32 s1, s0  }
0xbc: {  	s0 =	sadd.s32 $0x8F2B, s0  }
0xbd: {  	[sflag:s0] =	ssyncadd.remote.s32 $0x1  }
0xbe: {  	_ =	sfence.sel $0xFFFF  }
0xbf: {  	[dreg:$0x0] =	wrdreg $0xFFFFFFFF;
	(pc) =	sbr.abs _section_cstart, $3  }
0xc0: {  	[dreg:$0x1] =	wrdreg $0xFFFFFFFF  }
0xc1: {  	_ =	task.clear_ibuf [dreg:s6], $0x2FFFF;
	_ =	strace $0x9FFFFFFF  }
0xc2: {  	(tm) =	ssettm $0x7FFFFFFF  }
0xc3: {  	_ =	shalt  }
tec
execute0_lowered:
.L_overlay_start_1:
0x0: {  	(tag) =	ssettag $0x1  }
0x1: {  	s0 =	rddreg [dreg:$0x0]  }
0x2: {  	s1 =	rddreg [dreg:$0x1]  }
0x3: {  	s2 =	simm.s32 $0x0;
	s3 =	srdreg.scid;
	s12 =	stileid.u32  }
0x4: {  	s16 =	simm.s32 $0x5;
	s17 =	simm.s32 $0x400;
	s18 =	simm.s32 $0x80  }
0x5: {  	s19 =	simm.s32 $0x800;
	s20 =	simm.s32 $0x4800;
	s26 =	simm.s32 $0x480  }
0x6: {  	s21 =	simm.s32 $0x1;
	s28 =	simm.s32 $0x500;
	s29 =	simm.s32 $0x580  }
0x7: {  	s30 =	simm.s32 $0x200;
	s31 =	simm.s32 $0x280;
	s22 =	smul.u32 $0x14000, s12  }
0x8: {  	[smem:$0x7FF] =	sst s2;
	s3 =	sand.u32 $0x1, s3;
	s24 =	smul.u32 $0x50000, s12  }
0x9: {  	s6 =	sadd.s32 $0x5A00, s0;
	s4 =	sadd.s32 $0x19A00, s0;
	s11 =	smul.u32 $0x2800, s12  }
0xa: {  	s8 =	sadd.s32 $0xFA00, s0;
	p0 =	seq.s32 s12, $0xF;
	s5 =	smul.u32 $0x140000, s3  }
0xb: {  	_ =	strace $0x8000004D;
	s7 =	smul.u32 $0xFFFFFF70, s3;
	[dreg:$0x3] =	wrdreg s6  }
0xc: {  	s9 =	smul.u32 $0x980, s3;
	[dreg:$0x4] =	wrdreg s8;
	s3 =	ssub.s32 $0x2, s3  }
0xd: {  	[dreg:$0x5] =	wrdreg s26;
	s26 =	simm.s32 $0x180;
	s10 =	sshrl.u32 s3, $0x1  }
0xe: {  	s8 =	sshrl.u32 s24, $0x2;
	s25 =	sadd.s32 s4, s11;
	s24 =	simm.s32 $0x100  }
0xf: {  	s7 =	sadd.s32 $0x98, s7;
	s5 =	sadd.s32 s22, s5;
	s3 =	ssub.s32 s3, s10  }
0x10: {  	s10 =	sadd.s32 s8, s1;
	[dreg:$0x7] =	wrdreg s25;
	s22 =	simm.s32 $0x2  }
0x11: {  	s25 =	simm.s32 $0x4;
	s23 =	smul.u32 s12, s7;
	s5 =	sshrl.u32 s5, $0x3  }
0x12: {  	s8 =	sshrl.u32 s7, $0x3;
	s3 =	smax.u32 s3, $0x1;
	[dreg:$0x6] =	wrdreg s10  }
0x13: {  	s7 =	simm.s32 $0x380;
	s5 =	sadd.s32 s5, s0;
	s0 =	sadd.s32 $0x3F200, s0  }
0x14: {  	[dreg:$0xa] =	wrdreg s3;
	s6 =	sadd.s32 s9, s23;
	s9 =	sadd.s32 $0x12C000, s1  }
0x15: {  	[dreg:$0x8] =	wrdreg s0;
	s0 =	sadd.s32 $0x138800, s1;
	s5 =	sadd.s32 $0x67E00, s5  }
0x16: {  	s23 =	simm.s32 $0x3;
	[dreg:$0x9] =	wrdreg s5;
	s13 =	sshll.u32 s6, $0x4  }
0x17: {  	s3 =	sshrl.u32 @p0 s9, $0x3;
	s0 =	sshrl.u32 @p0 s0, $0x3;
	s6 =	simm.s32 $0x300  }
0x18: {  	s9 =	simm.s32 $0x700;
	[dreg:$0xb] =	wrdreg s3;
	s3 =	sshll.u32 @!p0 s12, $0x6  }
0x19: {  	s5 =	simm.s32 $0x0;
	[dreg:$0xc] =	wrdreg s0;
	s0 =	sor.u32 @!p0 $0x1C05, s3  }
0x1a: {  	s3 =	simm.s32 $0x680;
	[dreg:$0xd] =	wrdreg s0;
	s0 =	sshrl.u32 @!p0 s10, $0x3  }
0x1b: {  	s10 =	simm.s32 $0x780;
	[dreg:$0xe] =	wrdreg s0;
	s0 =	simm.s32 $0x600  }
.LBB2_1:
0x1c: {  	s12 =	rddreg [dreg:$0x8]  }
0x1d: {  	s11 =	simm.s32 @p0 $0x1FC5;
	s14 =	rddreg [dreg:$0xb]  }
0x1e: {  	[spmem:s14], [sflag:s11] =	dma.local @p0 [hbm:s12], $0x1900  }
0x1f: {  	s12 =	simm.s32 @p0 $0x5  }
0x20: {  	_ =	swait.ge @p0 [sflag:s12], $0x1900  }
0x21: {  	[sflag:s12] =	ssyncset.done @p0 $0x0  }
0x22: {  	s14 =	rddreg [dreg:$0xc];
	[sflag:s12] =	ssyncadd.s32 @p0 $0xFFFFE700  }
0x23: {  	[spmem:s14], [sflag:s11] =	dma.local @p0 [hbm:s4], $0xF00  }
0x24: {  	_ =	swait.ge @p0 [sflag:s12], $0xF00  }
0x25: {  	s11 =	rddreg [dreg:$0x7]  }
0x26: {  	[sflag:s12] =	ssyncset.done @p0 $0x0;
	s14 =	rddreg [dreg:$0xe]  }
0x27: {  	[sflag:s12] =	ssyncadd.s32 @p0 $0xFFFFF100;
	s12 =	rddreg [dreg:$0xd]  }
0x28: {  	[spmem:s14], [sflag:s12] =	dma.local @!p0 [hbm:s11], $0x2800  }
0x29: {  	s11 =	simm.s32 @!p0 $0x5  }
0x2a: {  	_ =	swait.ge @!p0 [sflag:s11], $0x2800  }
0x2b: {  	[sflag:s11] =	ssyncset.done @!p0 $0x0  }
0x2c: {  	[sflag:s11] =	ssyncadd.s32 @!p0 $0xFFFFD800  }
0x2d: {  	[bflag:$0x0] =	sbarrier.arrive $0xFFFF  }
0x2e: {  	s15 =	sand.u32 $0x1FFFFF80, s13;
	s14 =	rddreg [dreg:$0x3]  }
0x2f: {  	s11 =	sadd.s32 s14, s15  }
0x30: {  	[tilespmem:s2], [sflag:$0x5] =	stream.linear.gather [hbm4b:s11+s2], $0x400, $0x38;
	[tilespmem:$0x1C800] =	vst v63  }
0x31: {  	_ =	swait.ge [sflag:s16], $0x400  }
0x32: {  	s14 =	rddreg [dreg:$0x4];
	[sflag:s16] =	ssyncset.done $0x0  }
0x33: {  	[sflag:s16] =	ssyncadd.s32 $0xFFFFFC00;
	s11 =	sadd.s32 s14, s15  }
0x34: {  	[tilespmem:s17], [sflag:$0x5] =	stream.linear.gather [hbm4b:s11+s2], $0x400, $0x38;
	[tilespmem:$0x1C800] =	vst v63  }
0x35: {  	_ =	swait.ge [sflag:s16], $0x400  }
0x36: {  	[sflag:s16] =	ssyncset.done $0x0  }
0x37: {  	[sflag:s16] =	ssyncadd.s32 $0xFFFFFC00  }
0x38: {  	[tilespmem:s19], [sflag:$0x1] =	stream.indirect.gather [hbm4b:s4+s18], $0x80, s2, s18, $0xb8;
	[tilespmem:$0x1C800] =	vst v63  }
0x39: {  	_ = 	snop  }
0x3a: {  	[tilespmem:s20], [sflag:$0x2] =	stream.indirect.gather [hbm4b:s4+s18], $0x80, s18, s18, $0xb8;
	[tilespmem:$0x1C800] =	vst v63  }
0x3b: {  	_ =	swait.ge [sflag:s21], $0x4000  }
0x3c: {  	[sflag:s21] =	ssyncset.done $0x0  }
0x3d: {  	[sflag:s21] =	ssyncadd.s32 $0xFFFFC000  }
0x3e: {  	[spmem:s1] =	stream.indirect.scatter.add.f32 [tilespmem:s19], [sflag:$0x3], $0x80, s17, s18, $0xb8;
	[tilespmem:$0x1C800] =	vst v63  }
0x3f: {  	_ =	swait.ge [sflag:s22], $0x4000  }
0x40: {  	[sflag:s22] =	ssyncset.done $0x0  }
0x41: {  	s15 =	rddreg [dreg:$0x5];
	[sflag:s22] =	ssyncadd.s32 $0xFFFFC000  }
0x42: {  	[spmem:s1] =	stream.indirect.scatter.add.f32 [tilespmem:s20], [sflag:$0x4], $0x80, s15, s18, $0xb8;
	[tilespmem:$0x1C800] =	vst v63  }
0x43: {  	_ =	swait.ge [sflag:s23], $0x4000  }
0x44: {  	[sflag:s23] =	ssyncset.done $0x0  }
0x45: {  	[sflag:s23] =	ssyncadd.s32 $0xFFFFC000  }
0x46: {  	[tilespmem:s19], [sflag:$0x1] =	stream.indirect.gather [hbm4b:s4+s18], $0x80, s24, s18, $0xb8;
	[tilespmem:$0x1C800] =	vst v63  }
0x47: {  	_ =	swait.ge [sflag:s25], $0x4000  }
0x48: {  	[sflag:s25] =	ssyncset.done $0x0  }
0x49: {  	[sflag:s25] =	ssyncadd.s32 $0xFFFFC000  }
0x4a: {  	[tilespmem:s20], [sflag:$0x2] =	stream.indirect.gather [hbm4b:s4+s18], $0x80, s26, s18, $0xb8;
	[tilespmem:$0x1C800] =	vst v63  }
0x4b: {  	_ =	swait.ge [sflag:s21], $0x4000  }
0x4c: {  	[sflag:s21] =	ssyncset.done $0x0  }
0x4d: {  	[sflag:s21] =	ssyncadd.s32 $0xFFFFC000  }
0x4e: {  	[spmem:s1] =	stream.indirect.scatter.add.f32 [tilespmem:s19], [sflag:$0x3], $0x80, s28, s18, $0xb8;
	[tilespmem:$0x1C800] =	vst v63  }
0x4f: {  	_ =	swait.ge [sflag:s22], $0x4000  }
0x50: {  	[sflag:s22] =	ssyncset.done $0x0  }
0x51: {  	[sflag:s22] =	ssyncadd.s32 $0xFFFFC000  }
0x52: {  	[spmem:s1] =	stream.indirect.scatter.add.f32 [tilespmem:s20], [sflag:$0x4], $0x80, s29, s18, $0xb8;
	[tilespmem:$0x1C800] =	vst v63  }
0x53: {  	_ =	swait.ge [sflag:s23], $0x4000  }
0x54: {  	[sflag:s23] =	ssyncset.done $0x0  }
0x55: {  	[sflag:s23] =	ssyncadd.s32 $0xFFFFC000  }
0x56: {  	[tilespmem:s19], [sflag:$0x1] =	stream.indirect.gather [hbm4b:s4+s18], $0x80, s30, s18, $0xb8;
	[tilespmem:$0x1C800] =	vst v63  }
0x57: {  	_ =	swait.ge [sflag:s25], $0x4000  }
0x58: {  	[sflag:s25] =	ssyncset.done $0x0  }
0x59: {  	[sflag:s25] =	ssyncadd.s32 $0xFFFFC000  }
0x5a: {  	[tilespmem:s20], [sflag:$0x2] =	stream.indirect.gather [hbm4b:s4+s18], $0x80, s31, s18, $0xb8;
	[tilespmem:$0x1C800] =	vst v63  }
0x5b: {  	_ =	swait.ge [sflag:s21], $0x4000  }
0x5c: {  	[sflag:s21] =	ssyncset.done $0x0  }
0x5d: {  	[sflag:s21] =	ssyncadd.s32 $0xFFFFC000  }
0x5e: {  	[spmem:s1] =	stream.indirect.scatter.add.f32 [tilespmem:s19], [sflag:$0x3], $0x80, s0, s18, $0xb8;
	[tilespmem:$0x1C800] =	vst v63  }
0x5f: {  	_ =	swait.ge [sflag:s22], $0x4000  }
0x60: {  	[sflag:s22] =	ssyncset.done $0x0  }
0x61: {  	[sflag:s22] =	ssyncadd.s32 $0xFFFFC000  }
0x62: {  	[spmem:s1] =	stream.indirect.scatter.add.f32 [tilespmem:s20], [sflag:$0x4], $0x80, s3, s18, $0xb8;
	[tilespmem:$0x1C800] =	vst v63  }
0x63: {  	_ =	swait.ge [sflag:s23], $0x4000  }
0x64: {  	[sflag:s23] =	ssyncset.done $0x0  }
0x65: {  	[sflag:s23] =	ssyncadd.s32 $0xFFFFC000  }
0x66: {  	[tilespmem:s19], [sflag:$0x1] =	stream.indirect.gather [hbm4b:s4+s18], $0x80, s6, s18, $0xb8;
	[tilespmem:$0x1C800] =	vst v63  }
0x67: {  	_ =	swait.ge [sflag:s25], $0x4000  }
0x68: {  	[sflag:s25] =	ssyncset.done $0x0  }
0x69: {  	[sflag:s25] =	ssyncadd.s32 $0xFFFFC000  }
0x6a: {  	[tilespmem:s20], [sflag:$0x2] =	stream.indirect.gather [hbm4b:s4+s18], $0x80, s7, s18, $0xb8;
	[tilespmem:$0x1C800] =	vst v63  }
0x6b: {  	_ =	swait.ge [sflag:s21], $0x4000  }
0x6c: {  	[sflag:s21] =	ssyncset.done $0x0  }
0x6d: {  	[sflag:s21] =	ssyncadd.s32 $0xFFFFC000  }
0x6e: {  	[spmem:s1] =	stream.indirect.scatter.add.f32 [tilespmem:s19], [sflag:$0x3], $0x80, s9, s18, $0xb8;
	[tilespmem:$0x1C800] =	vst v63  }
0x6f: {  	_ =	swait.ge [sflag:s22], $0x4000  }
0x70: {  	[sflag:s22] =	ssyncset.done $0x0  }
0x71: {  	p1 =	sne.s32 s8, $0x1;
	[sflag:s22] =	ssyncadd.s32 $0xFFFFC000  }
0x72: {  	[spmem:s1] =	stream.indirect.scatter.add.f32 [tilespmem:s20], [sflag:$0x4], $0x80, s10, s18, $0xb8;
	[tilespmem:$0x1C800] =	vst v63  }
.Ltmp0:
0x73: {  	_ =	swait.ge [sflag:s23], $0x4000;
	(pc) =	sbr.rel @!p1 .LBB2_3-.Ltmp0, $4  }
0x74: {  	[sflag:s23] =	ssyncset.done $0x0  }
0x75: {  	[sflag:s23] =	ssyncadd.s32 $0xFFFFC000  }
0x76: {  	_ =	swait.ge [sflag:s25], $0x4000  }
0x77: {  	s12 =	sadd.s32 $0xFFFFFFFF, s8;
	s11 =	smov.u32 s13;
	[sflag:s25] =	ssyncset.done $0x0  }
.LBB2_2:
0x78: {  	s11 =	sadd.s32 $0x80, s11  }
0x79: {  	s14 =	rddreg [dreg:$0x3];
	s15 =	sand.u32 $0x1FFFFF80, s11  }
0x7a: {  	[sflag:s25] =	ssyncadd.s32 $0xFFFFC000;
	s14 =	sadd.s32 s14, s15  }
0x7b: {  	[tilespmem:s2], [sflag:$0x5] =	stream.linear.gather [hbm4b:s14+s2], $0x400, $0x38;
	[tilespmem:$0x1C800] =	vst v63  }
0x7c: {  	_ =	swait.ge [sflag:s16], $0x400  }
0x7d: {  	s14 =	rddreg [dreg:$0x4];
	[sflag:s16] =	ssyncset.done $0x0  }
0x7e: {  	[sflag:s16] =	ssyncadd.s32 $0xFFFFFC00;
	s14 =	sadd.s32 s14, s15  }
0x7f: {  	[tilespmem:s17], [sflag:$0x5] =	stream.linear.gather [hbm4b:s14+s2], $0x400, $0x38;
	[tilespmem:$0x1C800] =	vst v63  }
0x80: {  	_ =	swait.ge [sflag:s16], $0x400  }
0x81: {  	[sflag:s16] =	ssyncset.done $0x0  }
0x82: {  	[sflag:s16] =	ssyncadd.s32 $0xFFFFFC00  }
0x83: {  	[tilespmem:s19], [sflag:$0x1] =	stream.indirect.gather [hbm4b:s4+s18], $0x80, s2, s18, $0xb8;
	[tilespmem:$0x1C800] =	vst v63  }
0x84: {  	_ = 	snop  }
0x85: {  	[tilespmem:s20], [sflag:$0x2] =	stream.indirect.gather [hbm4b:s4+s18], $0x80, s18, s18, $0xb8;
	[tilespmem:$0x1C800] =	vst v63  }
0x86: {  	_ =	swait.ge [sflag:s21], $0x4000  }
0x87: {  	[sflag:s21] =	ssyncset.done $0x0  }
0x88: {  	[sflag:s21] =	ssyncadd.s32 $0xFFFFC000  }
0x89: {  	[spmem:s1] =	stream.indirect.scatter.add.f32 [tilespmem:s19], [sflag:$0x3], $0x80, s17, s18, $0xb8;
	[tilespmem:$0x1C800] =	vst v63  }
0x8a: {  	_ =	swait.ge [sflag:s22], $0x4000  }
0x8b: {  	[sflag:s22] =	ssyncset.done $0x0  }
0x8c: {  	s15 =	rddreg [dreg:$0x5];
	[sflag:s22] =	ssyncadd.s32 $0xFFFFC000  }
0x8d: {  	[spmem:s1] =	stream.indirect.scatter.add.f32 [tilespmem:s20], [sflag:$0x4], $0x80, s15, s18, $0xb8;
	[tilespmem:$0x1C800] =	vst v63  }
0x8e: {  	_ =	swait.ge [sflag:s23], $0x4000  }
0x8f: {  	[sflag:s23] =	ssyncset.done $0x0  }
0x90: {  	[sflag:s23] =	ssyncadd.s32 $0xFFFFC000  }
0x91: {  	[tilespmem:s19], [sflag:$0x1] =	stream.indirect.gather [hbm4b:s4+s18], $0x80, s24, s18, $0xb8;
	[tilespmem:$0x1C800] =	vst v63  }
0x92: {  	_ =	swait.ge [sflag:s25], $0x4000  }
0x93: {  	[sflag:s25] =	ssyncset.done $0x0  }
0x94: {  	[sflag:s25] =	ssyncadd.s32 $0xFFFFC000  }
0x95: {  	[tilespmem:s20], [sflag:$0x2] =	stream.indirect.gather [hbm4b:s4+s18], $0x80, s26, s18, $0xb8;
	[tilespmem:$0x1C800] =	vst v63  }
0x96: {  	_ =	swait.ge [sflag:s21], $0x4000  }
0x97: {  	[sflag:s21] =	ssyncset.done $0x0  }
0x98: {  	[sflag:s21] =	ssyncadd.s32 $0xFFFFC000  }
0x99: {  	[spmem:s1] =	stream.indirect.scatter.add.f32 [tilespmem:s19], [sflag:$0x3], $0x80, s28, s18, $0xb8;
	[tilespmem:$0x1C800] =	vst v63  }
0x9a: {  	_ =	swait.ge [sflag:s22], $0x4000  }
0x9b: {  	[sflag:s22] =	ssyncset.done $0x0  }
0x9c: {  	[sflag:s22] =	ssyncadd.s32 $0xFFFFC000  }
0x9d: {  	[spmem:s1] =	stream.indirect.scatter.add.f32 [tilespmem:s20], [sflag:$0x4], $0x80, s29, s18, $0xb8;
	[tilespmem:$0x1C800] =	vst v63  }
0x9e: {  	_ =	swait.ge [sflag:s23], $0x4000  }
0x9f: {  	[sflag:s23] =	ssyncset.done $0x0  }
0xa0: {  	[sflag:s23] =	ssyncadd.s32 $0xFFFFC000  }
0xa1: {  	[tilespmem:s19], [sflag:$0x1] =	stream.indirect.gather [hbm4b:s4+s18], $0x80, s30, s18, $0xb8;
	[tilespmem:$0x1C800] =	vst v63  }
0xa2: {  	_ =	swait.ge [sflag:s25], $0x4000  }
0xa3: {  	[sflag:s25] =	ssyncset.done $0x0  }
0xa4: {  	[sflag:s25] =	ssyncadd.s32 $0xFFFFC000  }
0xa5: {  	[tilespmem:s20], [sflag:$0x2] =	stream.indirect.gather [hbm4b:s4+s18], $0x80, s31, s18, $0xb8;
	[tilespmem:$0x1C800] =	vst v63  }
0xa6: {  	_ =	swait.ge [sflag:s21], $0x4000  }
0xa7: {  	[sflag:s21] =	ssyncset.done $0x0  }
0xa8: {  	[sflag:s21] =	ssyncadd.s32 $0xFFFFC000  }
0xa9: {  	[spmem:s1] =	stream.indirect.scatter.add.f32 [tilespmem:s19], [sflag:$0x3], $0x80, s0, s18, $0xb8;
	[tilespmem:$0x1C800] =	vst v63  }
0xaa: {  	_ =	swait.ge [sflag:s22], $0x4000  }
0xab: {  	[sflag:s22] =	ssyncset.done $0x0  }
0xac: {  	[sflag:s22] =	ssyncadd.s32 $0xFFFFC000  }
0xad: {  	[spmem:s1] =	stream.indirect.scatter.add.f32 [tilespmem:s20], [sflag:$0x4], $0x80, s3, s18, $0xb8;
	[tilespmem:$0x1C800] =	vst v63  }
0xae: {  	_ =	swait.ge [sflag:s23], $0x4000  }
0xaf: {  	[sflag:s23] =	ssyncset.done $0x0  }
0xb0: {  	[sflag:s23] =	ssyncadd.s32 $0xFFFFC000  }
0xb1: {  	[tilespmem:s19], [sflag:$0x1] =	stream.indirect.gather [hbm4b:s4+s18], $0x80, s6, s18, $0xb8;
	[tilespmem:$0x1C800] =	vst v63  }
0xb2: {  	_ =	swait.ge [sflag:s25], $0x4000  }
0xb3: {  	[sflag:s25] =	ssyncset.done $0x0  }
0xb4: {  	[sflag:s25] =	ssyncadd.s32 $0xFFFFC000  }
0xb5: {  	[tilespmem:s20], [sflag:$0x2] =	stream.indirect.gather [hbm4b:s4+s18], $0x80, s7, s18, $0xb8;
	[tilespmem:$0x1C800] =	vst v63  }
0xb6: {  	_ =	swait.ge [sflag:s21], $0x4000  }
0xb7: {  	[sflag:s21] =	ssyncset.done $0x0  }
0xb8: {  	[sflag:s21] =	ssyncadd.s32 $0xFFFFC000  }
0xb9: {  	[spmem:s1] =	stream.indirect.scatter.add.f32 [tilespmem:s19], [sflag:$0x3], $0x80, s9, s18, $0xb8;
	[tilespmem:$0x1C800] =	vst v63  }
0xba: {  	_ =	swait.ge [sflag:s22], $0x4000  }
0xbb: {  	[sflag:s22] =	ssyncset.done $0x0  }
0xbc: {  	p1 =	sne.s32 s12, $0x1;
	[sflag:s22] =	ssyncadd.s32 $0xFFFFC000  }
0xbd: {  	[spmem:s1] =	stream.indirect.scatter.add.f32 [tilespmem:s20], [sflag:$0x4], $0x80, s10, s18, $0xb8;
	[tilespmem:$0x1C800] =	vst v63  }
.Ltmp1:
0xbe: {  	_ =	swait.ge [sflag:s23], $0x4000;
	(pc) =	sbr.rel @p1 .LBB2_2-.Ltmp1, $4  }
0xbf: {  	[sflag:s23] =	ssyncset.done $0x0  }
0xc0: {  	[sflag:s23] =	ssyncadd.s32 $0xFFFFC000  }
0xc1: {  	_ =	swait.ge [sflag:s25], $0x4000  }
0xc2: {  	s12 =	sadd.s32 $0xFFFFFFFF, s12;
	[sflag:s25] =	ssyncset.done $0x0  }
.LBB2_3:
0xc3: {  	[sflag:s25] =	ssyncadd.s32 $0xFFFFC000  }
0xc4: {  	s11 =	stileid.u32;
	[bflag:$0x0] =	sbarrier.arrive $0xFFFF  }
0xc5: {  	s11 =	sshll.u32 s11, $0x6;
	s12 =	rddreg [dreg:$0x6]  }
0xc6: {  	s11 =	sor.u32 $0x1C05, s11;
	s14 =	rddreg [dreg:$0x9];
	s12 =	sshrl.u32 s12, $0x3  }
0xc7: {  	[hbm:s14], [sflag:s11] =	dma.local [spmem:s12], $0x2800  }
0xc8: {  	_ =	swait.ge [sflag:s16], $0x2800  }
0xc9: {  	s5 =	sadd.s32 $0x1, s5;
	s15 =	rddreg [dreg:$0xa]  }
0xca: {  	p1 =	sne.s32 s5, s15  }
.Ltmp2:
0xcb: {  	_ = 	snop;
	(pc) =	sbr.rel @p1 .LBB2_1-.Ltmp2, $3  }
0xcc: {  	_ =	sdelay $0x1  }
0xcd: {  	[sflag:s16] =	ssyncset.done $0x0  }
0xce: {  	[sflag:s16] =	ssyncadd.s32 $0xFFFFD800  }
0xcf: {  	_ =	sfence.sel $0x180000  }
0xd0: {  	[bflag:$0x0] =	sbarrier.arrive $0xFFFF  }
0xd1: {  	_ =	strace $0x9000004D  }
0xd2: {  	s0 =	stileid.u32;
	[bflag:$0x2] =	sbarrier.arrive $0xFFFF  }
0xd3: {  	p0 =	sne.s32 s0, $0x0;
	s0 =	rddreg [dreg:$0x2]  }
0xd4: {  	s0 =	sadd.s32 @!p0 $0x100000, s0  }
0xd5: {  	[sflag:s0] =	ssyncadd.tile.s32 @!p0 $0x1;
	_ =	shalt  }
.Lfunc_end2:
_tile_overlayer_lowered:
.L_overlay_start_2:
0xd6: {  	(tag) =	ssettag $0x2  }
0xd7: {  	s0 =	rddreg [dreg:$0x0];
	s2 =	stileid.u32  }
0xd8: {  	s1 =	rddreg [dreg:$0x1];
	p0 =	sne.s32 s2, $0x0  }
0xd9: {  	s3 =	rddreg [dreg:$0x2];
	[bflag:$0x3] =	sbarrier.arrive $0xFFFF;
	s2 =	simm.s32 @!p0 $0x1C05  }
0xda: {  	[timem:s3], [sflag:s2] =	dma.local @!p0 [hbm:s0], s1  }
0xdb: {  	s0 =	simm.s32 @!p0 $0x5  }
0xdc: {  	_ =	swait.ge @!p0 [sflag:s0], s1  }
0xdd: {  	s1 =	ssub.s32 @!p0 $0x0, s1;
	[sflag:s0] =	ssyncset.done @!p0 $0x0  }
0xde: {  	[sflag:s0] =	ssyncadd.s32 @!p0 s1  }
0xdf: {  	[bflag:$0x3] =	sbarrier.arrive $0xFFFF  }
0xe0: {  	_ =	shalt  }

// kernel: kernel.19.cloned.1.call-start
scs
__scs_entry_jumppad:
0x0: {  	(pc) =	sbr.rel $0x88, $3  }
0x1: {  	(tag) =	ssettag $0x0;
	lr =	simm.s32 $0x1  }
0x2: {  	[smem:$0x3F94] =	sst lr;
	_ =	strace $0xD0000000  }
0x3: {  	_ = 	snop  }
0x4: {  	_ = 	snop  }
0x5: {  	_ = 	snop  }
0x6: {  	_ = 	snop  }
0x7: {  	_ = 	snop  }
__scs_overlays_trampoline_lowered:
0x8: {  	[smem:$0x3FA3] =	sst s0  }
0x9: {  	[smem:$0x3FA4] =	sst s1  }
0xa: {  	[smem:$0x3FA5] =	sst s2  }
0xb: {  	[smem:$0x3FA6] =	sst s3  }
0xc: {  	[smem:$0x3FA7] =	sst s4  }
0xd: {  	[smem:$0x3FA8] =	sst s5  }
0xe: {  	[smem:$0x3FA9] =	sst s6  }
0xf: {  	[smem:$0x3FAA] =	sst s7  }
0x10: {  	[smem:$0x3FAB] =	sst s8  }
0x11: {  	[smem:$0x3FAC] =	sst s9;
	s0 =	simm.s32 @!p0 $0x0  }
0x12: {  	s1 =	sld [smem:$0x3F92];
	s0 =	simm.s32 @p0 $0x1  }
0x13: {  	[smem:$0x3FAD] =	sst s0;
	s0 =	simm.s32 @!p1 $0x0  }
0x14: {  	s2 =	sld [smem:$0x3F91];
	s0 =	simm.s32 @p1 $0x1  }
0x15: {  	[smem:$0x3FAE] =	sst s0;
	s0 =	simm.s32 @!p2 $0x0  }
0x16: {  	s3 =	sld [smem:$0x3FDB];
	s0 =	simm.s32 @p2 $0x1  }
0x17: {  	s4 =	simm.s32 $0x1BF5;
	[smem:$0x3FB0] =	sst s0  }
0x18: {  	s0 =	sld [smem:$0x3F93];
	_ =	swait.ge [sflag:s4], $0x0  }
0x19: {  	s7 =	sld [smem:$0x3F94]  }
0x1a: {  	s8 =	sadd.s32 $0xFFFFE003, lr  }
0x1b: {  	s9 =	sadd.s32 $0xFFFFFEF7, lr;
	s5 =	simm.s32 $0xFFFFFFFF;
	p2 =	slt.u32 s8, $0xFFFFF086  }
0x1c: {  	p1 =	slt.u32 s9, $0xF7A;
	s5 =	simm.s32 @!p2 $0x0  }
0x1d: {  	s5 =	simm.s32 @p1 $0x1;
	p0 =	seq.s32 s7, s2  }
0x1e: {  	s7 =	smul.u32 @!p0 $0xF7A, s2;
	p2 =	seq.s32 @!p0 s5, $0x0  }
0x1f: {  	s9 =	smul.u32 $0xF7A, s1;
	s8 =	simm.s32 @!p0 $0x1BF5;
	p2 =	por !p2, p0  }
0x20: {  	[sflag:s8] =	ssyncset.s32 @!p0 $0xFFFFF086;
	s6 =	sadd.s32 @!p0 s3, s7;
	s7 =	simm.s32 @!p0 $0x108  }
0x21: {  	s3 =	sadd.s32 s3, s9;
	s6 =	sadd.s32 @!p0 $0x88, s6;
	s7 =	simm.s32 @p2 $0x1082  }
0x22: {  	[simem:s7], [sflag:s8] =	dma.local @!p0 [hbm:s6], $0xF7A  }
0x23: {  	s9 =	sor.u32 $0xD0000000, s2;
	s6 =	simm.s32 $0x108;
	_ =	swait.ge @!p0 [sflag:s8], $0x0  }
0x24: {  	s3 =	sadd.s32 $0x88, s3;
	s6 =	simm.s32 @!p1 $0x1082;
	[sflag:s4] =	ssyncset.s32 $0xFFFFF086  }
0x25: {  	[simem:s6], [sflag:s4] =	dma.local [hbm:s3], $0xF7A  }
0x26: {  	[smem:$0x3F94] =	sst s1;
	(tag) =	ssettag s2;
	_ =	strace s9  }
0x27: {  	s1 =	sld [smem:$0x3FA4]  }
0x28: {  	s2 =	sld [smem:$0x3FA5]  }
0x29: {  	s4 =	sld [smem:$0x3FA7]  }
0x2a: {  	p0 =	seq.s32 s5, $0x0;
	s5 =	sld [smem:$0x3FA8]  }
0x2b: {  	s6 =	sld [smem:$0x3FA9]  }
0x2c: {  	s7 =	sld [smem:$0x3FAA]  }
0x2d: {  	s3 =	simm.s32 $0x108;
	s8 =	sld [smem:$0x3FAB]  }
0x2e: {  	s3 =	simm.s32 @!p0 $0x1082;
	s9 =	sld [smem:$0x3FAC]  }
0x2f: {  	lr =	sadd.s32 s0, s3;
	s0 =	sld [smem:$0x3FA3]  }
0x30: {  	s3 =	sld [smem:$0x3FA6]  }
0x31: {  	[smem:$0x3FAF] =	sst s10  }
0x32: {  	s10 =	sld [smem:$0x3FAD];
	_ =	sdelay $0x3  }
0x33: {  	p0 =	seq.s32 s10, $0x1;
	s10 =	sld [smem:$0x3FAF];
	_ =	sdelay $0x3  }
0x34: {  	[smem:$0x3FAF] =	sst s10  }
0x35: {  	s10 =	sld [smem:$0x3FAE];
	_ =	sdelay $0x3  }
0x36: {  	p1 =	seq.s32 s10, $0x1;
	s10 =	sld [smem:$0x3FAF];
	_ =	sdelay $0x3  }
0x37: {  	[smem:$0x3FAF] =	sst s10  }
0x38: {  	s10 =	sld [smem:$0x3FB0]  }
0x39: {  	_ = 	snop;
	(pc) =	sbr.ind lr, $3  }
0x3a: {  	_ = 	snop  }
0x3b: {  	_ = 	snop  }
0x3c: {  	p2 =	seq.s32 s10, $0x1;
	s10 =	sld [smem:$0x3FAF]  }
0x3d: {  	_ =	shalt  }
0x3e: {  	_ =	shalt  }
0x3f: {  	_ =	shalt  }
0x40: {  	_ =	shalt  }
0x41: {  	_ =	shalt  }
0x42: {  	_ =	shalt  }
0x43: {  	_ =	shalt  }
0x44: {  	_ =	shalt  }
0x45: {  	_ =	shalt  }
0x46: {  	_ =	shalt  }
0x47: {  	_ =	shalt  }
0x48: {  	_ =	shalt  }
0x49: {  	_ =	shalt  }
0x4a: {  	_ =	shalt  }
0x4b: {  	_ =	shalt  }
0x4c: {  	_ =	shalt  }
0x4d: {  	_ =	shalt  }
0x4e: {  	_ =	shalt  }
0x4f: {  	_ =	shalt  }
0x50: {  	_ =	shalt  }
0x51: {  	_ =	shalt  }
0x52: {  	_ =	shalt  }
0x53: {  	_ =	shalt  }
0x54: {  	_ =	shalt  }
0x55: {  	_ =	shalt  }
0x56: {  	_ =	shalt  }
0x57: {  	_ =	shalt  }
0x58: {  	_ =	shalt  }
0x59: {  	_ =	shalt  }
0x5a: {  	_ =	shalt  }
0x5b: {  	_ =	shalt  }
0x5c: {  	_ =	shalt  }
0x5d: {  	_ =	shalt  }
0x5e: {  	_ =	shalt  }
0x5f: {  	_ =	shalt  }
0x60: {  	_ =	shalt  }
0x61: {  	_ =	shalt  }
0x62: {  	_ =	shalt  }
0x63: {  	_ =	shalt  }
0x64: {  	_ =	shalt  }
0x65: {  	_ =	shalt  }
0x66: {  	_ =	shalt  }
0x67: {  	_ =	shalt  }
0x68: {  	_ =	shalt  }
0x69: {  	_ =	shalt  }
0x6a: {  	_ =	shalt  }
0x6b: {  	_ =	shalt  }
0x6c: {  	_ =	shalt  }
0x6d: {  	_ =	shalt  }
0x6e: {  	_ =	shalt  }
0x6f: {  	_ =	shalt  }
0x70: {  	_ =	shalt  }
0x71: {  	_ =	shalt  }
0x72: {  	_ =	shalt  }
0x73: {  	_ =	shalt  }
0x74: {  	_ =	shalt  }
0x75: {  	_ =	shalt  }
0x76: {  	_ =	shalt  }
0x77: {  	_ =	shalt  }
0x78: {  	_ =	shalt  }
0x79: {  	_ =	shalt  }
0x7a: {  	_ =	shalt  }
0x7b: {  	_ =	shalt  }
0x7c: {  	_ =	shalt  }
0x7d: {  	_ =	shalt  }
0x7e: {  	_ =	shalt  }
0x7f: {  	_ =	shalt  }
0x80: {  	_ =	shalt  }
0x81: {  	_ =	shalt  }
0x82: {  	_ =	shalt  }
0x83: {  	_ =	shalt  }
0x84: {  	_ =	shalt  }
0x85: {  	_ =	shalt  }
0x86: {  	_ =	shalt  }
0x87: {  	_ =	shalt  }
.Lfunc_end0:
.L_simem_size_0:
called_computation.3_lowered:
.L_overlay_start_0:
0x88: {  	s2 =	sld [smem:$0x3FD9]  }
0x89: {  	s3 =	sld [smem:$0x3FFE];
	_ =	sdelay $0x1  }
0x8a: {  	s1 =	srdreg.scid  }
0x8b: {  	s0 =	sand.u32 $0x1, s1  }
0x8c: {  	s16 =	sshll.u32 s0, $0xA;
	s2 =	sadd.s32 s3, s2  }
0x8d: {  	s2 =	sadd.s32 s2, s16  }
0x8e: {  	[smem:$0x3FBB] =	sst s2  }
0x8f: {  	_ = 	snop  }
0x90: {  	(tm) =	ssettm $0x1  }
0x91: {  	s17 =	sld [smem:$0x3FFB];
	_ =	sdelay $0x3  }
0x92: {  	_ =	strace s17  }
0x93: {  	s2 =	sld [smem:$0x3FFC];
	_ =	sdelay $0x3  }
0x94: {  	_ =	strace s2  }
0x95: {  	s2 =	sld [smem:$0x3FFD];
	_ =	sdelay $0x3  }
0x96: {  	_ =	strace s2  }
0x97: {  	_ =	strace $0x8FFFFFFF  }
0x98: {  	s18 =	sld [smem:$0x3FDB];
	_ =	sdelay $0x1  }
0x99: {  	s19 =	simm.s32 $_scs_section_size  }
0x9a: {  	s4 =	simm.s32 $_size__tile_overlayer_lowered;
	s5 =	simm.s32 $_tile_overlayer_lowered  }
0x9b: {  	s22 =	simm.s32 $0x1BFF;
	s21 =	sshll.u32 s5, $0x1;
	s2 =	sadd.s32 s19, s18  }
0x9c: {  	s6 =	simm.s32 $0x0;
	s20 =	sshll.u32 s4, $0x1;
	s4 =	sadd.s32 s21, s2  }
0x9d: {  	[timem:s6], [sflag:s22] =	dma.local [hbm:s4], s20  }
0x9e: {  	_ =	swait.ge [sflag:s22], s20  }
0x9f: {  	s3 =	ssub.s32 $0x0, s20;
	[sflag:s22] =	ssyncset.done $0x0  }
0xa0: {  	[sflag:s22] =	ssyncadd.s32 s3;
	_ =	sdelay $0x1  }
0xa1: {  	s23 =	simm.s32 $0x1B8B  }
0xa2: {  	_ =	swait.ge [sflag:s23], $0x1  }
0xa3: {  	[sflag:s23] =	ssyncset.done $0x0  }
0xa4: {  	s25 =	simm.s32 $0x1B8E;
	s24 =	sld [smem:$0x3FFE];
	[sflag:s23] =	ssyncadd.s32 $0xFFFFFFFF  }
0xa5: {  	s26 =	simm.s32 $execute0_lowered;
	[smem:$0x3FD2] =	sst s25  }
0xa6: {  	s4 =	sshll.u32 s26, $0x1;
	_ =	strace $0x8000004F;
	[dreg:$0x1] =	wrdreg $0xFFFFFFFF  }
0xa7: {  	s28 =	simm.s32 $_size_execute0_lowered;
	s2 =	sadd.s32 s2, s4;
	[dreg:$0x0] =	wrdreg $0x0  }
0xa8: {  	s4 =	sshll.u32 s28, $0x1;
	[dreg:$0x2] =	wrdreg s2  }
0xa9: {  	[dreg:$0x3] =	wrdreg s4  }
0xaa: {  	[dreg:$0x4] =	wrdreg $0xC0  }
0xab: {  	_ =	task [dreg:s6], $0x5FFFF  }
0xac: {  	[dreg:$0x1] =	wrdreg $0xFFFFFFFF  }
0xad: {  	[dreg:$0x0] =	wrdreg $0x60  }
0xae: {  	[dreg:$0x2] =	wrdreg s24  }
0xaf: {  	[dreg:$0x3] =	wrdreg $0x88000  }
0xb0: {  	[dreg:$0x4] =	wrdreg $0x9  }
0xb1: {  	_ =	task.clear_ibuf [dreg:s6], $0x5FFFF;
	_ =	strace $0x9000004F  }
0xb2: {  	s29 =	simm.s32 $0x9;
	_ =	strace $0x80000051  }
0xb3: {  	_ =	swait.ge [sflag:s29], $0x1  }
0xb4: {  	[sflag:s29] =	ssyncadd.s32 $0xFFFFFFFF  }
0xb5: {  	_ =	strace $0x90000051  }
0xb6: {  	_ =	sfence  }
0xb7: {  	s30 =	sld [smem:$0x0];
	_ =	sdelay $0x2  }
0xb8: {  	s31 =	sshll.u32 s1, $0xD;
	s1 =	sshrl.u32 s1, $0x2  }
0xb9: {  	s3 =	sand.u32 $0x4000, s31;
	s1 =	sadd.s32 s1, s30  }
0xba: {  	s0 =	sor.u32 s3, s0;
	s1 =	sshll.u32 s1, $0x11  }
0xbb: {  	s0 =	sor.u32 s1, s0  }
0xbc: {  	s0 =	sadd.s32 $0x8F2B, s0  }
0xbd: {  	[sflag:s0] =	ssyncadd.remote.s32 $0x1  }
0xbe: {  	_ =	sfence.sel $0xFFFF  }
0xbf: {  	[dreg:$0x0] =	wrdreg $0xFFFFFFFF;
	(pc) =	sbr.abs _section_cstart, $3  }
0xc0: {  	[dreg:$0x1] =	wrdreg $0xFFFFFFFF  }
0xc1: {  	_ =	task.clear_ibuf [dreg:s6], $0x2FFFF;
	_ =	strace $0x9FFFFFFF  }
0xc2: {  	(tm) =	ssettm $0x7FFFFFFF  }
0xc3: {  	_ =	shalt  }
tec
execute0_lowered:
.L_overlay_start_1:
0x0: {  	(tag) =	ssettag $0x1  }
0x1: {  	s0 =	rddreg [dreg:$0x0]  }
0x2: {  	s1 =	rddreg [dreg:$0x1]  }
0x3: {  	s2 =	simm.s32 $0x0;
	s3 =	srdreg.scid;
	s12 =	stileid.u32  }
0x4: {  	s16 =	simm.s32 $0x5;
	s17 =	simm.s32 $0x400;
	s18 =	simm.s32 $0x80  }
0x5: {  	s19 =	simm.s32 $0x800;
	s20 =	simm.s32 $0x4800;
	s26 =	simm.s32 $0x480  }
0x6: {  	s21 =	simm.s32 $0x1;
	s28 =	simm.s32 $0x500;
	s29 =	simm.s32 $0x580  }
0x7: {  	s30 =	simm.s32 $0x200;
	s31 =	simm.s32 $0x280;
	s22 =	smul.u32 $0x14000, s12  }
0x8: {  	[smem:$0x7FF] =	sst s2;
	s3 =	sand.u32 $0x1, s3;
	s24 =	smul.u32 $0x50000, s12  }
0x9: {  	s6 =	sadd.s32 $0x5A00, s0;
	s4 =	sadd.s32 $0x19A00, s0;
	s11 =	smul.u32 $0x2800, s12  }
0xa: {  	s8 =	sadd.s32 $0xFA00, s0;
	p0 =	seq.s32 s12, $0xF;
	s5 =	smul.u32 $0x140000, s3  }
0xb: {  	_ =	strace $0x80000050;
	s7 =	smul.u32 $0xFFFFFF70, s3;
	[dreg:$0x3] =	wrdreg s6  }
0xc: {  	s9 =	smul.u32 $0x980, s3;
	[dreg:$0x4] =	wrdreg s8;
	s3 =	ssub.s32 $0x2, s3  }
0xd: {  	[dreg:$0x5] =	wrdreg s26;
	s26 =	simm.s32 $0x180;
	s10 =	sshrl.u32 s3, $0x1  }
0xe: {  	s8 =	sshrl.u32 s24, $0x2;
	s25 =	sadd.s32 s4, s11;
	s24 =	simm.s32 $0x100  }
0xf: {  	s7 =	sadd.s32 $0x98, s7;
	s5 =	sadd.s32 s22, s5;
	s3 =	ssub.s32 s3, s10  }
0x10: {  	s10 =	sadd.s32 s8, s1;
	[dreg:$0x7] =	wrdreg s25;
	s22 =	simm.s32 $0x2  }
0x11: {  	s25 =	simm.s32 $0x4;
	s23 =	smul.u32 s12, s7;
	s5 =	sshrl.u32 s5, $0x3  }
0x12: {  	s8 =	sshrl.u32 s7, $0x3;
	s3 =	smax.u32 s3, $0x1;
	[dreg:$0x6] =	wrdreg s10  }
0x13: {  	s7 =	simm.s32 $0x380;
	s5 =	sadd.s32 s5, s0;
	s0 =	sadd.s32 $0x3F200, s0  }
0x14: {  	[dreg:$0xa] =	wrdreg s3;
	s6 =	sadd.s32 s9, s23;
	s9 =	sadd.s32 $0x12C000, s1  }
0x15: {  	[dreg:$0x8] =	wrdreg s0;
	s0 =	sadd.s32 $0x138800, s1;
	s5 =	sadd.s32 $0x67E00, s5  }
0x16: {  	s23 =	simm.s32 $0x3;
	[dreg:$0x9] =	wrdreg s5;
	s13 =	sshll.u32 s6, $0x4  }
0x17: {  	s3 =	sshrl.u32 @p0 s9, $0x3;
	s0 =	sshrl.u32 @p0 s0, $0x3;
	s6 =	simm.s32 $0x300  }
0x18: {  	s9 =	simm.s32 $0x700;
	[dreg:$0xb] =	wrdreg s3;
	s3 =	sshll.u32 @!p0 s12, $0x6  }
0x19: {  	s5 =	simm.s32 $0x0;
	[dreg:$0xc] =	wrdreg s0;
	s0 =	sor.u32 @!p0 $0x1C05, s3  }
0x1a: {  	s3 =	simm.s32 $0x680;
	[dreg:$0xd] =	wrdreg s0;
	s0 =	sshrl.u32 @!p0 s10, $0x3  }
0x1b: {  	s10 =	simm.s32 $0x780;
	[dreg:$0xe] =	wrdreg s0;
	s0 =	simm.s32 $0x600  }
.LBB2_1:
0x1c: {  	s12 =	rddreg [dreg:$0x8]  }
0x1d: {  	s11 =	simm.s32 @p0 $0x1FC5;
	s14 =	rddreg [dreg:$0xb]  }
0x1e: {  	[spmem:s14], [sflag:s11] =	dma.local @p0 [hbm:s12], $0x1900  }
0x1f: {  	s12 =	simm.s32 @p0 $0x5  }
0x20: {  	_ =	swait.ge @p0 [sflag:s12], $0x1900  }
0x21: {  	[sflag:s12] =	ssyncset.done @p0 $0x0  }
0x22: {  	s14 =	rddreg [dreg:$0xc];
	[sflag:s12] =	ssyncadd.s32 @p0 $0xFFFFE700  }
0x23: {  	[spmem:s14], [sflag:s11] =	dma.local @p0 [hbm:s4], $0xF00  }
0x24: {  	_ =	swait.ge @p0 [sflag:s12], $0xF00  }
0x25: {  	s11 =	rddreg [dreg:$0x7]  }
0x26: {  	[sflag:s12] =	ssyncset.done @p0 $0x0;
	s14 =	rddreg [dreg:$0xe]  }
0x27: {  	[sflag:s12] =	ssyncadd.s32 @p0 $0xFFFFF100;
	s12 =	rddreg [dreg:$0xd]  }
0x28: {  	[spmem:s14], [sflag:s12] =	dma.local @!p0 [hbm:s11], $0x2800  }
0x29: {  	s11 =	simm.s32 @!p0 $0x5  }
0x2a: {  	_ =	swait.ge @!p0 [sflag:s11], $0x2800  }
0x2b: {  	[sflag:s11] =	ssyncset.done @!p0 $0x0  }
0x2c: {  	[sflag:s11] =	ssyncadd.s32 @!p0 $0xFFFFD800  }
0x2d: {  	[bflag:$0x0] =	sbarrier.arrive $0xFFFF  }
0x2e: {  	s15 =	sand.u32 $0x1FFFFF80, s13;
	s14 =	rddreg [dreg:$0x3]  }
0x2f: {  	s11 =	sadd.s32 s14, s15  }
0x30: {  	[tilespmem:s2], [sflag:$0x5] =	stream.linear.gather [hbm4b:s11+s2], $0x400, $0x38;
	[tilespmem:$0x1C800] =	vst v63  }
0x31: {  	_ =	swait.ge [sflag:s16], $0x400  }
0x32: {  	s14 =	rddreg [dreg:$0x4];
	[sflag:s16] =	ssyncset.done $0x0  }
0x33: {  	[sflag:s16] =	ssyncadd.s32 $0xFFFFFC00;
	s11 =	sadd.s32 s14, s15  }
0x34: {  	[tilespmem:s17], [sflag:$0x5] =	stream.linear.gather [hbm4b:s11+s2], $0x400, $0x38;
	[tilespmem:$0x1C800] =	vst v63  }
0x35: {  	_ =	swait.ge [sflag:s16], $0x400  }
0x36: {  	[sflag:s16] =	ssyncset.done $0x0  }
0x37: {  	[sflag:s16] =	ssyncadd.s32 $0xFFFFFC00  }
0x38: {  	[tilespmem:s19], [sflag:$0x1] =	stream.indirect.gather [hbm4b:s4+s18], $0x80, s2, s18, $0xb8;
	[tilespmem:$0x1C800] =	vst v63  }
0x39: {  	_ = 	snop  }
0x3a: {  	[tilespmem:s20], [sflag:$0x2] =	stream.indirect.gather [hbm4b:s4+s18], $0x80, s18, s18, $0xb8;
	[tilespmem:$0x1C800] =	vst v63  }
0x3b: {  	_ =	swait.ge [sflag:s21], $0x4000  }
0x3c: {  	[sflag:s21] =	ssyncset.done $0x0  }
0x3d: {  	[sflag:s21] =	ssyncadd.s32 $0xFFFFC000  }
0x3e: {  	[spmem:s1] =	stream.indirect.scatter.add.f32 [tilespmem:s19], [sflag:$0x3], $0x80, s17, s18, $0xb8;
	[tilespmem:$0x1C800] =	vst v63  }
0x3f: {  	_ =	swait.ge [sflag:s22], $0x4000  }
0x40: {  	[sflag:s22] =	ssyncset.done $0x0  }
0x41: {  	s15 =	rddreg [dreg:$0x5];
	[sflag:s22] =	ssyncadd.s32 $0xFFFFC000  }
0x42: {  	[spmem:s1] =	stream.indirect.scatter.add.f32 [tilespmem:s20], [sflag:$0x4], $0x80, s15, s18, $0xb8;
	[tilespmem:$0x1C800] =	vst v63  }
0x43: {  	_ =	swait.ge [sflag:s23], $0x4000  }
0x44: {  	[sflag:s23] =	ssyncset.done $0x0  }
0x45: {  	[sflag:s23] =	ssyncadd.s32 $0xFFFFC000  }
0x46: {  	[tilespmem:s19], [sflag:$0x1] =	stream.indirect.gather [hbm4b:s4+s18], $0x80, s24, s18, $0xb8;
	[tilespmem:$0x1C800] =	vst v63  }
0x47: {  	_ =	swait.ge [sflag:s25], $0x4000  }
0x48: {  	[sflag:s25] =	ssyncset.done $0x0  }
0x49: {  	[sflag:s25] =	ssyncadd.s32 $0xFFFFC000  }
0x4a: {  	[tilespmem:s20], [sflag:$0x2] =	stream.indirect.gather [hbm4b:s4+s18], $0x80, s26, s18, $0xb8;
	[tilespmem:$0x1C800] =	vst v63  }
0x4b: {  	_ =	swait.ge [sflag:s21], $0x4000  }
0x4c: {  	[sflag:s21] =	ssyncset.done $0x0  }
0x4d: {  	[sflag:s21] =	ssyncadd.s32 $0xFFFFC000  }
0x4e: {  	[spmem:s1] =	stream.indirect.scatter.add.f32 [tilespmem:s19], [sflag:$0x3], $0x80, s28, s18, $0xb8;
	[tilespmem:$0x1C800] =	vst v63  }
0x4f: {  	_ =	swait.ge [sflag:s22], $0x4000  }
0x50: {  	[sflag:s22] =	ssyncset.done $0x0  }
0x51: {  	[sflag:s22] =	ssyncadd.s32 $0xFFFFC000  }
0x52: {  	[spmem:s1] =	stream.indirect.scatter.add.f32 [tilespmem:s20], [sflag:$0x4], $0x80, s29, s18, $0xb8;
	[tilespmem:$0x1C800] =	vst v63  }
0x53: {  	_ =	swait.ge [sflag:s23], $0x4000  }
0x54: {  	[sflag:s23] =	ssyncset.done $0x0  }
0x55: {  	[sflag:s23] =	ssyncadd.s32 $0xFFFFC000  }
0x56: {  	[tilespmem:s19], [sflag:$0x1] =	stream.indirect.gather [hbm4b:s4+s18], $0x80, s30, s18, $0xb8;
	[tilespmem:$0x1C800] =	vst v63  }
0x57: {  	_ =	swait.ge [sflag:s25], $0x4000  }
0x58: {  	[sflag:s25] =	ssyncset.done $0x0  }
0x59: {  	[sflag:s25] =	ssyncadd.s32 $0xFFFFC000  }
0x5a: {  	[tilespmem:s20], [sflag:$0x2] =	stream.indirect.gather [hbm4b:s4+s18], $0x80, s31, s18, $0xb8;
	[tilespmem:$0x1C800] =	vst v63  }
0x5b: {  	_ =	swait.ge [sflag:s21], $0x4000  }
0x5c: {  	[sflag:s21] =	ssyncset.done $0x0  }
0x5d: {  	[sflag:s21] =	ssyncadd.s32 $0xFFFFC000  }
0x5e: {  	[spmem:s1] =	stream.indirect.scatter.add.f32 [tilespmem:s19], [sflag:$0x3], $0x80, s0, s18, $0xb8;
	[tilespmem:$0x1C800] =	vst v63  }
0x5f: {  	_ =	swait.ge [sflag:s22], $0x4000  }
0x60: {  	[sflag:s22] =	ssyncset.done $0x0  }
0x61: {  	[sflag:s22] =	ssyncadd.s32 $0xFFFFC000  }
0x62: {  	[spmem:s1] =	stream.indirect.scatter.add.f32 [tilespmem:s20], [sflag:$0x4], $0x80, s3, s18, $0xb8;
	[tilespmem:$0x1C800] =	vst v63  }
0x63: {  	_ =	swait.ge [sflag:s23], $0x4000  }
0x64: {  	[sflag:s23] =	ssyncset.done $0x0  }
0x65: {  	[sflag:s23] =	ssyncadd.s32 $0xFFFFC000  }
0x66: {  	[tilespmem:s19], [sflag:$0x1] =	stream.indirect.gather [hbm4b:s4+s18], $0x80, s6, s18, $0xb8;
	[tilespmem:$0x1C800] =	vst v63  }
0x67: {  	_ =	swait.ge [sflag:s25], $0x4000  }
0x68: {  	[sflag:s25] =	ssyncset.done $0x0  }
0x69: {  	[sflag:s25] =	ssyncadd.s32 $0xFFFFC000  }
0x6a: {  	[tilespmem:s20], [sflag:$0x2] =	stream.indirect.gather [hbm4b:s4+s18], $0x80, s7, s18, $0xb8;
	[tilespmem:$0x1C800] =	vst v63  }
0x6b: {  	_ =	swait.ge [sflag:s21], $0x4000  }
0x6c: {  	[sflag:s21] =	ssyncset.done $0x0  }
0x6d: {  	[sflag:s21] =	ssyncadd.s32 $0xFFFFC000  }
0x6e: {  	[spmem:s1] =	stream.indirect.scatter.add.f32 [tilespmem:s19], [sflag:$0x3], $0x80, s9, s18, $0xb8;
	[tilespmem:$0x1C800] =	vst v63  }
0x6f: {  	_ =	swait.ge [sflag:s22], $0x4000  }
0x70: {  	[sflag:s22] =	ssyncset.done $0x0  }
0x71: {  	p1 =	sne.s32 s8, $0x1;
	[sflag:s22] =	ssyncadd.s32 $0xFFFFC000  }
0x72: {  	[spmem:s1] =	stream.indirect.scatter.add.f32 [tilespmem:s20], [sflag:$0x4], $0x80, s10, s18, $0xb8;
	[tilespmem:$0x1C800] =	vst v63  }
.Ltmp0:
0x73: {  	_ =	swait.ge [sflag:s23], $0x4000;
	(pc) =	sbr.rel @!p1 .LBB2_3-.Ltmp0, $4  }
0x74: {  	[sflag:s23] =	ssyncset.done $0x0  }
0x75: {  	[sflag:s23] =	ssyncadd.s32 $0xFFFFC000  }
0x76: {  	_ =	swait.ge [sflag:s25], $0x4000  }
0x77: {  	s12 =	sadd.s32 $0xFFFFFFFF, s8;
	s11 =	smov.u32 s13;
	[sflag:s25] =	ssyncset.done $0x0  }
.LBB2_2:
0x78: {  	s11 =	sadd.s32 $0x80, s11  }
0x79: {  	s14 =	rddreg [dreg:$0x3];
	s15 =	sand.u32 $0x1FFFFF80, s11  }
0x7a: {  	[sflag:s25] =	ssyncadd.s32 $0xFFFFC000;
	s14 =	sadd.s32 s14, s15  }
0x7b: {  	[tilespmem:s2], [sflag:$0x5] =	stream.linear.gather [hbm4b:s14+s2], $0x400, $0x38;
	[tilespmem:$0x1C800] =	vst v63  }
0x7c: {  	_ =	swait.ge [sflag:s16], $0x400  }
0x7d: {  	s14 =	rddreg [dreg:$0x4];
	[sflag:s16] =	ssyncset.done $0x0  }
0x7e: {  	[sflag:s16] =	ssyncadd.s32 $0xFFFFFC00;
	s14 =	sadd.s32 s14, s15  }
0x7f: {  	[tilespmem:s17], [sflag:$0x5] =	stream.linear.gather [hbm4b:s14+s2], $0x400, $0x38;
	[tilespmem:$0x1C800] =	vst v63  }
0x80: {  	_ =	swait.ge [sflag:s16], $0x400  }
0x81: {  	[sflag:s16] =	ssyncset.done $0x0  }
0x82: {  	[sflag:s16] =	ssyncadd.s32 $0xFFFFFC00  }
0x83: {  	[tilespmem:s19], [sflag:$0x1] =	stream.indirect.gather [hbm4b:s4+s18], $0x80, s2, s18, $0xb8;
	[tilespmem:$0x1C800] =	vst v63  }
0x84: {  	_ = 	snop  }
0x85: {  	[tilespmem:s20], [sflag:$0x2] =	stream.indirect.gather [hbm4b:s4+s18], $0x80, s18, s18, $0xb8;
	[tilespmem:$0x1C800] =	vst v63  }
0x86: {  	_ =	swait.ge [sflag:s21], $0x4000  }
0x87: {  	[sflag:s21] =	ssyncset.done $0x0  }
0x88: {  	[sflag:s21] =	ssyncadd.s32 $0xFFFFC000  }
0x89: {  	[spmem:s1] =	stream.indirect.scatter.add.f32 [tilespmem:s19], [sflag:$0x3], $0x80, s17, s18, $0xb8;
	[tilespmem:$0x1C800] =	vst v63  }
0x8a: {  	_ =	swait.ge [sflag:s22], $0x4000  }
0x8b: {  	[sflag:s22] =	ssyncset.done $0x0  }
0x8c: {  	s15 =	rddreg [dreg:$0x5];
	[sflag:s22] =	ssyncadd.s32 $0xFFFFC000  }
0x8d: {  	[spmem:s1] =	stream.indirect.scatter.add.f32 [tilespmem:s20], [sflag:$0x4], $0x80, s15, s18, $0xb8;
	[tilespmem:$0x1C800] =	vst v63  }
0x8e: {  	_ =	swait.ge [sflag:s23], $0x4000  }
0x8f: {  	[sflag:s23] =	ssyncset.done $0x0  }
0x90: {  	[sflag:s23] =	ssyncadd.s32 $0xFFFFC000  }
0x91: {  	[tilespmem:s19], [sflag:$0x1] =	stream.indirect.gather [hbm4b:s4+s18], $0x80, s24, s18, $0xb8;
	[tilespmem:$0x1C800] =	vst v63  }
0x92: {  	_ =	swait.ge [sflag:s25], $0x4000  }
0x93: {  	[sflag:s25] =	ssyncset.done $0x0  }
0x94: {  	[sflag:s25] =	ssyncadd.s32 $0xFFFFC000  }
0x95: {  	[tilespmem:s20], [sflag:$0x2] =	stream.indirect.gather [hbm4b:s4+s18], $0x80, s26, s18, $0xb8;
	[tilespmem:$0x1C800] =	vst v63  }
0x96: {  	_ =	swait.ge [sflag:s21], $0x4000  }
0x97: {  	[sflag:s21] =	ssyncset.done $0x0  }
0x98: {  	[sflag:s21] =	ssyncadd.s32 $0xFFFFC000  }
0x99: {  	[spmem:s1] =	stream.indirect.scatter.add.f32 [tilespmem:s19], [sflag:$0x3], $0x80, s28, s18, $0xb8;
	[tilespmem:$0x1C800] =	vst v63  }
0x9a: {  	_ =	swait.ge [sflag:s22], $0x4000  }
0x9b: {  	[sflag:s22] =	ssyncset.done $0x0  }
0x9c: {  	[sflag:s22] =	ssyncadd.s32 $0xFFFFC000  }
0x9d: {  	[spmem:s1] =	stream.indirect.scatter.add.f32 [tilespmem:s20], [sflag:$0x4], $0x80, s29, s18, $0xb8;
	[tilespmem:$0x1C800] =	vst v63  }
0x9e: {  	_ =	swait.ge [sflag:s23], $0x4000  }
0x9f: {  	[sflag:s23] =	ssyncset.done $0x0  }
0xa0: {  	[sflag:s23] =	ssyncadd.s32 $0xFFFFC000  }
0xa1: {  	[tilespmem:s19], [sflag:$0x1] =	stream.indirect.gather [hbm4b:s4+s18], $0x80, s30, s18, $0xb8;
	[tilespmem:$0x1C800] =	vst v63  }
0xa2: {  	_ =	swait.ge [sflag:s25], $0x4000  }
0xa3: {  	[sflag:s25] =	ssyncset.done $0x0  }
0xa4: {  	[sflag:s25] =	ssyncadd.s32 $0xFFFFC000  }
0xa5: {  	[tilespmem:s20], [sflag:$0x2] =	stream.indirect.gather [hbm4b:s4+s18], $0x80, s31, s18, $0xb8;
	[tilespmem:$0x1C800] =	vst v63  }
0xa6: {  	_ =	swait.ge [sflag:s21], $0x4000  }
0xa7: {  	[sflag:s21] =	ssyncset.done $0x0  }
0xa8: {  	[sflag:s21] =	ssyncadd.s32 $0xFFFFC000  }
0xa9: {  	[spmem:s1] =	stream.indirect.scatter.add.f32 [tilespmem:s19], [sflag:$0x3], $0x80, s0, s18, $0xb8;
	[tilespmem:$0x1C800] =	vst v63  }
0xaa: {  	_ =	swait.ge [sflag:s22], $0x4000  }
0xab: {  	[sflag:s22] =	ssyncset.done $0x0  }
0xac: {  	[sflag:s22] =	ssyncadd.s32 $0xFFFFC000  }
0xad: {  	[spmem:s1] =	stream.indirect.scatter.add.f32 [tilespmem:s20], [sflag:$0x4], $0x80, s3, s18, $0xb8;
	[tilespmem:$0x1C800] =	vst v63  }
0xae: {  	_ =	swait.ge [sflag:s23], $0x4000  }
0xaf: {  	[sflag:s23] =	ssyncset.done $0x0  }
0xb0: {  	[sflag:s23] =	ssyncadd.s32 $0xFFFFC000  }
0xb1: {  	[tilespmem:s19], [sflag:$0x1] =	stream.indirect.gather [hbm4b:s4+s18], $0x80, s6, s18, $0xb8;
	[tilespmem:$0x1C800] =	vst v63  }
0xb2: {  	_ =	swait.ge [sflag:s25], $0x4000  }
0xb3: {  	[sflag:s25] =	ssyncset.done $0x0  }
0xb4: {  	[sflag:s25] =	ssyncadd.s32 $0xFFFFC000  }
0xb5: {  	[tilespmem:s20], [sflag:$0x2] =	stream.indirect.gather [hbm4b:s4+s18], $0x80, s7, s18, $0xb8;
	[tilespmem:$0x1C800] =	vst v63  }
0xb6: {  	_ =	swait.ge [sflag:s21], $0x4000  }
0xb7: {  	[sflag:s21] =	ssyncset.done $0x0  }
0xb8: {  	[sflag:s21] =	ssyncadd.s32 $0xFFFFC000  }
0xb9: {  	[spmem:s1] =	stream.indirect.scatter.add.f32 [tilespmem:s19], [sflag:$0x3], $0x80, s9, s18, $0xb8;
	[tilespmem:$0x1C800] =	vst v63  }
0xba: {  	_ =	swait.ge [sflag:s22], $0x4000  }
0xbb: {  	[sflag:s22] =	ssyncset.done $0x0  }
0xbc: {  	p1 =	sne.s32 s12, $0x1;
	[sflag:s22] =	ssyncadd.s32 $0xFFFFC000  }
0xbd: {  	[spmem:s1] =	stream.indirect.scatter.add.f32 [tilespmem:s20], [sflag:$0x4], $0x80, s10, s18, $0xb8;
	[tilespmem:$0x1C800] =	vst v63  }
.Ltmp1:
0xbe: {  	_ =	swait.ge [sflag:s23], $0x4000;
	(pc) =	sbr.rel @p1 .LBB2_2-.Ltmp1, $4  }
0xbf: {  	[sflag:s23] =	ssyncset.done $0x0  }
0xc0: {  	[sflag:s23] =	ssyncadd.s32 $0xFFFFC000  }
0xc1: {  	_ =	swait.ge [sflag:s25], $0x4000  }
0xc2: {  	s12 =	sadd.s32 $0xFFFFFFFF, s12;
	[sflag:s25] =	ssyncset.done $0x0  }
.LBB2_3:
0xc3: {  	[sflag:s25] =	ssyncadd.s32 $0xFFFFC000  }
0xc4: {  	s11 =	stileid.u32;
	[bflag:$0x0] =	sbarrier.arrive $0xFFFF  }
0xc5: {  	s11 =	sshll.u32 s11, $0x6;
	s12 =	rddreg [dreg:$0x6]  }
0xc6: {  	s11 =	sor.u32 $0x1C05, s11;
	s14 =	rddreg [dreg:$0x9];
	s12 =	sshrl.u32 s12, $0x3  }
0xc7: {  	[hbm:s14], [sflag:s11] =	dma.local [spmem:s12], $0x2800  }
0xc8: {  	_ =	swait.ge [sflag:s16], $0x2800  }
0xc9: {  	s5 =	sadd.s32 $0x1, s5;
	s15 =	rddreg [dreg:$0xa]  }
0xca: {  	p1 =	sne.s32 s5, s15  }
.Ltmp2:
0xcb: {  	_ = 	snop;
	(pc) =	sbr.rel @p1 .LBB2_1-.Ltmp2, $3  }
0xcc: {  	_ =	sdelay $0x1  }
0xcd: {  	[sflag:s16] =	ssyncset.done $0x0  }
0xce: {  	[sflag:s16] =	ssyncadd.s32 $0xFFFFD800  }
0xcf: {  	_ =	sfence.sel $0x180000  }
0xd0: {  	[bflag:$0x0] =	sbarrier.arrive $0xFFFF  }
0xd1: {  	_ =	strace $0x90000050  }
0xd2: {  	s0 =	stileid.u32;
	[bflag:$0x2] =	sbarrier.arrive $0xFFFF  }
0xd3: {  	p0 =	sne.s32 s0, $0x0;
	s0 =	rddreg [dreg:$0x2]  }
0xd4: {  	s0 =	sadd.s32 @!p0 $0x100000, s0  }
0xd5: {  	[sflag:s0] =	ssyncadd.tile.s32 @!p0 $0x1;
	_ =	shalt  }
.Lfunc_end2:
_tile_overlayer_lowered:
.L_overlay_start_2:
0xd6: {  	(tag) =	ssettag $0x2  }
0xd7: {  	s0 =	rddreg [dreg:$0x0];
	s2 =	stileid.u32  }
0xd8: {  	s1 =	rddreg [dreg:$0x1];
	p0 =	sne.s32 s2, $0x0  }
0xd9: {  	s3 =	rddreg [dreg:$0x2];
	[bflag:$0x3] =	sbarrier.arrive $0xFFFF;
	s2 =	simm.s32 @!p0 $0x1C05  }
0xda: {  	[timem:s3], [sflag:s2] =	dma.local @!p0 [hbm:s0], s1  }
0xdb: {  	s0 =	simm.s32 @!p0 $0x5  }
0xdc: {  	_ =	swait.ge @!p0 [sflag:s0], s1  }
0xdd: {  	s1 =	ssub.s32 @!p0 $0x0, s1;
	[sflag:s0] =	ssyncset.done @!p0 $0x0  }
0xde: {  	[sflag:s0] =	ssyncadd.s32 @!p0 s1  }
0xdf: {  	[bflag:$0x3] =	sbarrier.arrive $0xFFFF  }
0xe0: {  	_ =	shalt  }

</sc_bundles>
